<compile_context>
chip_gen: v7x
topology: tpu7x:2x2x1
jax: 0.10.2.dev20260603
libtpu: 0.0.44.dev20260713+nightly
codegen_flags: <defaults>
</compile_context>

<pallas_src>
import functools

import jax
import jax.numpy as jnp
import numpy as np
from jax import lax
from jax.experimental import pallas as pl
from jax.experimental.pallas import tpu as pltpu
from jax.experimental.pallas import tpu_sc as plsc

_D1, _D2, _D3 = 112, 224, 160
_C = 8
_R = _D1 * _D2 * _D3
_V = 150000

_NC, _NS = 2, 16
_NW = _NC * _NS
_BC = 480
_NCHUNK = 10
_T = _BC * _NCHUNK
_V_PAD = _NW * _T
_IDX_ROWS = _BC * 8 // 128
_P = _BC // 2

_SX = _D2 * _D3
_SY = _D3

_XMAX = np.float32(np.float32(_D1) - np.float32(1.0) - np.float32(1e-5))
_YMAX = np.float32(np.float32(_D2) - np.float32(1.0) - np.float32(1e-5))
_ZMAX = np.float32(np.float32(_D3) - np.float32(1.0) - np.float32(1e-5))
_EPS = np.float32(1e-5)

_mesh = plsc.VectorSubcoreMesh(core_axis_name="c", subcore_axis_name="s")


@functools.partial(
    pl.kernel,
    mesh=_mesh,
    out_type=jax.ShapeDtypeStruct((_V_PAD // 2, 16), jnp.float32),
    scratch_types=[
        pltpu.VMEM((_BC,), jnp.float32),
        pltpu.VMEM((_BC,), jnp.float32),
        pltpu.VMEM((_BC,), jnp.float32),
        pltpu.VMEM((_BC * 8,), jnp.int32),
        pltpu.VMEM((4, _BC), jnp.float32),
        pltpu.VMEM((_BC,), jnp.float32),
        pltpu.VMEM((_BC * 8, 8), jnp.float32),
        pltpu.VMEM((_P, 16), jnp.float32),
        pltpu.SemaphoreType.DMA,
    ],
    compiler_params=pltpu.CompilerParams(needs_layout_passes=False,
                                         use_tc_tiling_on_sc=False),
)
def _interp(table, xs, ys, zs, out, x_v, y_v, z_v, idx_v, w_v, uz_v, g_v,
            o_v, sem):
    wid = lax.axis_index("s") * _NC + lax.axis_index("c")

    iota = lax.iota(jnp.int32, 16)
    pat01 = iota >> 3
    patc = iota & 7
    kconst = [jnp.full((16,), k, jnp.int32) for k in range(4)]

    def chunk_body(c, carry):
        base = wid * _T + c * _BC
        pltpu.sync_copy(xs.at[pl.ds(base, _BC)], x_v)
        pltpu.sync_copy(ys.at[pl.ds(base, _BC)], y_v)
        pltpu.sync_copy(zs.at[pl.ds(base, _BC)], z_v)

        def idx_body(i, carry2):
            off16 = i * 16
            xv = x_v[pl.ds(off16, 16)]
            yv = y_v[pl.ds(off16, 16)]
            zv = z_v[pl.ds(off16, 16)]
            xc = jnp.minimum(jnp.maximum(xv, _EPS), _XMAX)
            yc = jnp.minimum(jnp.maximum(yv, _EPS), _YMAX)
            zc = jnp.minimum(jnp.maximum(zv, _EPS), _ZMAX)
            xi = xc.astype(jnp.int32)
            yi = yc.astype(jnp.int32)
            zi = zc.astype(jnp.int32)
            ux = xc - xi.astype(jnp.float32)
            uy = yc - yi.astype(jnp.float32)
            uz = zc - zi.astype(jnp.float32)
            rbase = xi * 35840 + yi * 16
            za = ((zi >> 4) * 3584 + (zi & 15)) + rbase
            z1 = zi + 1
            zb = ((z1 >> 4) * 3584 + (z1 & 15)) + rbase

            for k, (dx, dy) in enumerate(((0, 0), (0, 1), (1, 0), (1, 1))):
                roff = dx * 35840 + dy * 16
                for dz in (0, 1):
                    s = k * 2 + dz
                    idx_v[pl.ds(i * 128 + s * 16, 16)] = (zb if dz else za) + roff

            mx = np.float32(1.0) - ux
            my = np.float32(1.0) - uy
            w_v[0, pl.ds(off16, 16)] = mx * my
            w_v[1, pl.ds(off16, 16)] = mx * uy
            w_v[2, pl.ds(off16, 16)] = ux * my
            w_v[3, pl.ds(off16, 16)] = ux * uy
            uz_v[pl.ds(off16, 16)] = uz
            return carry2

        lax.fori_loop(0, _BC // 16, idx_body, 0)

        for j in range(_IDX_ROWS):
            pltpu.async_copy(table.at[idx_v.at[pl.ds(j * 128, 128)]],
                             g_v.at[pl.ds(j * 128, 128)], sem)
        for j in range(_IDX_ROWS):
            pltpu.make_async_copy(table.at[idx_v.at[pl.ds(j * 128, 128)]],
                                  g_v.at[pl.ds(j * 128, 128)], sem).wait()

        def pair_body(p, carry2):
            rowbase = ((p >> 3) << 7) + ((p & 7) << 1)
            col2p = 2 * p + pat01
            rows = [rowbase + k * 32 + pat01 for k in range(4)]
            avs = [plsc.load_gather(g_v, [rows[k], patc]) for k in range(4)]
            bvs = [plsc.load_gather(g_v, [rows[k] + 16, patc])
                   for k in range(4)]
            wvs = [plsc.load_gather(w_v, [kconst[k], col2p])
                   for k in range(4)]
            uzp = plsc.load_gather(uz_v, [col2p])
            acc_a = ((wvs[0] * avs[0] + wvs[1] * avs[1])
                     + (wvs[2] * avs[2] + wvs[3] * avs[3]))
            acc_b = ((wvs[0] * bvs[0] + wvs[1] * bvs[1])
                     + (wvs[2] * bvs[2] + wvs[3] * bvs[3]))
            o_v[p, :] = acc_a + uzp * (acc_b - acc_a)
            return carry2

        lax.fori_loop(0, _P, pair_body, 0)

        pltpu.sync_copy(o_v, out.at[pl.ds(wid * (_T // 2) + c * _P, _P)])
        return carry

    lax.fori_loop(0, _NCHUNK, chunk_body, 0)



_ZG = _D3 // 16
_UNITS = _D1 * _ZG
_UPW = _UNITS // _NW


@functools.partial(
    pl.kernel,
    mesh=_mesh,
    out_type=jax.ShapeDtypeStruct((_R * _C // 128, 128), jnp.float32),
    scratch_types=[
        pltpu.VMEM((2, _C, 16, _D2), jnp.float32),
        pltpu.VMEM((2, _D2, 128), jnp.float32),
        pltpu.SemaphoreType.DMA,
        pltpu.SemaphoreType.DMA,
    ],
    compiler_params=pltpu.CompilerParams(needs_layout_passes=False,
                                         use_tc_tiling_on_sc=True),
)
def _build_table(vol5, out, buf2, obuf2, semi, semo):
    wid = lax.axis_index("s") * _NC + lax.axis_index("c")
    u0 = wid * _UPW

    iota = lax.iota(jnp.int32, 16)
    pat01 = iota >> 3
    patc = iota & 7
    zpats = [2 * m + pat01 for m in range(8)]

    def unit_xzg(unit):
        return unit // _ZG, unit % _ZG

    def fire_inputs(unit, slot):
        x, zg = unit_xzg(unit)
        for c in range(_C):
            pltpu.async_copy(vol5.at[0, c, x, pl.ds(zg * 16, 16), :],
                             buf2.at[slot, c], semi)

    def wait_inputs(unit, slot):
        x, zg = unit_xzg(unit)
        for c in range(_C):
            pltpu.make_async_copy(vol5.at[0, c, x, pl.ds(zg * 16, 16), :],
                                  buf2.at[slot, c], semi).wait()

    def out_slice(unit):
        x, zg = unit_xzg(unit)
        return out.at[pl.ds((x * _ZG + zg) * _D2, _D2)]

    fire_inputs(u0, 0)

    def unit_body(i, carry):
        unit = u0 + i
        slot = i & 1
        wait_inputs(unit, slot)

        @pl.when(i + 1 < _UPW)
        def _():
            fire_inputs(unit + 1, (i + 1) & 1)

        @pl.when(i >= 2)
        def _():
            pltpu.make_async_copy(obuf2.at[slot], out_slice(unit), semo).wait()

        slotv = jnp.full((16,), slot, jnp.int32)

        def y_body(y, carry2):
            yv = jnp.full((16,), y, jnp.int32)
            vals = [plsc.load_gather(buf2, [slotv, patc, zpats[m], yv])
                    for m in range(8)]
            for m in range(8):
                obuf2[slot, y, pl.ds(m * 16, 16)] = vals[m]
            return carry2

        lax.fori_loop(0, _D2, y_body, 0)

        pltpu.async_copy(obuf2.at[slot], out_slice(unit), semo)
        return carry

    lax.fori_loop(0, _UPW, unit_body, 0)

    for k in (2, 1):
        pltpu.make_async_copy(obuf2.at[0], out_slice(u0 + _UPW - k),
                              semo).wait()


def kernel(vert, vol):
    verts = vert[0]
    table = _build_table(jnp.swapaxes(vol, 3, 4)).reshape(_R, _C)
    vpad = jnp.pad(verts, ((0, _V_PAD - _V), (0, 0)))
    xs = vpad[:, 0]
    ys = vpad[:, 1]
    zs = vpad[:, 2]
    out2 = _interp(table, xs, ys, zs)
    return out2.reshape(_V_PAD, _C)[:_V][None]

# --- scband reference (transcript-rebuilt; emitter-appended) ---
"""Pipeline reference for scband-linear-interpolator-65000035058091 (READ-ONLY COPY).

The authoritative reference and input builder live on the scoring server;
editing this copy changes nothing except your own understanding.
"""

import jax, jax.numpy as jnp
import numpy as np

INSHAPE = (112, 224, 160)
V = 150000
C = 8

def setup_inputs(seed: int = 0) -> dict:
    key = jax.random.key(seed)
    k1, k2 = jax.random.split(key)
    # vertices spread across the full volume so gathers touch the whole working set
    vert = jax.random.uniform(k1, (1, V, 3), dtype=jnp.float32) * (jnp.array(INSHAPE, dtype=jnp.float32) - 1.0)
    vol = jax.random.normal(k2, (1, C) + INSHAPE, dtype=jnp.float32)
    return {"vert": vert, "vol": vol}

def reference(vert, vol):
    min_bound = jnp.array([1e-05, 1e-05, 1e-05], dtype=jnp.float32)
    max_bound = jnp.array(INSHAPE, dtype=jnp.float32) - 1.0 - 1e-05
    v = jnp.clip(vert, min_bound, max_bound)                # (1, V, 3)
    vid = jnp.floor(v[0]).astype(jnp.int32)                 # (V, 3)
    u = v - vid.astype(v.dtype)                             # (1, V, 3)
    # linear_grid: (3, 2, 2, 2) corner offsets
    g = jnp.stack(jnp.meshgrid(jnp.arange(2, dtype=jnp.int32),
                               jnp.arange(2, dtype=jnp.int32),
                               jnp.arange(2, dtype=jnp.int32), indexing='ij'))
    vid8 = vid[..., None, None, None] + g[None]             # (V, 3, 2, 2, 2)
    # gather 8 corner values per vertex per channel -> (C, V, 2, 2, 2)
    value = vol[0][:, vid8[:, 0], vid8[:, 1], vid8[:, 2]]
    value = (1 - u[:, :, 0])[..., None, None] * value[:, :, 0] + u[:, :, 0][..., None, None] * value[:, :, 1]
    value = (1 - u[:, :, 1])[..., None] * value[:, :, 0] + u[:, :, 1][..., None] * value[:, :, 1]
    value = (1 - u[:, :, 2]) * value[:, :, 0] + u[:, :, 2] * value[:, :, 1]
    return value.T[None]                                    # (1, V, C)

if __name__ == "__main__":
    import jax
    _d = setup_inputs()
    print(jax.jit(kernel)(*tuple(_d.values())))

</pallas_src>

<mosaic_0001>
#map = affine_map<(d0, d1) -> (0, 0, 0, 0, 0)>
#map1 = affine_map<(d0, d1) -> (0, 0)>
module attributes {stable_mosaic.version = 14 : i64} {
  func.func @_build_table(%arg0: i32, %arg1: i32, %arg2: memref<1x8x112x160x224xf32, #tpu.memory_space<hbm>>, %arg3: memref<250880x128xf32, #tpu.memory_space<hbm>>, %arg4: memref<2x8x16x224xf32, #tpu.memory_space<vmem>>, %arg5: memref<2x224x128xf32, #tpu.memory_space<vmem>>, %arg6: memref<!tpu.dma_semaphore, #tpu.memory_space<semaphore_mem>>, %arg7: memref<!tpu.dma_semaphore, #tpu.memory_space<semaphore_mem>>) attributes {dimension_semantics = [#tpu.dimension_semantics<core_parallel>, #tpu.dimension_semantics<subcore_parallel>], iteration_bounds = array<i64: 2, 16>, scalar_prefetch = 0 : i64, scratch_operands = 4 : i64, tpu.core_type = #tpu.core_type<sc_vector_subcore>, window_params = [{transform_indices = #map}, {transform_indices = #map1}]} {
    %mul3A = arith.constant 2 : i32
    %mul3A_0 = arith.muli %arg1, %mul3A : i32
    %add3A = arith.addi %mul3A_0, %arg0 : i32
    %mul3A_1 = arith.constant 35 : i32
    %mul3A_2 = arith.muli %add3A, %mul3A_1 : i32
    %iota3A = tpu.iota {dimensions = array<i32: 0>} : vector<16xi32>
    %shift_right_arithmetic3A = arith.constant 3 : i32
    %shift_right_arithmetic3A_3 = vector.broadcast %shift_right_arithmetic3A : i32 to vector<16xi32>
    %shift_right_arithmetic3A_4 = arith.shrsi %iota3A, %shift_right_arithmetic3A_3 : vector<16xi32>
    %and3A = arith.constant 7 : i32
    %and3A_5 = vector.broadcast %and3A : i32 to vector<16xi32>
    %and3A_6 = arith.andi %iota3A, %and3A_5 : vector<16xi32>
    %add3A_7 = arith.constant 0 : i32
    %add3A_8 = vector.broadcast %add3A_7 : i32 to vector<16xi32>
    %add3A_9 = arith.addi %add3A_8, %shift_right_arithmetic3A_4 : vector<16xi32>
    %add3A_10 = arith.constant 2 : i32
    %add3A_11 = vector.broadcast %add3A_10 : i32 to vector<16xi32>
    %add3A_12 = arith.addi %add3A_11, %shift_right_arithmetic3A_4 : vector<16xi32>
    %add3A_13 = arith.constant 4 : i32
    %add3A_14 = vector.broadcast %add3A_13 : i32 to vector<16xi32>
    %add3A_15 = arith.addi %add3A_14, %shift_right_arithmetic3A_4 : vector<16xi32>
    %add3A_16 = arith.constant 6 : i32
    %add3A_17 = vector.broadcast %add3A_16 : i32 to vector<16xi32>
    %add3A_18 = arith.addi %add3A_17, %shift_right_arithmetic3A_4 : vector<16xi32>
    %add3A_19 = arith.constant 8 : i32
    %add3A_20 = vector.broadcast %add3A_19 : i32 to vector<16xi32>
    %add3A_21 = arith.addi %add3A_20, %shift_right_arithmetic3A_4 : vector<16xi32>
    %add3A_22 = arith.constant 10 : i32
    %add3A_23 = vector.broadcast %add3A_22 : i32 to vector<16xi32>
    %add3A_24 = arith.addi %add3A_23, %shift_right_arithmetic3A_4 : vector<16xi32>
    %add3A_25 = arith.constant 12 : i32
    %add3A_26 = vector.broadcast %add3A_25 : i32 to vector<16xi32>
    %add3A_27 = arith.addi %add3A_26, %shift_right_arithmetic3A_4 : vector<16xi32>
    %add3A_28 = arith.constant 14 : i32
    %add3A_29 = vector.broadcast %add3A_28 : i32 to vector<16xi32>
    %add3A_30 = arith.addi %add3A_29, %shift_right_arithmetic3A_4 : vector<16xi32>
    %jit3A = arith.constant 10 : i32
    %div3A = arith.divsi %mul3A_2, %jit3A : i32
    %sign3A = arith.constant 0 : i32
    %sign3A_31 = arith.cmpi sgt, %mul3A_2, %sign3A : i32
    %sign3A_32 = arith.extui %sign3A_31 : i1 to i32
    %sign3A_33 = arith.constant 0 : i32
    %sign3A_34 = arith.cmpi slt, %mul3A_2, %sign3A_33 : i32
    %sign3A_35 = arith.extui %sign3A_34 : i1 to i32
    %sign3A_36 = arith.subi %sign3A_32, %sign3A_35 : i32
    %sign3A_37 = arith.constant 0 : i32
    %sign3A_38 = arith.cmpi sgt, %jit3A, %sign3A_37 : i32
    %sign3A_39 = arith.extui %sign3A_38 : i1 to i32
    %sign3A_40 = arith.constant 0 : i32
    %sign3A_41 = arith.cmpi slt, %jit3A, %sign3A_40 : i32
    %sign3A_42 = arith.extui %sign3A_41 : i1 to i32
    %sign3A_43 = arith.subi %sign3A_39, %sign3A_42 : i32
    %ne3A = arith.cmpi ne, %sign3A_36, %sign3A_43 : i32
    %rem3A = arith.remsi %mul3A_2, %jit3A : i32
    %ne3A_44 = arith.constant 0 : i32
    %ne3A_45 = arith.cmpi ne, %rem3A, %ne3A_44 : i32
    %and3A_46 = arith.andi %ne3A, %ne3A_45 : i1
    %sub3A = arith.constant 1 : i32
    %sub3A_47 = arith.subi %div3A, %sub3A : i32
    %select_n3A = arith.select %and3A_46, %sub3A_47, %div3A : i32
    %jit3A_48 = arith.constant 10 : i32
    %eq3A = arith.constant 0 : i32
    %eq3A_49 = arith.cmpi eq, %jit3A_48, %eq3A : i32
    %jit3A_50 = arith.constant 1 : i32
    %select_n3A_51 = arith.select %eq3A_49, %jit3A_50, %jit3A_48 : i32
    %rem3A_52 = arith.remsi %mul3A_2, %select_n3A_51 : i32
    %ne3A_53 = arith.constant 0 : i32
    %ne3A_54 = arith.cmpi ne, %rem3A_52, %ne3A_53 : i32
    %lt3A = arith.constant 0 : i32
    %lt3A_55 = arith.cmpi slt, %rem3A_52, %lt3A : i32
    %lt3A_56 = arith.constant 0 : i32
    %lt3A_57 = arith.cmpi slt, %select_n3A_51, %lt3A_56 : i32
    %ne3A_58 = arith.xori %lt3A_55, %lt3A_57 : i1
    %and3A_59 = arith.andi %ne3A_58, %ne3A_54 : i1
    %add3A_60 = arith.addi %rem3A_52, %select_n3A_51 : i32
    %select_n3A_61 = arith.select %and3A_59, %add3A_60, %rem3A_52 : i32
    %mul3A_62 = arith.constant 16 : i32
    %mul3A_63 = arith.muli %select_n3A_61, %mul3A_62 : i32
    %dma_start3A = arith.constant 0 : i32
    %dma_start3A_64 = arith.constant 0 : i32
    %dma_start3A_65 = arith.constant 0 : i32
    %dma_start3A_66 = arith.constant 0 : i32
    %dma_start3A_67 = arith.constant 0 : i32
    %dma_start3A_68 = arith.constant 0 : i32
    %dma_start3A_69 = tpu.memref_slice %arg4[%dma_start3A_65, %dma_start3A_66, %dma_start3A_67, %dma_start3A_68] : memref<2x8x16x224xf32, #tpu.memory_space<vmem>> -> memref<1x1x16x224xf32, #tpu.memory_space<vmem>>
    %dma_start3A_70 = tpu.memref_squeeze %dma_start3A_69 : memref<1x1x16x224xf32, #tpu.memory_space<vmem>> -> memref<16x224xf32, #tpu.memory_space<vmem>>
    %dma_start3A_71 = arith.constant 0 : i32
    %dma_start3A_72 = tpu.memref_slice %arg2[%dma_start3A, %dma_start3A_64, %select_n3A, %mul3A_63, %dma_start3A_71] : memref<1x8x112x160x224xf32, #tpu.memory_space<hbm>> -> memref<1x1x1x16x224xf32, #tpu.memory_space<hbm>>
    %dma_start3A_73 = tpu.memref_squeeze %dma_start3A_72 : memref<1x1x1x16x224xf32, #tpu.memory_space<hbm>> -> memref<16x224xf32, #tpu.memory_space<hbm>>
    %dma_start3A_74 = arith.constant 0 : i32
    %dma_start3A_75 = arith.constant 0 : i32
    %dma_start3A_76 = tpu.memref_slice %arg4[%dma_start3A_65, %dma_start3A_66, %dma_start3A_74, %dma_start3A_75] : memref<2x8x16x224xf32, #tpu.memory_space<vmem>> -> memref<1x1x16x224xf32, #tpu.memory_space<vmem>>
    %dma_start3A_77 = tpu.memref_squeeze %dma_start3A_76 : memref<1x1x16x224xf32, #tpu.memory_space<vmem>> -> memref<16x224xf32, #tpu.memory_space<vmem>>
    %dma_start3A_78 = arith.constant 0 : i32
    %dma_start3A_79 = tpu.memref_slice %arg2[%dma_start3A, %dma_start3A_64, %select_n3A, %mul3A_63, %dma_start3A_78] : memref<1x8x112x160x224xf32, #tpu.memory_space<hbm>> -> memref<1x1x1x16x224xf32, #tpu.memory_space<hbm>>
    %dma_start3A_80 = tpu.memref_squeeze %dma_start3A_79 : memref<1x1x1x16x224xf32, #tpu.memory_space<hbm>> -> memref<16x224xf32, #tpu.memory_space<hbm>>
    tpu.enqueue_dma source(%dma_start3A_80 : memref<16x224xf32, #tpu.memory_space<hbm>>) target(%dma_start3A_77 : memref<16x224xf32, #tpu.memory_space<vmem>>) target_semaphore(%arg6 : memref<!tpu.dma_semaphore, #tpu.memory_space<semaphore_mem>>)
    %mul3A_81 = arith.constant 16 : i32
    %mul3A_82 = arith.muli %select_n3A_61, %mul3A_81 : i32
    %dma_start3A_83 = arith.constant 0 : i32
    %dma_start3A_84 = arith.constant 1 : i32
    %dma_start3A_85 = arith.constant 0 : i32
    %dma_start3A_86 = arith.constant 1 : i32
    %dma_start3A_87 = arith.constant 0 : i32
    %dma_start3A_88 = arith.constant 0 : i32
    %dma_start3A_89 = tpu.memref_slice %arg4[%dma_start3A_85, %dma_start3A_86, %dma_start3A_87, %dma_start3A_88] : memref<2x8x16x224xf32, #tpu.memory_space<vmem>> -> memref<1x1x16x224xf32, #tpu.memory_space<vmem>>
    %dma_start3A_90 = tpu.memref_squeeze %dma_start3A_89 : memref<1x1x16x224xf32, #tpu.memory_space<vmem>> -> memref<16x224xf32, #tpu.memory_space<vmem>>
    %dma_start3A_91 = arith.constant 0 : i32
    %dma_start3A_92 = tpu.memref_slice %arg2[%dma_start3A_83, %dma_start3A_84, %select_n3A, %mul3A_82, %dma_start3A_91] : memref<1x8x112x160x224xf32, #tpu.memory_space<hbm>> -> memref<1x1x1x16x224xf32, #tpu.memory_space<hbm>>
    %dma_start3A_93 = tpu.memref_squeeze %dma_start3A_92 : memref<1x1x1x16x224xf32, #tpu.memory_space<hbm>> -> memref<16x224xf32, #tpu.memory_space<hbm>>
    %dma_start3A_94 = arith.constant 0 : i32
    %dma_start3A_95 = arith.constant 0 : i32
    %dma_start3A_96 = tpu.memref_slice %arg4[%dma_start3A_85, %dma_start3A_86, %dma_start3A_94, %dma_start3A_95] : memref<2x8x16x224xf32, #tpu.memory_space<vmem>> -> memref<1x1x16x224xf32, #tpu.memory_space<vmem>>
    %dma_start3A_97 = tpu.memref_squeeze %dma_start3A_96 : memref<1x1x16x224xf32, #tpu.memory_space<vmem>> -> memref<16x224xf32, #tpu.memory_space<vmem>>
    %dma_start3A_98 = arith.constant 0 : i32
    %dma_start3A_99 = tpu.memref_slice %arg2[%dma_start3A_83, %dma_start3A_84, %select_n3A, %mul3A_82, %dma_start3A_98] : memref<1x8x112x160x224xf32, #tpu.memory_space<hbm>> -> memref<1x1x1x16x224xf32, #tpu.memory_space<hbm>>
    %dma_start3A_100 = tpu.memref_squeeze %dma_start3A_99 : memref<1x1x1x16x224xf32, #tpu.memory_space<hbm>> -> memref<16x224xf32, #tpu.memory_space<hbm>>
    tpu.enqueue_dma source(%dma_start3A_100 : memref<16x224xf32, #tpu.memory_space<hbm>>) target(%dma_start3A_97 : memref<16x224xf32, #tpu.memory_space<vmem>>) target_semaphore(%arg6 : memref<!tpu.dma_semaphore, #tpu.memory_space<semaphore_mem>>)
    %mul3A_101 = arith.constant 16 : i32
    %mul3A_102 = arith.muli %select_n3A_61, %mul3A_101 : i32
    %dma_start3A_103 = arith.constant 0 : i32
    %dma_start3A_104 = arith.constant 2 : i32
    %dma_start3A_105 = arith.constant 0 : i32
    %dma_start3A_106 = arith.constant 2 : i32
    %dma_start3A_107 = arith.constant 0 : i32
    %dma_start3A_108 = arith.constant 0 : i32
    %dma_start3A_109 = tpu.memref_slice %arg4[%dma_start3A_105, %dma_start3A_106, %dma_start3A_107, %dma_start3A_108] : memref<2x8x16x224xf32, #tpu.memory_space<vmem>> -> memref<1x1x16x224xf32, #tpu.memory_space<vmem>>
    %dma_start3A_110 = tpu.memref_squeeze %dma_start3A_109 : memref<1x1x16x224xf32, #tpu.memory_space<vmem>> -> memref<16x224xf32, #tpu.memory_space<vmem>>
    %dma_start3A_111 = arith.constant 0 : i32
    %dma_start3A_112 = tpu.memref_slice %arg2[%dma_start3A_103, %dma_start3A_104, %select_n3A, %mul3A_102, %dma_start3A_111] : memref<1x8x112x160x224xf32, #tpu.memory_space<hbm>> -> memref<1x1x1x16x224xf32, #tpu.memory_space<hbm>>
    %dma_start3A_113 = tpu.memref_squeeze %dma_start3A_112 : memref<1x1x1x16x224xf32, #tpu.memory_space<hbm>> -> memref<16x224xf32, #tpu.memory_space<hbm>>
    %dma_start3A_114 = arith.constant 0 : i32
    %dma_start3A_115 = arith.constant 0 : i32
    %dma_start3A_116 = tpu.memref_slice %arg4[%dma_start3A_105, %dma_start3A_106, %dma_start3A_114, %dma_start3A_115] : memref<2x8x16x224xf32, #tpu.memory_space<vmem>> -> memref<1x1x16x224xf32, #tpu.memory_space<vmem>>
    %dma_start3A_117 = tpu.memref_squeeze %dma_start3A_116 : memref<1x1x16x224xf32, #tpu.memory_space<vmem>> -> memref<16x224xf32, #tpu.memory_space<vmem>>
    %dma_start3A_118 = arith.constant 0 : i32
    %dma_start3A_119 = tpu.memref_slice %arg2[%dma_start3A_103, %dma_start3A_104, %select_n3A, %mul3A_102, %dma_start3A_118] : memref<1x8x112x160x224xf32, #tpu.memory_space<hbm>> -> memref<1x1x1x16x224xf32, #tpu.memory_space<hbm>>
    %dma_start3A_120 = tpu.memref_squeeze %dma_start3A_119 : memref<1x1x1x16x224xf32, #tpu.memory_space<hbm>> -> memref<16x224xf32, #tpu.memory_space<hbm>>
    tpu.enqueue_dma source(%dma_start3A_120 : memref<16x224xf32, #tpu.memory_space<hbm>>) target(%dma_start3A_117 : memref<16x224xf32, #tpu.memory_space<vmem>>) target_semaphore(%arg6 : memref<!tpu.dma_semaphore, #tpu.memory_space<semaphore_mem>>)
    %mul3A_121 = arith.constant 16 : i32
    %mul3A_122 = arith.muli %select_n3A_61, %mul3A_121 : i32
    %dma_start3A_123 = arith.constant 0 : i32
    %dma_start3A_124 = arith.constant 3 : i32
    %dma_start3A_125 = arith.constant 0 : i32
    %dma_start3A_126 = arith.constant 3 : i32
    %dma_start3A_127 = arith.constant 0 : i32
    %dma_start3A_128 = arith.constant 0 : i32
    %dma_start3A_129 = tpu.memref_slice %arg4[%dma_start3A_125, %dma_start3A_126, %dma_start3A_127, %dma_start3A_128] : memref<2x8x16x224xf32, #tpu.memory_space<vmem>> -> memref<1x1x16x224xf32, #tpu.memory_space<vmem>>
    %dma_start3A_130 = tpu.memref_squeeze %dma_start3A_129 : memref<1x1x16x224xf32, #tpu.memory_space<vmem>> -> memref<16x224xf32, #tpu.memory_space<vmem>>
    %dma_start3A_131 = arith.constant 0 : i32
    %dma_start3A_132 = tpu.memref_slice %arg2[%dma_start3A_123, %dma_start3A_124, %select_n3A, %mul3A_122, %dma_start3A_131] : memref<1x8x112x160x224xf32, #tpu.memory_space<hbm>> -> memref<1x1x1x16x224xf32, #tpu.memory_space<hbm>>
    %dma_start3A_133 = tpu.memref_squeeze %dma_start3A_132 : memref<1x1x1x16x224xf32, #tpu.memory_space<hbm>> -> memref<16x224xf32, #tpu.memory_space<hbm>>
    %dma_start3A_134 = arith.constant 0 : i32
    %dma_start3A_135 = arith.constant 0 : i32
    %dma_start3A_136 = tpu.memref_slice %arg4[%dma_start3A_125, %dma_start3A_126, %dma_start3A_134, %dma_start3A_135] : memref<2x8x16x224xf32, #tpu.memory_space<vmem>> -> memref<1x1x16x224xf32, #tpu.memory_space<vmem>>
    %dma_start3A_137 = tpu.memref_squeeze %dma_start3A_136 : memref<1x1x16x224xf32, #tpu.memory_space<vmem>> -> memref<16x224xf32, #tpu.memory_space<vmem>>
    %dma_start3A_138 = arith.constant 0 : i32
    %dma_start3A_139 = tpu.memref_slice %arg2[%dma_start3A_123, %dma_start3A_124, %select_n3A, %mul3A_122, %dma_start3A_138] : memref<1x8x112x160x224xf32, #tpu.memory_space<hbm>> -> memref<1x1x1x16x224xf32, #tpu.memory_space<hbm>>
    %dma_start3A_140 = tpu.memref_squeeze %dma_start3A_139 : memref<1x1x1x16x224xf32, #tpu.memory_space<hbm>> -> memref<16x224xf32, #tpu.memory_space<hbm>>
    tpu.enqueue_dma source(%dma_start3A_140 : memref<16x224xf32, #tpu.memory_space<hbm>>) target(%dma_start3A_137 : memref<16x224xf32, #tpu.memory_space<vmem>>) target_semaphore(%arg6 : memref<!tpu.dma_semaphore, #tpu.memory_space<semaphore_mem>>)
    %mul3A_141 = arith.constant 16 : i32
    %mul3A_142 = arith.muli %select_n3A_61, %mul3A_141 : i32
    %dma_start3A_143 = arith.constant 0 : i32
    %dma_start3A_144 = arith.constant 4 : i32
    %dma_start3A_145 = arith.constant 0 : i32
    %dma_start3A_146 = arith.constant 4 : i32
    %dma_start3A_147 = arith.constant 0 : i32
    %dma_start3A_148 = arith.constant 0 : i32
    %dma_start3A_149 = tpu.memref_slice %arg4[%dma_start3A_145, %dma_start3A_146, %dma_start3A_147, %dma_start3A_148] : memref<2x8x16x224xf32, #tpu.memory_space<vmem>> -> memref<1x1x16x224xf32, #tpu.memory_space<vmem>>
    %dma_start3A_150 = tpu.memref_squeeze %dma_start3A_149 : memref<1x1x16x224xf32, #tpu.memory_space<vmem>> -> memref<16x224xf32, #tpu.memory_space<vmem>>
    %dma_start3A_151 = arith.constant 0 : i32
    %dma_start3A_152 = tpu.memref_slice %arg2[%dma_start3A_143, %dma_start3A_144, %select_n3A, %mul3A_142, %dma_start3A_151] : memref<1x8x112x160x224xf32, #tpu.memory_space<hbm>> -> memref<1x1x1x16x224xf32, #tpu.memory_space<hbm>>
    %dma_start3A_153 = tpu.memref_squeeze %dma_start3A_152 : memref<1x1x1x16x224xf32, #tpu.memory_space<hbm>> -> memref<16x224xf32, #tpu.memory_space<hbm>>
    %dma_start3A_154 = arith.constant 0 : i32
    %dma_start3A_155 = arith.constant 0 : i32
    %dma_start3A_156 = tpu.memref_slice %arg4[%dma_start3A_145, %dma_start3A_146, %dma_start3A_154, %dma_start3A_155] : memref<2x8x16x224xf32, #tpu.memory_space<vmem>> -> memref<1x1x16x224xf32, #tpu.memory_space<vmem>>
    %dma_start3A_157 = tpu.memref_squeeze %dma_start3A_156 : memref<1x1x16x224xf32, #tpu.memory_space<vmem>> -> memref<16x224xf32, #tpu.memory_space<vmem>>
    %dma_start3A_158 = arith.constant 0 : i32
    %dma_start3A_159 = tpu.memref_slice %arg2[%dma_start3A_143, %dma_start3A_144, %select_n3A, %mul3A_142, %dma_start3A_158] : memref<1x8x112x160x224xf32, #tpu.memory_space<hbm>> -> memref<1x1x1x16x224xf32, #tpu.memory_space<hbm>>
    %dma_start3A_160 = tpu.memref_squeeze %dma_start3A_159 : memref<1x1x1x16x224xf32, #tpu.memory_space<hbm>> -> memref<16x224xf32, #tpu.memory_space<hbm>>
    tpu.enqueue_dma source(%dma_start3A_160 : memref<16x224xf32, #tpu.memory_space<hbm>>) target(%dma_start3A_157 : memref<16x224xf32, #tpu.memory_space<vmem>>) target_semaphore(%arg6 : memref<!tpu.dma_semaphore, #tpu.memory_space<semaphore_mem>>)
    %mul3A_161 = arith.constant 16 : i32
    %mul3A_162 = arith.muli %select_n3A_61, %mul3A_161 : i32
    %dma_start3A_163 = arith.constant 0 : i32
    %dma_start3A_164 = arith.constant 5 : i32
    %dma_start3A_165 = arith.constant 0 : i32
    %dma_start3A_166 = arith.constant 5 : i32
    %dma_start3A_167 = arith.constant 0 : i32
    %dma_start3A_168 = arith.constant 0 : i32
    %dma_start3A_169 = tpu.memref_slice %arg4[%dma_start3A_165, %dma_start3A_166, %dma_start3A_167, %dma_start3A_168] : memref<2x8x16x224xf32, #tpu.memory_space<vmem>> -> memref<1x1x16x224xf32, #tpu.memory_space<vmem>>
    %dma_start3A_170 = tpu.memref_squeeze %dma_start3A_169 : memref<1x1x16x224xf32, #tpu.memory_space<vmem>> -> memref<16x224xf32, #tpu.memory_space<vmem>>
    %dma_start3A_171 = arith.constant 0 : i32
    %dma_start3A_172 = tpu.memref_slice %arg2[%dma_start3A_163, %dma_start3A_164, %select_n3A, %mul3A_162, %dma_start3A_171] : memref<1x8x112x160x224xf32, #tpu.memory_space<hbm>> -> memref<1x1x1x16x224xf32, #tpu.memory_space<hbm>>
    %dma_start3A_173 = tpu.memref_squeeze %dma_start3A_172 : memref<1x1x1x16x224xf32, #tpu.memory_space<hbm>> -> memref<16x224xf32, #tpu.memory_space<hbm>>
    %dma_start3A_174 = arith.constant 0 : i32
    %dma_start3A_175 = arith.constant 0 : i32
    %dma_start3A_176 = tpu.memref_slice %arg4[%dma_start3A_165, %dma_start3A_166, %dma_start3A_174, %dma_start3A_175] : memref<2x8x16x224xf32, #tpu.memory_space<vmem>> -> memref<1x1x16x224xf32, #tpu.memory_space<vmem>>
    %dma_start3A_177 = tpu.memref_squeeze %dma_start3A_176 : memref<1x1x16x224xf32, #tpu.memory_space<vmem>> -> memref<16x224xf32, #tpu.memory_space<vmem>>
    %dma_start3A_178 = arith.constant 0 : i32
    %dma_start3A_179 = tpu.memref_slice %arg2[%dma_start3A_163, %dma_start3A_164, %select_n3A, %mul3A_162, %dma_start3A_178] : memref<1x8x112x160x224xf32, #tpu.memory_space<hbm>> -> memref<1x1x1x16x224xf32, #tpu.memory_space<hbm>>
    %dma_start3A_180 = tpu.memref_squeeze %dma_start3A_179 : memref<1x1x1x16x224xf32, #tpu.memory_space<hbm>> -> memref<16x224xf32, #tpu.memory_space<hbm>>
    tpu.enqueue_dma source(%dma_start3A_180 : memref<16x224xf32, #tpu.memory_space<hbm>>) target(%dma_start3A_177 : memref<16x224xf32, #tpu.memory_space<vmem>>) target_semaphore(%arg6 : memref<!tpu.dma_semaphore, #tpu.memory_space<semaphore_mem>>)
    %mul3A_181 = arith.constant 16 : i32
    %mul3A_182 = arith.muli %select_n3A_61, %mul3A_181 : i32
    %dma_start3A_183 = arith.constant 0 : i32
    %dma_start3A_184 = arith.constant 6 : i32
    %dma_start3A_185 = arith.constant 0 : i32
    %dma_start3A_186 = arith.constant 6 : i32
    %dma_start3A_187 = arith.constant 0 : i32
    %dma_start3A_188 = arith.constant 0 : i32
    %dma_start3A_189 = tpu.memref_slice %arg4[%dma_start3A_185, %dma_start3A_186, %dma_start3A_187, %dma_start3A_188] : memref<2x8x16x224xf32, #tpu.memory_space<vmem>> -> memref<1x1x16x224xf32, #tpu.memory_space<vmem>>
    %dma_start3A_190 = tpu.memref_squeeze %dma_start3A_189 : memref<1x1x16x224xf32, #tpu.memory_space<vmem>> -> memref<16x224xf32, #tpu.memory_space<vmem>>
    %dma_start3A_191 = arith.constant 0 : i32
    %dma_start3A_192 = tpu.memref_slice %arg2[%dma_start3A_183, %dma_start3A_184, %select_n3A, %mul3A_182, %dma_start3A_191] : memref<1x8x112x160x224xf32, #tpu.memory_space<hbm>> -> memref<1x1x1x16x224xf32, #tpu.memory_space<hbm>>
    %dma_start3A_193 = tpu.memref_squeeze %dma_start3A_192 : memref<1x1x1x16x224xf32, #tpu.memory_space<hbm>> -> memref<16x224xf32, #tpu.memory_space<hbm>>
    %dma_start3A_194 = arith.constant 0 : i32
    %dma_start3A_195 = arith.constant 0 : i32
    %dma_start3A_196 = tpu.memref_slice %arg4[%dma_start3A_185, %dma_start3A_186, %dma_start3A_194, %dma_start3A_195] : memref<2x8x16x224xf32, #tpu.memory_space<vmem>> -> memref<1x1x16x224xf32, #tpu.memory_space<vmem>>
    %dma_start3A_197 = tpu.memref_squeeze %dma_start3A_196 : memref<1x1x16x224xf32, #tpu.memory_space<vmem>> -> memref<16x224xf32, #tpu.memory_space<vmem>>
    %dma_start3A_198 = arith.constant 0 : i32
    %dma_start3A_199 = tpu.memref_slice %arg2[%dma_start3A_183, %dma_start3A_184, %select_n3A, %mul3A_182, %dma_start3A_198] : memref<1x8x112x160x224xf32, #tpu.memory_space<hbm>> -> memref<1x1x1x16x224xf32, #tpu.memory_space<hbm>>
    %dma_start3A_200 = tpu.memref_squeeze %dma_start3A_199 : memref<1x1x1x16x224xf32, #tpu.memory_space<hbm>> -> memref<16x224xf32, #tpu.memory_space<hbm>>
    tpu.enqueue_dma source(%dma_start3A_200 : memref<16x224xf32, #tpu.memory_space<hbm>>) target(%dma_start3A_197 : memref<16x224xf32, #tpu.memory_space<vmem>>) target_semaphore(%arg6 : memref<!tpu.dma_semaphore, #tpu.memory_space<semaphore_mem>>)
    %mul3A_201 = arith.constant 16 : i32
    %mul3A_202 = arith.muli %select_n3A_61, %mul3A_201 : i32
    %dma_start3A_203 = arith.constant 0 : i32
    %dma_start3A_204 = arith.constant 7 : i32
    %dma_start3A_205 = arith.constant 0 : i32
    %dma_start3A_206 = arith.constant 7 : i32
    %dma_start3A_207 = arith.constant 0 : i32
    %dma_start3A_208 = arith.constant 0 : i32
    %dma_start3A_209 = tpu.memref_slice %arg4[%dma_start3A_205, %dma_start3A_206, %dma_start3A_207, %dma_start3A_208] : memref<2x8x16x224xf32, #tpu.memory_space<vmem>> -> memref<1x1x16x224xf32, #tpu.memory_space<vmem>>
    %dma_start3A_210 = tpu.memref_squeeze %dma_start3A_209 : memref<1x1x16x224xf32, #tpu.memory_space<vmem>> -> memref<16x224xf32, #tpu.memory_space<vmem>>
    %dma_start3A_211 = arith.constant 0 : i32
    %dma_start3A_212 = tpu.memref_slice %arg2[%dma_start3A_203, %dma_start3A_204, %select_n3A, %mul3A_202, %dma_start3A_211] : memref<1x8x112x160x224xf32, #tpu.memory_space<hbm>> -> memref<1x1x1x16x224xf32, #tpu.memory_space<hbm>>
    %dma_start3A_213 = tpu.memref_squeeze %dma_start3A_212 : memref<1x1x1x16x224xf32, #tpu.memory_space<hbm>> -> memref<16x224xf32, #tpu.memory_space<hbm>>
    %dma_start3A_214 = arith.constant 0 : i32
    %dma_start3A_215 = arith.constant 0 : i32
    %dma_start3A_216 = tpu.memref_slice %arg4[%dma_start3A_205, %dma_start3A_206, %dma_start3A_214, %dma_start3A_215] : memref<2x8x16x224xf32, #tpu.memory_space<vmem>> -> memref<1x1x16x224xf32, #tpu.memory_space<vmem>>
    %dma_start3A_217 = tpu.memref_squeeze %dma_start3A_216 : memref<1x1x16x224xf32, #tpu.memory_space<vmem>> -> memref<16x224xf32, #tpu.memory_space<vmem>>
    %dma_start3A_218 = arith.constant 0 : i32
    %dma_start3A_219 = tpu.memref_slice %arg2[%dma_start3A_203, %dma_start3A_204, %select_n3A, %mul3A_202, %dma_start3A_218] : memref<1x8x112x160x224xf32, #tpu.memory_space<hbm>> -> memref<1x1x1x16x224xf32, #tpu.memory_space<hbm>>
    %dma_start3A_220 = tpu.memref_squeeze %dma_start3A_219 : memref<1x1x1x16x224xf32, #tpu.memory_space<hbm>> -> memref<16x224xf32, #tpu.memory_space<hbm>>
    tpu.enqueue_dma source(%dma_start3A_220 : memref<16x224xf32, #tpu.memory_space<hbm>>) target(%dma_start3A_217 : memref<16x224xf32, #tpu.memory_space<vmem>>) target_semaphore(%arg6 : memref<!tpu.dma_semaphore, #tpu.memory_space<semaphore_mem>>)
    %scan3A = arith.constant 0 : i32
    %scan3A_221 = arith.constant 0 : i32
    %scan3A_222 = arith.constant 35 : i32
    %scan3A_223 = arith.addi %scan3A_221, %scan3A_222 : i32
    %scan3A_224 = arith.constant 1 : i32
    scf.for %scan3A_349 = %scan3A_221 to %scan3A_223 step %scan3A_224  : i32 {
      %add3A_350 = arith.addi %mul3A_2, %scan3A_349 : i32
      %and3A_351 = arith.constant 1 : i32
      %and3A_352 = arith.andi %scan3A_349, %and3A_351 : i32
      %jit3A_353 = arith.constant 10 : i32
      %div3A_354 = arith.divsi %add3A_350, %jit3A_353 : i32
      %sign3A_355 = arith.constant 0 : i32
      %sign3A_356 = arith.cmpi sgt, %add3A_350, %sign3A_355 : i32
      %sign3A_357 = arith.extui %sign3A_356 : i1 to i32
      %sign3A_358 = arith.constant 0 : i32
      %sign3A_359 = arith.cmpi slt, %add3A_350, %sign3A_358 : i32
      %sign3A_360 = arith.extui %sign3A_359 : i1 to i32
      %sign3A_361 = arith.subi %sign3A_357, %sign3A_360 : i32
      %sign3A_362 = arith.constant 0 : i32
      %sign3A_363 = arith.cmpi sgt, %jit3A_353, %sign3A_362 : i32
      %sign3A_364 = arith.extui %sign3A_363 : i1 to i32
      %sign3A_365 = arith.constant 0 : i32
      %sign3A_366 = arith.cmpi slt, %jit3A_353, %sign3A_365 : i32
      %sign3A_367 = arith.extui %sign3A_366 : i1 to i32
      %sign3A_368 = arith.subi %sign3A_364, %sign3A_367 : i32
      %ne3A_369 = arith.cmpi ne, %sign3A_361, %sign3A_368 : i32
      %rem3A_370 = arith.remsi %add3A_350, %jit3A_353 : i32
      %ne3A_371 = arith.constant 0 : i32
      %ne3A_372 = arith.cmpi ne, %rem3A_370, %ne3A_371 : i32
      %and3A_373 = arith.andi %ne3A_369, %ne3A_372 : i1
      %sub3A_374 = arith.constant 1 : i32
      %sub3A_375 = arith.subi %div3A_354, %sub3A_374 : i32
      %select_n3A_376 = arith.select %and3A_373, %sub3A_375, %div3A_354 : i32
      %jit3A_377 = arith.constant 10 : i32
      %eq3A_378 = arith.constant 0 : i32
      %eq3A_379 = arith.cmpi eq, %jit3A_377, %eq3A_378 : i32
      %jit3A_380 = arith.constant 1 : i32
      %select_n3A_381 = arith.select %eq3A_379, %jit3A_380, %jit3A_377 : i32
      %rem3A_382 = arith.remsi %add3A_350, %select_n3A_381 : i32
      %ne3A_383 = arith.constant 0 : i32
      %ne3A_384 = arith.cmpi ne, %rem3A_382, %ne3A_383 : i32
      %lt3A_385 = arith.constant 0 : i32
      %lt3A_386 = arith.cmpi slt, %rem3A_382, %lt3A_385 : i32
      %lt3A_387 = arith.constant 0 : i32
      %lt3A_388 = arith.cmpi slt, %select_n3A_381, %lt3A_387 : i32
      %ne3A_389 = arith.xori %lt3A_386, %lt3A_388 : i1
      %and3A_390 = arith.andi %ne3A_389, %ne3A_384 : i1
      %add3A_391 = arith.addi %rem3A_382, %select_n3A_381 : i32
      %select_n3A_392 = arith.select %and3A_390, %add3A_391, %rem3A_382 : i32
      %mul3A_393 = arith.constant 16 : i32
      %mul3A_394 = arith.muli %select_n3A_392, %mul3A_393 : i32
      %dma_wait3A_395 = arith.constant 0 : i32
      %dma_wait3A_396 = arith.constant 0 : i32
      %dma_wait3A_397 = arith.constant 0 : i32
      %dma_wait3A_398 = arith.constant 0 : i32
      %dma_wait3A_399 = arith.constant 0 : i32
      %dma_wait3A_400 = tpu.memref_slice %arg4[%and3A_352, %dma_wait3A_397, %dma_wait3A_398, %dma_wait3A_399] : memref<2x8x16x224xf32, #tpu.memory_space<vmem>> -> memref<1x1x16x224xf32, #tpu.memory_space<vmem>>
      %dma_wait3A_401 = tpu.memref_squeeze %dma_wait3A_400 : memref<1x1x16x224xf32, #tpu.memory_space<vmem>> -> memref<16x224xf32, #tpu.memory_space<vmem>>
      %dma_wait3A_402 = arith.constant 0 : i32
      %dma_wait3A_403 = tpu.memref_slice %arg2[%dma_wait3A_395, %dma_wait3A_396, %select_n3A_376, %mul3A_394, %dma_wait3A_402] : memref<1x8x112x160x224xf32, #tpu.memory_space<hbm>> -> memref<1x1x1x16x224xf32, #tpu.memory_space<hbm>>
      %dma_wait3A_404 = tpu.memref_squeeze %dma_wait3A_403 : memref<1x1x1x16x224xf32, #tpu.memory_space<hbm>> -> memref<16x224xf32, #tpu.memory_space<hbm>>
      %dma_wait3A_405 = arith.constant 0 : i32
      %dma_wait3A_406 = arith.constant 0 : i32
      %dma_wait3A_407 = tpu.memref_slice %arg4[%and3A_352, %dma_wait3A_397, %dma_wait3A_405, %dma_wait3A_406] : memref<2x8x16x224xf32, #tpu.memory_space<vmem>> -> memref<1x1x16x224xf32, #tpu.memory_space<vmem>>
      %dma_wait3A_408 = tpu.memref_squeeze %dma_wait3A_407 : memref<1x1x16x224xf32, #tpu.memory_space<vmem>> -> memref<16x224xf32, #tpu.memory_space<vmem>>
      %dma_wait3A_409 = arith.constant 0 : i32
      %dma_wait3A_410 = tpu.memref_slice %arg2[%dma_wait3A_395, %dma_wait3A_396, %select_n3A_376, %mul3A_394, %dma_wait3A_409] : memref<1x8x112x160x224xf32, #tpu.memory_space<hbm>> -> memref<1x1x1x16x224xf32, #tpu.memory_space<hbm>>
      %dma_wait3A_411 = tpu.memref_squeeze %dma_wait3A_410 : memref<1x1x1x16x224xf32, #tpu.memory_space<hbm>> -> memref<16x224xf32, #tpu.memory_space<hbm>>
      tpu.wait_dma2 semaphore(%arg6 : memref<!tpu.dma_semaphore, #tpu.memory_space<semaphore_mem>>) src(%dma_wait3A_411 : memref<16x224xf32, #tpu.memory_space<hbm>>) dst(%dma_wait3A_408 : memref<16x224xf32, #tpu.memory_space<vmem>>)
      %mul3A_412 = arith.constant 16 : i32
      %mul3A_413 = arith.muli %select_n3A_392, %mul3A_412 : i32
      %dma_wait3A_414 = arith.constant 0 : i32
      %dma_wait3A_415 = arith.constant 1 : i32
      %dma_wait3A_416 = arith.constant 1 : i32
      %dma_wait3A_417 = arith.constant 0 : i32
      %dma_wait3A_418 = arith.constant 0 : i32
      %dma_wait3A_419 = tpu.memref_slice %arg4[%and3A_352, %dma_wait3A_416, %dma_wait3A_417, %dma_wait3A_418] : memref<2x8x16x224xf32, #tpu.memory_space<vmem>> -> memref<1x1x16x224xf32, #tpu.memory_space<vmem>>
      %dma_wait3A_420 = tpu.memref_squeeze %dma_wait3A_419 : memref<1x1x16x224xf32, #tpu.memory_space<vmem>> -> memref<16x224xf32, #tpu.memory_space<vmem>>
      %dma_wait3A_421 = arith.constant 0 : i32
      %dma_wait3A_422 = tpu.memref_slice %arg2[%dma_wait3A_414, %dma_wait3A_415, %select_n3A_376, %mul3A_413, %dma_wait3A_421] : memref<1x8x112x160x224xf32, #tpu.memory_space<hbm>> -> memref<1x1x1x16x224xf32, #tpu.memory_space<hbm>>
      %dma_wait3A_423 = tpu.memref_squeeze %dma_wait3A_422 : memref<1x1x1x16x224xf32, #tpu.memory_space<hbm>> -> memref<16x224xf32, #tpu.memory_space<hbm>>
      %dma_wait3A_424 = arith.constant 0 : i32
      %dma_wait3A_425 = arith.constant 0 : i32
      %dma_wait3A_426 = tpu.memref_slice %arg4[%and3A_352, %dma_wait3A_416, %dma_wait3A_424, %dma_wait3A_425] : memref<2x8x16x224xf32, #tpu.memory_space<vmem>> -> memref<1x1x16x224xf32, #tpu.memory_space<vmem>>
      %dma_wait3A_427 = tpu.memref_squeeze %dma_wait3A_426 : memref<1x1x16x224xf32, #tpu.memory_space<vmem>> -> memref<16x224xf32, #tpu.memory_space<vmem>>
      %dma_wait3A_428 = arith.constant 0 : i32
      %dma_wait3A_429 = tpu.memref_slice %arg2[%dma_wait3A_414, %dma_wait3A_415, %select_n3A_376, %mul3A_413, %dma_wait3A_428] : memref<1x8x112x160x224xf32, #tpu.memory_space<hbm>> -> memref<1x1x1x16x224xf32, #tpu.memory_space<hbm>>
      %dma_wait3A_430 = tpu.memref_squeeze %dma_wait3A_429 : memref<1x1x1x16x224xf32, #tpu.memory_space<hbm>> -> memref<16x224xf32, #tpu.memory_space<hbm>>
      tpu.wait_dma2 semaphore(%arg6 : memref<!tpu.dma_semaphore, #tpu.memory_space<semaphore_mem>>) src(%dma_wait3A_430 : memref<16x224xf32, #tpu.memory_space<hbm>>) dst(%dma_wait3A_427 : memref<16x224xf32, #tpu.memory_space<vmem>>)
      %mul3A_431 = arith.constant 16 : i32
      %mul3A_432 = arith.muli %select_n3A_392, %mul3A_431 : i32
      %dma_wait3A_433 = arith.constant 0 : i32
      %dma_wait3A_434 = arith.constant 2 : i32
      %dma_wait3A_435 = arith.constant 2 : i32
      %dma_wait3A_436 = arith.constant 0 : i32
      %dma_wait3A_437 = arith.constant 0 : i32
      %dma_wait3A_438 = tpu.memref_slice %arg4[%and3A_352, %dma_wait3A_435, %dma_wait3A_436, %dma_wait3A_437] : memref<2x8x16x224xf32, #tpu.memory_space<vmem>> -> memref<1x1x16x224xf32, #tpu.memory_space<vmem>>
      %dma_wait3A_439 = tpu.memref_squeeze %dma_wait3A_438 : memref<1x1x16x224xf32, #tpu.memory_space<vmem>> -> memref<16x224xf32, #tpu.memory_space<vmem>>
      %dma_wait3A_440 = arith.constant 0 : i32
      %dma_wait3A_441 = tpu.memref_slice %arg2[%dma_wait3A_433, %dma_wait3A_434, %select_n3A_376, %mul3A_432, %dma_wait3A_440] : memref<1x8x112x160x224xf32, #tpu.memory_space<hbm>> -> memref<1x1x1x16x224xf32, #tpu.memory_space<hbm>>
      %dma_wait3A_442 = tpu.memref_squeeze %dma_wait3A_441 : memref<1x1x1x16x224xf32, #tpu.memory_space<hbm>> -> memref<16x224xf32, #tpu.memory_space<hbm>>
      %dma_wait3A_443 = arith.constant 0 : i32
      %dma_wait3A_444 = arith.constant 0 : i32
      %dma_wait3A_445 = tpu.memref_slice %arg4[%and3A_352, %dma_wait3A_435, %dma_wait3A_443, %dma_wait3A_444] : memref<2x8x16x224xf32, #tpu.memory_space<vmem>> -> memref<1x1x16x224xf32, #tpu.memory_space<vmem>>
      %dma_wait3A_446 = tpu.memref_squeeze %dma_wait3A_445 : memref<1x1x16x224xf32, #tpu.memory_space<vmem>> -> memref<16x224xf32, #tpu.memory_space<vmem>>
      %dma_wait3A_447 = arith.constant 0 : i32
      %dma_wait3A_448 = tpu.memref_slice %arg2[%dma_wait3A_433, %dma_wait3A_434, %select_n3A_376, %mul3A_432, %dma_wait3A_447] : memref<1x8x112x160x224xf32, #tpu.memory_space<hbm>> -> memref<1x1x1x16x224xf32, #tpu.memory_space<hbm>>
      %dma_wait3A_449 = tpu.memref_squeeze %dma_wait3A_448 : memref<1x1x1x16x224xf32, #tpu.memory_space<hbm>> -> memref<16x224xf32, #tpu.memory_space<hbm>>
      tpu.wait_dma2 semaphore(%arg6 : memref<!tpu.dma_semaphore, #tpu.memory_space<semaphore_mem>>) src(%dma_wait3A_449 : memref<16x224xf32, #tpu.memory_space<hbm>>) dst(%dma_wait3A_446 : memref<16x224xf32, #tpu.memory_space<vmem>>)
      %mul3A_450 = arith.constant 16 : i32
      %mul3A_451 = arith.muli %select_n3A_392, %mul3A_450 : i32
      %dma_wait3A_452 = arith.constant 0 : i32
      %dma_wait3A_453 = arith.constant 3 : i32
      %dma_wait3A_454 = arith.constant 3 : i32
      %dma_wait3A_455 = arith.constant 0 : i32
      %dma_wait3A_456 = arith.constant 0 : i32
      %dma_wait3A_457 = tpu.memref_slice %arg4[%and3A_352, %dma_wait3A_454, %dma_wait3A_455, %dma_wait3A_456] : memref<2x8x16x224xf32, #tpu.memory_space<vmem>> -> memref<1x1x16x224xf32, #tpu.memory_space<vmem>>
      %dma_wait3A_458 = tpu.memref_squeeze %dma_wait3A_457 : memref<1x1x16x224xf32, #tpu.memory_space<vmem>> -> memref<16x224xf32, #tpu.memory_space<vmem>>
      %dma_wait3A_459 = arith.constant 0 : i32
      %dma_wait3A_460 = tpu.memref_slice %arg2[%dma_wait3A_452, %dma_wait3A_453, %select_n3A_376, %mul3A_451, %dma_wait3A_459] : memref<1x8x112x160x224xf32, #tpu.memory_space<hbm>> -> memref<1x1x1x16x224xf32, #tpu.memory_space<hbm>>
      %dma_wait3A_461 = tpu.memref_squeeze %dma_wait3A_460 : memref<1x1x1x16x224xf32, #tpu.memory_space<hbm>> -> memref<16x224xf32, #tpu.memory_space<hbm>>
      %dma_wait3A_462 = arith.constant 0 : i32
      %dma_wait3A_463 = arith.constant 0 : i32
      %dma_wait3A_464 = tpu.memref_slice %arg4[%and3A_352, %dma_wait3A_454, %dma_wait3A_462, %dma_wait3A_463] : memref<2x8x16x224xf32, #tpu.memory_space<vmem>> -> memref<1x1x16x224xf32, #tpu.memory_space<vmem>>
      %dma_wait3A_465 = tpu.memref_squeeze %dma_wait3A_464 : memref<1x1x16x224xf32, #tpu.memory_space<vmem>> -> memref<16x224xf32, #tpu.memory_space<vmem>>
      %dma_wait3A_466 = arith.constant 0 : i32
      %dma_wait3A_467 = tpu.memref_slice %arg2[%dma_wait3A_452, %dma_wait3A_453, %select_n3A_376, %mul3A_451, %dma_wait3A_466] : memref<1x8x112x160x224xf32, #tpu.memory_space<hbm>> -> memref<1x1x1x16x224xf32, #tpu.memory_space<hbm>>
      %dma_wait3A_468 = tpu.memref_squeeze %dma_wait3A_467 : memref<1x1x1x16x224xf32, #tpu.memory_space<hbm>> -> memref<16x224xf32, #tpu.memory_space<hbm>>
      tpu.wait_dma2 semaphore(%arg6 : memref<!tpu.dma_semaphore, #tpu.memory_space<semaphore_mem>>) src(%dma_wait3A_468 : memref<16x224xf32, #tpu.memory_space<hbm>>) dst(%dma_wait3A_465 : memref<16x224xf32, #tpu.memory_space<vmem>>)
      %mul3A_469 = arith.constant 16 : i32
      %mul3A_470 = arith.muli %select_n3A_392, %mul3A_469 : i32
      %dma_wait3A_471 = arith.constant 0 : i32
      %dma_wait3A_472 = arith.constant 4 : i32
      %dma_wait3A_473 = arith.constant 4 : i32
      %dma_wait3A_474 = arith.constant 0 : i32
      %dma_wait3A_475 = arith.constant 0 : i32
      %dma_wait3A_476 = tpu.memref_slice %arg4[%and3A_352, %dma_wait3A_473, %dma_wait3A_474, %dma_wait3A_475] : memref<2x8x16x224xf32, #tpu.memory_space<vmem>> -> memref<1x1x16x224xf32, #tpu.memory_space<vmem>>
      %dma_wait3A_477 = tpu.memref_squeeze %dma_wait3A_476 : memref<1x1x16x224xf32, #tpu.memory_space<vmem>> -> memref<16x224xf32, #tpu.memory_space<vmem>>
      %dma_wait3A_478 = arith.constant 0 : i32
      %dma_wait3A_479 = tpu.memref_slice %arg2[%dma_wait3A_471, %dma_wait3A_472, %select_n3A_376, %mul3A_470, %dma_wait3A_478] : memref<1x8x112x160x224xf32, #tpu.memory_space<hbm>> -> memref<1x1x1x16x224xf32, #tpu.memory_space<hbm>>
      %dma_wait3A_480 = tpu.memref_squeeze %dma_wait3A_479 : memref<1x1x1x16x224xf32, #tpu.memory_space<hbm>> -> memref<16x224xf32, #tpu.memory_space<hbm>>
      %dma_wait3A_481 = arith.constant 0 : i32
      %dma_wait3A_482 = arith.constant 0 : i32
      %dma_wait3A_483 = tpu.memref_slice %arg4[%and3A_352, %dma_wait3A_473, %dma_wait3A_481, %dma_wait3A_482] : memref<2x8x16x224xf32, #tpu.memory_space<vmem>> -> memref<1x1x16x224xf32, #tpu.memory_space<vmem>>
      %dma_wait3A_484 = tpu.memref_squeeze %dma_wait3A_483 : memref<1x1x16x224xf32, #tpu.memory_space<vmem>> -> memref<16x224xf32, #tpu.memory_space<vmem>>
      %dma_wait3A_485 = arith.constant 0 : i32
      %dma_wait3A_486 = tpu.memref_slice %arg2[%dma_wait3A_471, %dma_wait3A_472, %select_n3A_376, %mul3A_470, %dma_wait3A_485] : memref<1x8x112x160x224xf32, #tpu.memory_space<hbm>> -> memref<1x1x1x16x224xf32, #tpu.memory_space<hbm>>
      %dma_wait3A_487 = tpu.memref_squeeze %dma_wait3A_486 : memref<1x1x1x16x224xf32, #tpu.memory_space<hbm>> -> memref<16x224xf32, #tpu.memory_space<hbm>>
      tpu.wait_dma2 semaphore(%arg6 : memref<!tpu.dma_semaphore, #tpu.memory_space<semaphore_mem>>) src(%dma_wait3A_487 : memref<16x224xf32, #tpu.memory_space<hbm>>) dst(%dma_wait3A_484 : memref<16x224xf32, #tpu.memory_space<vmem>>)
      %mul3A_488 = arith.constant 16 : i32
      %mul3A_489 = arith.muli %select_n3A_392, %mul3A_488 : i32
      %dma_wait3A_490 = arith.constant 0 : i32
      %dma_wait3A_491 = arith.constant 5 : i32
      %dma_wait3A_492 = arith.constant 5 : i32
      %dma_wait3A_493 = arith.constant 0 : i32
      %dma_wait3A_494 = arith.constant 0 : i32
      %dma_wait3A_495 = tpu.memref_slice %arg4[%and3A_352, %dma_wait3A_492, %dma_wait3A_493, %dma_wait3A_494] : memref<2x8x16x224xf32, #tpu.memory_space<vmem>> -> memref<1x1x16x224xf32, #tpu.memory_space<vmem>>
      %dma_wait3A_496 = tpu.memref_squeeze %dma_wait3A_495 : memref<1x1x16x224xf32, #tpu.memory_space<vmem>> -> memref<16x224xf32, #tpu.memory_space<vmem>>
      %dma_wait3A_497 = arith.constant 0 : i32
      %dma_wait3A_498 = tpu.memref_slice %arg2[%dma_wait3A_490, %dma_wait3A_491, %select_n3A_376, %mul3A_489, %dma_wait3A_497] : memref<1x8x112x160x224xf32, #tpu.memory_space<hbm>> -> memref<1x1x1x16x224xf32, #tpu.memory_space<hbm>>
      %dma_wait3A_499 = tpu.memref_squeeze %dma_wait3A_498 : memref<1x1x1x16x224xf32, #tpu.memory_space<hbm>> -> memref<16x224xf32, #tpu.memory_space<hbm>>
      %dma_wait3A_500 = arith.constant 0 : i32
      %dma_wait3A_501 = arith.constant 0 : i32
      %dma_wait3A_502 = tpu.memref_slice %arg4[%and3A_352, %dma_wait3A_492, %dma_wait3A_500, %dma_wait3A_501] : memref<2x8x16x224xf32, #tpu.memory_space<vmem>> -> memref<1x1x16x224xf32, #tpu.memory_space<vmem>>
      %dma_wait3A_503 = tpu.memref_squeeze %dma_wait3A_502 : memref<1x1x16x224xf32, #tpu.memory_space<vmem>> -> memref<16x224xf32, #tpu.memory_space<vmem>>
      %dma_wait3A_504 = arith.constant 0 : i32
      %dma_wait3A_505 = tpu.memref_slice %arg2[%dma_wait3A_490, %dma_wait3A_491, %select_n3A_376, %mul3A_489, %dma_wait3A_504] : memref<1x8x112x160x224xf32, #tpu.memory_space<hbm>> -> memref<1x1x1x16x224xf32, #tpu.memory_space<hbm>>
      %dma_wait3A_506 = tpu.memref_squeeze %dma_wait3A_505 : memref<1x1x1x16x224xf32, #tpu.memory_space<hbm>> -> memref<16x224xf32, #tpu.memory_space<hbm>>
      tpu.wait_dma2 semaphore(%arg6 : memref<!tpu.dma_semaphore, #tpu.memory_space<semaphore_mem>>) src(%dma_wait3A_506 : memref<16x224xf32, #tpu.memory_space<hbm>>) dst(%dma_wait3A_503 : memref<16x224xf32, #tpu.memory_space<vmem>>)
      %mul3A_507 = arith.constant 16 : i32
      %mul3A_508 = arith.muli %select_n3A_392, %mul3A_507 : i32
      %dma_wait3A_509 = arith.constant 0 : i32
      %dma_wait3A_510 = arith.constant 6 : i32
      %dma_wait3A_511 = arith.constant 6 : i32
      %dma_wait3A_512 = arith.constant 0 : i32
      %dma_wait3A_513 = arith.constant 0 : i32
      %dma_wait3A_514 = tpu.memref_slice %arg4[%and3A_352, %dma_wait3A_511, %dma_wait3A_512, %dma_wait3A_513] : memref<2x8x16x224xf32, #tpu.memory_space<vmem>> -> memref<1x1x16x224xf32, #tpu.memory_space<vmem>>
      %dma_wait3A_515 = tpu.memref_squeeze %dma_wait3A_514 : memref<1x1x16x224xf32, #tpu.memory_space<vmem>> -> memref<16x224xf32, #tpu.memory_space<vmem>>
      %dma_wait3A_516 = arith.constant 0 : i32
      %dma_wait3A_517 = tpu.memref_slice %arg2[%dma_wait3A_509, %dma_wait3A_510, %select_n3A_376, %mul3A_508, %dma_wait3A_516] : memref<1x8x112x160x224xf32, #tpu.memory_space<hbm>> -> memref<1x1x1x16x224xf32, #tpu.memory_space<hbm>>
      %dma_wait3A_518 = tpu.memref_squeeze %dma_wait3A_517 : memref<1x1x1x16x224xf32, #tpu.memory_space<hbm>> -> memref<16x224xf32, #tpu.memory_space<hbm>>
      %dma_wait3A_519 = arith.constant 0 : i32
      %dma_wait3A_520 = arith.constant 0 : i32
      %dma_wait3A_521 = tpu.memref_slice %arg4[%and3A_352, %dma_wait3A_511, %dma_wait3A_519, %dma_wait3A_520] : memref<2x8x16x224xf32, #tpu.memory_space<vmem>> -> memref<1x1x16x224xf32, #tpu.memory_space<vmem>>
      %dma_wait3A_522 = tpu.memref_squeeze %dma_wait3A_521 : memref<1x1x16x224xf32, #tpu.memory_space<vmem>> -> memref<16x224xf32, #tpu.memory_space<vmem>>
      %dma_wait3A_523 = arith.constant 0 : i32
      %dma_wait3A_524 = tpu.memref_slice %arg2[%dma_wait3A_509, %dma_wait3A_510, %select_n3A_376, %mul3A_508, %dma_wait3A_523] : memref<1x8x112x160x224xf32, #tpu.memory_space<hbm>> -> memref<1x1x1x16x224xf32, #tpu.memory_space<hbm>>
      %dma_wait3A_525 = tpu.memref_squeeze %dma_wait3A_524 : memref<1x1x1x16x224xf32, #tpu.memory_space<hbm>> -> memref<16x224xf32, #tpu.memory_space<hbm>>
      tpu.wait_dma2 semaphore(%arg6 : memref<!tpu.dma_semaphore, #tpu.memory_space<semaphore_mem>>) src(%dma_wait3A_525 : memref<16x224xf32, #tpu.memory_space<hbm>>) dst(%dma_wait3A_522 : memref<16x224xf32, #tpu.memory_space<vmem>>)
      %mul3A_526 = arith.constant 16 : i32
      %mul3A_527 = arith.muli %select_n3A_392, %mul3A_526 : i32
      %dma_wait3A_528 = arith.constant 0 : i32
      %dma_wait3A_529 = arith.constant 7 : i32
      %dma_wait3A_530 = arith.constant 7 : i32
      %dma_wait3A_531 = arith.constant 0 : i32
      %dma_wait3A_532 = arith.constant 0 : i32
      %dma_wait3A_533 = tpu.memref_slice %arg4[%and3A_352, %dma_wait3A_530, %dma_wait3A_531, %dma_wait3A_532] : memref<2x8x16x224xf32, #tpu.memory_space<vmem>> -> memref<1x1x16x224xf32, #tpu.memory_space<vmem>>
      %dma_wait3A_534 = tpu.memref_squeeze %dma_wait3A_533 : memref<1x1x16x224xf32, #tpu.memory_space<vmem>> -> memref<16x224xf32, #tpu.memory_space<vmem>>
      %dma_wait3A_535 = arith.constant 0 : i32
      %dma_wait3A_536 = tpu.memref_slice %arg2[%dma_wait3A_528, %dma_wait3A_529, %select_n3A_376, %mul3A_527, %dma_wait3A_535] : memref<1x8x112x160x224xf32, #tpu.memory_space<hbm>> -> memref<1x1x1x16x224xf32, #tpu.memory_space<hbm>>
      %dma_wait3A_537 = tpu.memref_squeeze %dma_wait3A_536 : memref<1x1x1x16x224xf32, #tpu.memory_space<hbm>> -> memref<16x224xf32, #tpu.memory_space<hbm>>
      %dma_wait3A_538 = arith.constant 0 : i32
      %dma_wait3A_539 = arith.constant 0 : i32
      %dma_wait3A_540 = tpu.memref_slice %arg4[%and3A_352, %dma_wait3A_530, %dma_wait3A_538, %dma_wait3A_539] : memref<2x8x16x224xf32, #tpu.memory_space<vmem>> -> memref<1x1x16x224xf32, #tpu.memory_space<vmem>>
      %dma_wait3A_541 = tpu.memref_squeeze %dma_wait3A_540 : memref<1x1x16x224xf32, #tpu.memory_space<vmem>> -> memref<16x224xf32, #tpu.memory_space<vmem>>
      %dma_wait3A_542 = arith.constant 0 : i32
      %dma_wait3A_543 = tpu.memref_slice %arg2[%dma_wait3A_528, %dma_wait3A_529, %select_n3A_376, %mul3A_527, %dma_wait3A_542] : memref<1x8x112x160x224xf32, #tpu.memory_space<hbm>> -> memref<1x1x1x16x224xf32, #tpu.memory_space<hbm>>
      %dma_wait3A_544 = tpu.memref_squeeze %dma_wait3A_543 : memref<1x1x1x16x224xf32, #tpu.memory_space<hbm>> -> memref<16x224xf32, #tpu.memory_space<hbm>>
      tpu.wait_dma2 semaphore(%arg6 : memref<!tpu.dma_semaphore, #tpu.memory_space<semaphore_mem>>) src(%dma_wait3A_544 : memref<16x224xf32, #tpu.memory_space<hbm>>) dst(%dma_wait3A_541 : memref<16x224xf32, #tpu.memory_space<vmem>>)
      %add3A_545 = arith.constant 1 : i32
      %add3A_546 = arith.addi %scan3A_349, %add3A_545 : i32
      %lt3A_547 = arith.constant 35 : i32
      %lt3A_548 = arith.cmpi slt, %add3A_546, %lt3A_547 : i32
      %convert_element_type3A = arith.extui %lt3A_548 : i1 to i32
      %cond3A = arith.constant 0 : i32
      %cond3A_549 = arith.cmpi ne, %convert_element_type3A, %cond3A : i32
      scf.if %cond3A_549 {
        %add3A_617 = arith.constant 1 : i32
        %add3A_618 = arith.addi %add3A_350, %add3A_617 : i32
        %add3A_619 = arith.constant 1 : i32
        %add3A_620 = arith.addi %scan3A_349, %add3A_619 : i32
        %and3A_621 = arith.constant 1 : i32
        %and3A_622 = arith.andi %add3A_620, %and3A_621 : i32
        %jit3A_623 = arith.constant 10 : i32
        %div3A_624 = arith.divsi %add3A_618, %jit3A_623 : i32
        %sign3A_625 = arith.constant 0 : i32
        %sign3A_626 = arith.cmpi sgt, %add3A_618, %sign3A_625 : i32
        %sign3A_627 = arith.extui %sign3A_626 : i1 to i32
        %sign3A_628 = arith.constant 0 : i32
        %sign3A_629 = arith.cmpi slt, %add3A_618, %sign3A_628 : i32
        %sign3A_630 = arith.extui %sign3A_629 : i1 to i32
        %sign3A_631 = arith.subi %sign3A_627, %sign3A_630 : i32
        %sign3A_632 = arith.constant 0 : i32
        %sign3A_633 = arith.cmpi sgt, %jit3A_623, %sign3A_632 : i32
        %sign3A_634 = arith.extui %sign3A_633 : i1 to i32
        %sign3A_635 = arith.constant 0 : i32
        %sign3A_636 = arith.cmpi slt, %jit3A_623, %sign3A_635 : i32
        %sign3A_637 = arith.extui %sign3A_636 : i1 to i32
        %sign3A_638 = arith.subi %sign3A_634, %sign3A_637 : i32
        %ne3A_639 = arith.cmpi ne, %sign3A_631, %sign3A_638 : i32
        %rem3A_640 = arith.remsi %add3A_618, %jit3A_623 : i32
        %ne3A_641 = arith.constant 0 : i32
        %ne3A_642 = arith.cmpi ne, %rem3A_640, %ne3A_641 : i32
        %and3A_643 = arith.andi %ne3A_639, %ne3A_642 : i1
        %sub3A_644 = arith.constant 1 : i32
        %sub3A_645 = arith.subi %div3A_624, %sub3A_644 : i32
        %select_n3A_646 = arith.select %and3A_643, %sub3A_645, %div3A_624 : i32
        %jit3A_647 = arith.constant 10 : i32
        %eq3A_648 = arith.constant 0 : i32
        %eq3A_649 = arith.cmpi eq, %jit3A_647, %eq3A_648 : i32
        %jit3A_650 = arith.constant 1 : i32
        %select_n3A_651 = arith.select %eq3A_649, %jit3A_650, %jit3A_647 : i32
        %rem3A_652 = arith.remsi %add3A_618, %select_n3A_651 : i32
        %ne3A_653 = arith.constant 0 : i32
        %ne3A_654 = arith.cmpi ne, %rem3A_652, %ne3A_653 : i32
        %lt3A_655 = arith.constant 0 : i32
        %lt3A_656 = arith.cmpi slt, %rem3A_652, %lt3A_655 : i32
        %lt3A_657 = arith.constant 0 : i32
        %lt3A_658 = arith.cmpi slt, %select_n3A_651, %lt3A_657 : i32
        %ne3A_659 = arith.xori %lt3A_656, %lt3A_658 : i1
        %and3A_660 = arith.andi %ne3A_659, %ne3A_654 : i1
        %add3A_661 = arith.addi %rem3A_652, %select_n3A_651 : i32
        %select_n3A_662 = arith.select %and3A_660, %add3A_661, %rem3A_652 : i32
        %mul3A_663 = arith.constant 16 : i32
        %mul3A_664 = arith.muli %select_n3A_662, %mul3A_663 : i32
        %dma_start3A_665 = arith.constant 0 : i32
        %dma_start3A_666 = arith.constant 0 : i32
        %dma_start3A_667 = arith.constant 0 : i32
        %dma_start3A_668 = arith.constant 0 : i32
        %dma_start3A_669 = arith.constant 0 : i32
        %dma_start3A_670 = tpu.memref_slice %arg4[%and3A_622, %dma_start3A_667, %dma_start3A_668, %dma_start3A_669] : memref<2x8x16x224xf32, #tpu.memory_space<vmem>> -> memref<1x1x16x224xf32, #tpu.memory_space<vmem>>
        %dma_start3A_671 = tpu.memref_squeeze %dma_start3A_670 : memref<1x1x16x224xf32, #tpu.memory_space<vmem>> -> memref<16x224xf32, #tpu.memory_space<vmem>>
        %dma_start3A_672 = arith.constant 0 : i32
        %dma_start3A_673 = tpu.memref_slice %arg2[%dma_start3A_665, %dma_start3A_666, %select_n3A_646, %mul3A_664, %dma_start3A_672] : memref<1x8x112x160x224xf32, #tpu.memory_space<hbm>> -> memref<1x1x1x16x224xf32, #tpu.memory_space<hbm>>
        %dma_start3A_674 = tpu.memref_squeeze %dma_start3A_673 : memref<1x1x1x16x224xf32, #tpu.memory_space<hbm>> -> memref<16x224xf32, #tpu.memory_space<hbm>>
        %dma_start3A_675 = arith.constant 0 : i32
        %dma_start3A_676 = arith.constant 0 : i32
        %dma_start3A_677 = tpu.memref_slice %arg4[%and3A_622, %dma_start3A_667, %dma_start3A_675, %dma_start3A_676] : memref<2x8x16x224xf32, #tpu.memory_space<vmem>> -> memref<1x1x16x224xf32, #tpu.memory_space<vmem>>
        %dma_start3A_678 = tpu.memref_squeeze %dma_start3A_677 : memref<1x1x16x224xf32, #tpu.memory_space<vmem>> -> memref<16x224xf32, #tpu.memory_space<vmem>>
        %dma_start3A_679 = arith.constant 0 : i32
        %dma_start3A_680 = tpu.memref_slice %arg2[%dma_start3A_665, %dma_start3A_666, %select_n3A_646, %mul3A_664, %dma_start3A_679] : memref<1x8x112x160x224xf32, #tpu.memory_space<hbm>> -> memref<1x1x1x16x224xf32, #tpu.memory_space<hbm>>
        %dma_start3A_681 = tpu.memref_squeeze %dma_start3A_680 : memref<1x1x1x16x224xf32, #tpu.memory_space<hbm>> -> memref<16x224xf32, #tpu.memory_space<hbm>>
        tpu.enqueue_dma source(%dma_start3A_681 : memref<16x224xf32, #tpu.memory_space<hbm>>) target(%dma_start3A_678 : memref<16x224xf32, #tpu.memory_space<vmem>>) target_semaphore(%arg6 : memref<!tpu.dma_semaphore, #tpu.memory_space<semaphore_mem>>)
        %mul3A_682 = arith.constant 16 : i32
        %mul3A_683 = arith.muli %select_n3A_662, %mul3A_682 : i32
        %dma_start3A_684 = arith.constant 0 : i32
        %dma_start3A_685 = arith.constant 1 : i32
        %dma_start3A_686 = arith.constant 1 : i32
        %dma_start3A_687 = arith.constant 0 : i32
        %dma_start3A_688 = arith.constant 0 : i32
        %dma_start3A_689 = tpu.memref_slice %arg4[%and3A_622, %dma_start3A_686, %dma_start3A_687, %dma_start3A_688] : memref<2x8x16x224xf32, #tpu.memory_space<vmem>> -> memref<1x1x16x224xf32, #tpu.memory_space<vmem>>
        %dma_start3A_690 = tpu.memref_squeeze %dma_start3A_689 : memref<1x1x16x224xf32, #tpu.memory_space<vmem>> -> memref<16x224xf32, #tpu.memory_space<vmem>>
        %dma_start3A_691 = arith.constant 0 : i32
        %dma_start3A_692 = tpu.memref_slice %arg2[%dma_start3A_684, %dma_start3A_685, %select_n3A_646, %mul3A_683, %dma_start3A_691] : memref<1x8x112x160x224xf32, #tpu.memory_space<hbm>> -> memref<1x1x1x16x224xf32, #tpu.memory_space<hbm>>
        %dma_start3A_693 = tpu.memref_squeeze %dma_start3A_692 : memref<1x1x1x16x224xf32, #tpu.memory_space<hbm>> -> memref<16x224xf32, #tpu.memory_space<hbm>>
        %dma_start3A_694 = arith.constant 0 : i32
        %dma_start3A_695 = arith.constant 0 : i32
        %dma_start3A_696 = tpu.memref_slice %arg4[%and3A_622, %dma_start3A_686, %dma_start3A_694, %dma_start3A_695] : memref<2x8x16x224xf32, #tpu.memory_space<vmem>> -> memref<1x1x16x224xf32, #tpu.memory_space<vmem>>
        %dma_start3A_697 = tpu.memref_squeeze %dma_start3A_696 : memref<1x1x16x224xf32, #tpu.memory_space<vmem>> -> memref<16x224xf32, #tpu.memory_space<vmem>>
        %dma_start3A_698 = arith.constant 0 : i32
        %dma_start3A_699 = tpu.memref_slice %arg2[%dma_start3A_684, %dma_start3A_685, %select_n3A_646, %mul3A_683, %dma_start3A_698] : memref<1x8x112x160x224xf32, #tpu.memory_space<hbm>> -> memref<1x1x1x16x224xf32, #tpu.memory_space<hbm>>
        %dma_start3A_700 = tpu.memref_squeeze %dma_start3A_699 : memref<1x1x1x16x224xf32, #tpu.memory_space<hbm>> -> memref<16x224xf32, #tpu.memory_space<hbm>>
        tpu.enqueue_dma source(%dma_start3A_700 : memref<16x224xf32, #tpu.memory_space<hbm>>) target(%dma_start3A_697 : memref<16x224xf32, #tpu.memory_space<vmem>>) target_semaphore(%arg6 : memref<!tpu.dma_semaphore, #tpu.memory_space<semaphore_mem>>)
        %mul3A_701 = arith.constant 16 : i32
        %mul3A_702 = arith.muli %select_n3A_662, %mul3A_701 : i32
        %dma_start3A_703 = arith.constant 0 : i32
        %dma_start3A_704 = arith.constant 2 : i32
        %dma_start3A_705 = arith.constant 2 : i32
        %dma_start3A_706 = arith.constant 0 : i32
        %dma_start3A_707 = arith.constant 0 : i32
        %dma_start3A_708 = tpu.memref_slice %arg4[%and3A_622, %dma_start3A_705, %dma_start3A_706, %dma_start3A_707] : memref<2x8x16x224xf32, #tpu.memory_space<vmem>> -> memref<1x1x16x224xf32, #tpu.memory_space<vmem>>
        %dma_start3A_709 = tpu.memref_squeeze %dma_start3A_708 : memref<1x1x16x224xf32, #tpu.memory_space<vmem>> -> memref<16x224xf32, #tpu.memory_space<vmem>>
        %dma_start3A_710 = arith.constant 0 : i32
        %dma_start3A_711 = tpu.memref_slice %arg2[%dma_start3A_703, %dma_start3A_704, %select_n3A_646, %mul3A_702, %dma_start3A_710] : memref<1x8x112x160x224xf32, #tpu.memory_space<hbm>> -> memref<1x1x1x16x224xf32, #tpu.memory_space<hbm>>
        %dma_start3A_712 = tpu.memref_squeeze %dma_start3A_711 : memref<1x1x1x16x224xf32, #tpu.memory_space<hbm>> -> memref<16x224xf32, #tpu.memory_space<hbm>>
        %dma_start3A_713 = arith.constant 0 : i32
        %dma_start3A_714 = arith.constant 0 : i32
        %dma_start3A_715 = tpu.memref_slice %arg4[%and3A_622, %dma_start3A_705, %dma_start3A_713, %dma_start3A_714] : memref<2x8x16x224xf32, #tpu.memory_space<vmem>> -> memref<1x1x16x224xf32, #tpu.memory_space<vmem>>
        %dma_start3A_716 = tpu.memref_squeeze %dma_start3A_715 : memref<1x1x16x224xf32, #tpu.memory_space<vmem>> -> memref<16x224xf32, #tpu.memory_space<vmem>>
        %dma_start3A_717 = arith.constant 0 : i32
        %dma_start3A_718 = tpu.memref_slice %arg2[%dma_start3A_703, %dma_start3A_704, %select_n3A_646, %mul3A_702, %dma_start3A_717] : memref<1x8x112x160x224xf32, #tpu.memory_space<hbm>> -> memref<1x1x1x16x224xf32, #tpu.memory_space<hbm>>
        %dma_start3A_719 = tpu.memref_squeeze %dma_start3A_718 : memref<1x1x1x16x224xf32, #tpu.memory_space<hbm>> -> memref<16x224xf32, #tpu.memory_space<hbm>>
        tpu.enqueue_dma source(%dma_start3A_719 : memref<16x224xf32, #tpu.memory_space<hbm>>) target(%dma_start3A_716 : memref<16x224xf32, #tpu.memory_space<vmem>>) target_semaphore(%arg6 : memref<!tpu.dma_semaphore, #tpu.memory_space<semaphore_mem>>)
        %mul3A_720 = arith.constant 16 : i32
        %mul3A_721 = arith.muli %select_n3A_662, %mul3A_720 : i32
        %dma_start3A_722 = arith.constant 0 : i32
        %dma_start3A_723 = arith.constant 3 : i32
        %dma_start3A_724 = arith.constant 3 : i32
        %dma_start3A_725 = arith.constant 0 : i32
        %dma_start3A_726 = arith.constant 0 : i32
        %dma_start3A_727 = tpu.memref_slice %arg4[%and3A_622, %dma_start3A_724, %dma_start3A_725, %dma_start3A_726] : memref<2x8x16x224xf32, #tpu.memory_space<vmem>> -> memref<1x1x16x224xf32, #tpu.memory_space<vmem>>
        %dma_start3A_728 = tpu.memref_squeeze %dma_start3A_727 : memref<1x1x16x224xf32, #tpu.memory_space<vmem>> -> memref<16x224xf32, #tpu.memory_space<vmem>>
        %dma_start3A_729 = arith.constant 0 : i32
        %dma_start3A_730 = tpu.memref_slice %arg2[%dma_start3A_722, %dma_start3A_723, %select_n3A_646, %mul3A_721, %dma_start3A_729] : memref<1x8x112x160x224xf32, #tpu.memory_space<hbm>> -> memref<1x1x1x16x224xf32, #tpu.memory_space<hbm>>
        %dma_start3A_731 = tpu.memref_squeeze %dma_start3A_730 : memref<1x1x1x16x224xf32, #tpu.memory_space<hbm>> -> memref<16x224xf32, #tpu.memory_space<hbm>>
        %dma_start3A_732 = arith.constant 0 : i32
        %dma_start3A_733 = arith.constant 0 : i32
        %dma_start3A_734 = tpu.memref_slice %arg4[%and3A_622, %dma_start3A_724, %dma_start3A_732, %dma_start3A_733] : memref<2x8x16x224xf32, #tpu.memory_space<vmem>> -> memref<1x1x16x224xf32, #tpu.memory_space<vmem>>
        %dma_start3A_735 = tpu.memref_squeeze %dma_start3A_734 : memref<1x1x16x224xf32, #tpu.memory_space<vmem>> -> memref<16x224xf32, #tpu.memory_space<vmem>>
        %dma_start3A_736 = arith.constant 0 : i32
        %dma_start3A_737 = tpu.memref_slice %arg2[%dma_start3A_722, %dma_start3A_723, %select_n3A_646, %mul3A_721, %dma_start3A_736] : memref<1x8x112x160x224xf32, #tpu.memory_space<hbm>> -> memref<1x1x1x16x224xf32, #tpu.memory_space<hbm>>
        %dma_start3A_738 = tpu.memref_squeeze %dma_start3A_737 : memref<1x1x1x16x224xf32, #tpu.memory_space<hbm>> -> memref<16x224xf32, #tpu.memory_space<hbm>>
        tpu.enqueue_dma source(%dma_start3A_738 : memref<16x224xf32, #tpu.memory_space<hbm>>) target(%dma_start3A_735 : memref<16x224xf32, #tpu.memory_space<vmem>>) target_semaphore(%arg6 : memref<!tpu.dma_semaphore, #tpu.memory_space<semaphore_mem>>)
        %mul3A_739 = arith.constant 16 : i32
        %mul3A_740 = arith.muli %select_n3A_662, %mul3A_739 : i32
        %dma_start3A_741 = arith.constant 0 : i32
        %dma_start3A_742 = arith.constant 4 : i32
        %dma_start3A_743 = arith.constant 4 : i32
        %dma_start3A_744 = arith.constant 0 : i32
        %dma_start3A_745 = arith.constant 0 : i32
        %dma_start3A_746 = tpu.memref_slice %arg4[%and3A_622, %dma_start3A_743, %dma_start3A_744, %dma_start3A_745] : memref<2x8x16x224xf32, #tpu.memory_space<vmem>> -> memref<1x1x16x224xf32, #tpu.memory_space<vmem>>
        %dma_start3A_747 = tpu.memref_squeeze %dma_start3A_746 : memref<1x1x16x224xf32, #tpu.memory_space<vmem>> -> memref<16x224xf32, #tpu.memory_space<vmem>>
        %dma_start3A_748 = arith.constant 0 : i32
        %dma_start3A_749 = tpu.memref_slice %arg2[%dma_start3A_741, %dma_start3A_742, %select_n3A_646, %mul3A_740, %dma_start3A_748] : memref<1x8x112x160x224xf32, #tpu.memory_space<hbm>> -> memref<1x1x1x16x224xf32, #tpu.memory_space<hbm>>
        %dma_start3A_750 = tpu.memref_squeeze %dma_start3A_749 : memref<1x1x1x16x224xf32, #tpu.memory_space<hbm>> -> memref<16x224xf32, #tpu.memory_space<hbm>>
        %dma_start3A_751 = arith.constant 0 : i32
        %dma_start3A_752 = arith.constant 0 : i32
        %dma_start3A_753 = tpu.memref_slice %arg4[%and3A_622, %dma_start3A_743, %dma_start3A_751, %dma_start3A_752] : memref<2x8x16x224xf32, #tpu.memory_space<vmem>> -> memref<1x1x16x224xf32, #tpu.memory_space<vmem>>
        %dma_start3A_754 = tpu.memref_squeeze %dma_start3A_753 : memref<1x1x16x224xf32, #tpu.memory_space<vmem>> -> memref<16x224xf32, #tpu.memory_space<vmem>>
        %dma_start3A_755 = arith.constant 0 : i32
        %dma_start3A_756 = tpu.memref_slice %arg2[%dma_start3A_741, %dma_start3A_742, %select_n3A_646, %mul3A_740, %dma_start3A_755] : memref<1x8x112x160x224xf32, #tpu.memory_space<hbm>> -> memref<1x1x1x16x224xf32, #tpu.memory_space<hbm>>
        %dma_start3A_757 = tpu.memref_squeeze %dma_start3A_756 : memref<1x1x1x16x224xf32, #tpu.memory_space<hbm>> -> memref<16x224xf32, #tpu.memory_space<hbm>>
        tpu.enqueue_dma source(%dma_start3A_757 : memref<16x224xf32, #tpu.memory_space<hbm>>) target(%dma_start3A_754 : memref<16x224xf32, #tpu.memory_space<vmem>>) target_semaphore(%arg6 : memref<!tpu.dma_semaphore, #tpu.memory_space<semaphore_mem>>)
        %mul3A_758 = arith.constant 16 : i32
        %mul3A_759 = arith.muli %select_n3A_662, %mul3A_758 : i32
        %dma_start3A_760 = arith.constant 0 : i32
        %dma_start3A_761 = arith.constant 5 : i32
        %dma_start3A_762 = arith.constant 5 : i32
        %dma_start3A_763 = arith.constant 0 : i32
        %dma_start3A_764 = arith.constant 0 : i32
        %dma_start3A_765 = tpu.memref_slice %arg4[%and3A_622, %dma_start3A_762, %dma_start3A_763, %dma_start3A_764] : memref<2x8x16x224xf32, #tpu.memory_space<vmem>> -> memref<1x1x16x224xf32, #tpu.memory_space<vmem>>
        %dma_start3A_766 = tpu.memref_squeeze %dma_start3A_765 : memref<1x1x16x224xf32, #tpu.memory_space<vmem>> -> memref<16x224xf32, #tpu.memory_space<vmem>>
        %dma_start3A_767 = arith.constant 0 : i32
        %dma_start3A_768 = tpu.memref_slice %arg2[%dma_start3A_760, %dma_start3A_761, %select_n3A_646, %mul3A_759, %dma_start3A_767] : memref<1x8x112x160x224xf32, #tpu.memory_space<hbm>> -> memref<1x1x1x16x224xf32, #tpu.memory_space<hbm>>
        %dma_start3A_769 = tpu.memref_squeeze %dma_start3A_768 : memref<1x1x1x16x224xf32, #tpu.memory_space<hbm>> -> memref<16x224xf32, #tpu.memory_space<hbm>>
        %dma_start3A_770 = arith.constant 0 : i32
        %dma_start3A_771 = arith.constant 0 : i32
        %dma_start3A_772 = tpu.memref_slice %arg4[%and3A_622, %dma_start3A_762, %dma_start3A_770, %dma_start3A_771] : memref<2x8x16x224xf32, #tpu.memory_space<vmem>> -> memref<1x1x16x224xf32, #tpu.memory_space<vmem>>
        %dma_start3A_773 = tpu.memref_squeeze %dma_start3A_772 : memref<1x1x16x224xf32, #tpu.memory_space<vmem>> -> memref<16x224xf32, #tpu.memory_space<vmem>>
        %dma_start3A_774 = arith.constant 0 : i32
        %dma_start3A_775 = tpu.memref_slice %arg2[%dma_start3A_760, %dma_start3A_761, %select_n3A_646, %mul3A_759, %dma_start3A_774] : memref<1x8x112x160x224xf32, #tpu.memory_space<hbm>> -> memref<1x1x1x16x224xf32, #tpu.memory_space<hbm>>
        %dma_start3A_776 = tpu.memref_squeeze %dma_start3A_775 : memref<1x1x1x16x224xf32, #tpu.memory_space<hbm>> -> memref<16x224xf32, #tpu.memory_space<hbm>>
        tpu.enqueue_dma source(%dma_start3A_776 : memref<16x224xf32, #tpu.memory_space<hbm>>) target(%dma_start3A_773 : memref<16x224xf32, #tpu.memory_space<vmem>>) target_semaphore(%arg6 : memref<!tpu.dma_semaphore, #tpu.memory_space<semaphore_mem>>)
        %mul3A_777 = arith.constant 16 : i32
        %mul3A_778 = arith.muli %select_n3A_662, %mul3A_777 : i32
        %dma_start3A_779 = arith.constant 0 : i32
        %dma_start3A_780 = arith.constant 6 : i32
        %dma_start3A_781 = arith.constant 6 : i32
        %dma_start3A_782 = arith.constant 0 : i32
        %dma_start3A_783 = arith.constant 0 : i32
        %dma_start3A_784 = tpu.memref_slice %arg4[%and3A_622, %dma_start3A_781, %dma_start3A_782, %dma_start3A_783] : memref<2x8x16x224xf32, #tpu.memory_space<vmem>> -> memref<1x1x16x224xf32, #tpu.memory_space<vmem>>
        %dma_start3A_785 = tpu.memref_squeeze %dma_start3A_784 : memref<1x1x16x224xf32, #tpu.memory_space<vmem>> -> memref<16x224xf32, #tpu.memory_space<vmem>>
        %dma_start3A_786 = arith.constant 0 : i32
        %dma_start3A_787 = tpu.memref_slice %arg2[%dma_start3A_779, %dma_start3A_780, %select_n3A_646, %mul3A_778, %dma_start3A_786] : memref<1x8x112x160x224xf32, #tpu.memory_space<hbm>> -> memref<1x1x1x16x224xf32, #tpu.memory_space<hbm>>
        %dma_start3A_788 = tpu.memref_squeeze %dma_start3A_787 : memref<1x1x1x16x224xf32, #tpu.memory_space<hbm>> -> memref<16x224xf32, #tpu.memory_space<hbm>>
        %dma_start3A_789 = arith.constant 0 : i32
        %dma_start3A_790 = arith.constant 0 : i32
        %dma_start3A_791 = tpu.memref_slice %arg4[%and3A_622, %dma_start3A_781, %dma_start3A_789, %dma_start3A_790] : memref<2x8x16x224xf32, #tpu.memory_space<vmem>> -> memref<1x1x16x224xf32, #tpu.memory_space<vmem>>
        %dma_start3A_792 = tpu.memref_squeeze %dma_start3A_791 : memref<1x1x16x224xf32, #tpu.memory_space<vmem>> -> memref<16x224xf32, #tpu.memory_space<vmem>>
        %dma_start3A_793 = arith.constant 0 : i32
        %dma_start3A_794 = tpu.memref_slice %arg2[%dma_start3A_779, %dma_start3A_780, %select_n3A_646, %mul3A_778, %dma_start3A_793] : memref<1x8x112x160x224xf32, #tpu.memory_space<hbm>> -> memref<1x1x1x16x224xf32, #tpu.memory_space<hbm>>
        %dma_start3A_795 = tpu.memref_squeeze %dma_start3A_794 : memref<1x1x1x16x224xf32, #tpu.memory_space<hbm>> -> memref<16x224xf32, #tpu.memory_space<hbm>>
        tpu.enqueue_dma source(%dma_start3A_795 : memref<16x224xf32, #tpu.memory_space<hbm>>) target(%dma_start3A_792 : memref<16x224xf32, #tpu.memory_space<vmem>>) target_semaphore(%arg6 : memref<!tpu.dma_semaphore, #tpu.memory_space<semaphore_mem>>)
        %mul3A_796 = arith.constant 16 : i32
        %mul3A_797 = arith.muli %select_n3A_662, %mul3A_796 : i32
        %dma_start3A_798 = arith.constant 0 : i32
        %dma_start3A_799 = arith.constant 7 : i32
        %dma_start3A_800 = arith.constant 7 : i32
        %dma_start3A_801 = arith.constant 0 : i32
        %dma_start3A_802 = arith.constant 0 : i32
        %dma_start3A_803 = tpu.memref_slice %arg4[%and3A_622, %dma_start3A_800, %dma_start3A_801, %dma_start3A_802] : memref<2x8x16x224xf32, #tpu.memory_space<vmem>> -> memref<1x1x16x224xf32, #tpu.memory_space<vmem>>
        %dma_start3A_804 = tpu.memref_squeeze %dma_start3A_803 : memref<1x1x16x224xf32, #tpu.memory_space<vmem>> -> memref<16x224xf32, #tpu.memory_space<vmem>>
        %dma_start3A_805 = arith.constant 0 : i32
        %dma_start3A_806 = tpu.memref_slice %arg2[%dma_start3A_798, %dma_start3A_799, %select_n3A_646, %mul3A_797, %dma_start3A_805] : memref<1x8x112x160x224xf32, #tpu.memory_space<hbm>> -> memref<1x1x1x16x224xf32, #tpu.memory_space<hbm>>
        %dma_start3A_807 = tpu.memref_squeeze %dma_start3A_806 : memref<1x1x1x16x224xf32, #tpu.memory_space<hbm>> -> memref<16x224xf32, #tpu.memory_space<hbm>>
        %dma_start3A_808 = arith.constant 0 : i32
        %dma_start3A_809 = arith.constant 0 : i32
        %dma_start3A_810 = tpu.memref_slice %arg4[%and3A_622, %dma_start3A_800, %dma_start3A_808, %dma_start3A_809] : memref<2x8x16x224xf32, #tpu.memory_space<vmem>> -> memref<1x1x16x224xf32, #tpu.memory_space<vmem>>
        %dma_start3A_811 = tpu.memref_squeeze %dma_start3A_810 : memref<1x1x16x224xf32, #tpu.memory_space<vmem>> -> memref<16x224xf32, #tpu.memory_space<vmem>>
        %dma_start3A_812 = arith.constant 0 : i32
        %dma_start3A_813 = tpu.memref_slice %arg2[%dma_start3A_798, %dma_start3A_799, %select_n3A_646, %mul3A_797, %dma_start3A_812] : memref<1x8x112x160x224xf32, #tpu.memory_space<hbm>> -> memref<1x1x1x16x224xf32, #tpu.memory_space<hbm>>
        %dma_start3A_814 = tpu.memref_squeeze %dma_start3A_813 : memref<1x1x1x16x224xf32, #tpu.memory_space<hbm>> -> memref<16x224xf32, #tpu.memory_space<hbm>>
        tpu.enqueue_dma source(%dma_start3A_814 : memref<16x224xf32, #tpu.memory_space<hbm>>) target(%dma_start3A_811 : memref<16x224xf32, #tpu.memory_space<vmem>>) target_semaphore(%arg6 : memref<!tpu.dma_semaphore, #tpu.memory_space<semaphore_mem>>)
      } else {
      }
      %ge3A = arith.constant 2 : i32
      %ge3A_550 = arith.cmpi sge, %scan3A_349, %ge3A : i32
      %convert_element_type3A_551 = arith.extui %ge3A_550 : i1 to i32
      %cond3A_552 = arith.constant 0 : i32
      %cond3A_553 = arith.cmpi ne, %convert_element_type3A_551, %cond3A_552 : i32
      scf.if %cond3A_553 {
        %jit3A_617 = arith.constant 10 : i32
        %div3A_618 = arith.divsi %add3A_350, %jit3A_617 : i32
        %sign3A_619 = arith.constant 0 : i32
        %sign3A_620 = arith.cmpi sgt, %add3A_350, %sign3A_619 : i32
        %sign3A_621 = arith.extui %sign3A_620 : i1 to i32
        %sign3A_622 = arith.constant 0 : i32
        %sign3A_623 = arith.cmpi slt, %add3A_350, %sign3A_622 : i32
        %sign3A_624 = arith.extui %sign3A_623 : i1 to i32
        %sign3A_625 = arith.subi %sign3A_621, %sign3A_624 : i32
        %sign3A_626 = arith.constant 0 : i32
        %sign3A_627 = arith.cmpi sgt, %jit3A_617, %sign3A_626 : i32
        %sign3A_628 = arith.extui %sign3A_627 : i1 to i32
        %sign3A_629 = arith.constant 0 : i32
        %sign3A_630 = arith.cmpi slt, %jit3A_617, %sign3A_629 : i32
        %sign3A_631 = arith.extui %sign3A_630 : i1 to i32
        %sign3A_632 = arith.subi %sign3A_628, %sign3A_631 : i32
        %ne3A_633 = arith.cmpi ne, %sign3A_625, %sign3A_632 : i32
        %rem3A_634 = arith.remsi %add3A_350, %jit3A_617 : i32
        %ne3A_635 = arith.constant 0 : i32
        %ne3A_636 = arith.cmpi ne, %rem3A_634, %ne3A_635 : i32
        %and3A_637 = arith.andi %ne3A_633, %ne3A_636 : i1
        %sub3A_638 = arith.constant 1 : i32
        %sub3A_639 = arith.subi %div3A_618, %sub3A_638 : i32
        %select_n3A_640 = arith.select %and3A_637, %sub3A_639, %div3A_618 : i32
        %jit3A_641 = arith.constant 10 : i32
        %eq3A_642 = arith.constant 0 : i32
        %eq3A_643 = arith.cmpi eq, %jit3A_641, %eq3A_642 : i32
        %jit3A_644 = arith.constant 1 : i32
        %select_n3A_645 = arith.select %eq3A_643, %jit3A_644, %jit3A_641 : i32
        %rem3A_646 = arith.remsi %add3A_350, %select_n3A_645 : i32
        %ne3A_647 = arith.constant 0 : i32
        %ne3A_648 = arith.cmpi ne, %rem3A_646, %ne3A_647 : i32
        %lt3A_649 = arith.constant 0 : i32
        %lt3A_650 = arith.cmpi slt, %rem3A_646, %lt3A_649 : i32
        %lt3A_651 = arith.constant 0 : i32
        %lt3A_652 = arith.cmpi slt, %select_n3A_645, %lt3A_651 : i32
        %ne3A_653 = arith.xori %lt3A_650, %lt3A_652 : i1
        %and3A_654 = arith.andi %ne3A_653, %ne3A_648 : i1
        %add3A_655 = arith.addi %rem3A_646, %select_n3A_645 : i32
        %select_n3A_656 = arith.select %and3A_654, %add3A_655, %rem3A_646 : i32
        %mul3A_657 = arith.constant 10 : i32
        %mul3A_658 = arith.muli %select_n3A_640, %mul3A_657 : i32
        %add3A_659 = arith.addi %mul3A_658, %select_n3A_656 : i32
        %mul3A_660 = arith.constant 224 : i32
        %mul3A_661 = arith.muli %add3A_659, %mul3A_660 : i32
        %dma_wait3A_662 = arith.constant 0 : i32
        %dma_wait3A_663 = arith.constant 0 : i32
        %dma_wait3A_664 = tpu.memref_slice %arg5[%and3A_352, %dma_wait3A_662, %dma_wait3A_663] : memref<2x224x128xf32, #tpu.memory_space<vmem>> -> memref<1x224x128xf32, #tpu.memory_space<vmem>>
        %dma_wait3A_665 = tpu.memref_squeeze %dma_wait3A_664 : memref<1x224x128xf32, #tpu.memory_space<vmem>> -> memref<224x128xf32, #tpu.memory_space<vmem>>
        %dma_wait3A_666 = arith.constant 0 : i32
        %dma_wait3A_667 = tpu.memref_slice %arg3[%mul3A_661, %dma_wait3A_666] : memref<250880x128xf32, #tpu.memory_space<hbm>> -> memref<224x128xf32, #tpu.memory_space<hbm>>
        %dma_wait3A_668 = arith.constant 0 : i32
        %dma_wait3A_669 = tpu.memref_slice %arg3[%mul3A_661, %dma_wait3A_668] : memref<250880x128xf32, #tpu.memory_space<hbm>> -> memref<224x128xf32, #tpu.memory_space<hbm>>
        %dma_wait3A_670 = arith.constant 0 : i32
        %dma_wait3A_671 = arith.constant 0 : i32
        %dma_wait3A_672 = tpu.memref_slice %arg5[%and3A_352, %dma_wait3A_670, %dma_wait3A_671] : memref<2x224x128xf32, #tpu.memory_space<vmem>> -> memref<1x224x128xf32, #tpu.memory_space<vmem>>
        %dma_wait3A_673 = tpu.memref_squeeze %dma_wait3A_672 : memref<1x224x128xf32, #tpu.memory_space<vmem>> -> memref<224x128xf32, #tpu.memory_space<vmem>>
        tpu.wait_dma2 semaphore(%arg7 : memref<!tpu.dma_semaphore, #tpu.memory_space<semaphore_mem>>) src(%dma_wait3A_673 : memref<224x128xf32, #tpu.memory_space<vmem>>) dst(%dma_wait3A_669 : memref<224x128xf32, #tpu.memory_space<hbm>>)
      } else {
      }
      %broadcast_in_dim3A = vector.broadcast %and3A_352 : i32 to vector<16xi32>
      %scan3A_554 = arith.constant 0 : i32
      %scan3A_555 = arith.constant 0 : i32
      %scan3A_556 = arith.constant 224 : i32
      %scan3A_557 = arith.addi %scan3A_555, %scan3A_556 : i32
      %scan3A_558 = arith.constant 1 : i32
      scf.for %scan3A_617 = %scan3A_555 to %scan3A_557 step %scan3A_558  : i32 {
        %broadcast_in_dim3A_618 = vector.broadcast %scan3A_617 : i32 to vector<16xi32>
        %gather3A = tpu.vector_load_idx %arg4[%broadcast_in_dim3A, %and3A_6, %add3A_9, %broadcast_in_dim3A_618] : memref<2x8x16x224xf32, #tpu.memory_space<vmem>>[vector<16xi32>, vector<16xi32>, vector<16xi32>, vector<16xi32>], vector<16xf32>,
        %gather3A_619 = tpu.vector_load_idx %arg4[%broadcast_in_dim3A, %and3A_6, %add3A_12, %broadcast_in_dim3A_618] : memref<2x8x16x224xf32, #tpu.memory_space<vmem>>[vector<16xi32>, vector<16xi32>, vector<16xi32>, vector<16xi32>], vector<16xf32>,
        %gather3A_620 = tpu.vector_load_idx %arg4[%broadcast_in_dim3A, %and3A_6, %add3A_15, %broadcast_in_dim3A_618] : memref<2x8x16x224xf32, #tpu.memory_space<vmem>>[vector<16xi32>, vector<16xi32>, vector<16xi32>, vector<16xi32>], vector<16xf32>,
        %gather3A_621 = tpu.vector_load_idx %arg4[%broadcast_in_dim3A, %and3A_6, %add3A_18, %broadcast_in_dim3A_618] : memref<2x8x16x224xf32, #tpu.memory_space<vmem>>[vector<16xi32>, vector<16xi32>, vector<16xi32>, vector<16xi32>], vector<16xf32>,
        %gather3A_622 = tpu.vector_load_idx %arg4[%broadcast_in_dim3A, %and3A_6, %add3A_21, %broadcast_in_dim3A_618] : memref<2x8x16x224xf32, #tpu.memory_space<vmem>>[vector<16xi32>, vector<16xi32>, vector<16xi32>, vector<16xi32>], vector<16xf32>,
        %gather3A_623 = tpu.vector_load_idx %arg4[%broadcast_in_dim3A, %and3A_6, %add3A_24, %broadcast_in_dim3A_618] : memref<2x8x16x224xf32, #tpu.memory_space<vmem>>[vector<16xi32>, vector<16xi32>, vector<16xi32>, vector<16xi32>], vector<16xf32>,
        %gather3A_624 = tpu.vector_load_idx %arg4[%broadcast_in_dim3A, %and3A_6, %add3A_27, %broadcast_in_dim3A_618] : memref<2x8x16x224xf32, #tpu.memory_space<vmem>>[vector<16xi32>, vector<16xi32>, vector<16xi32>, vector<16xi32>], vector<16xf32>,
        %gather3A_625 = tpu.vector_load_idx %arg4[%broadcast_in_dim3A, %and3A_6, %add3A_30, %broadcast_in_dim3A_618] : memref<2x8x16x224xf32, #tpu.memory_space<vmem>>[vector<16xi32>, vector<16xi32>, vector<16xi32>, vector<16xi32>], vector<16xf32>,
        %swap3A = arith.index_cast %and3A_352 : i32 to index
        %swap3A_626 = arith.index_cast %scan3A_617 : i32 to index
        %swap3A_627 = arith.constant 0 : index
        %swap3A_628 = tpu.vector_load %arg5[%swap3A, %swap3A_626, %swap3A_627] {strides = array<i32>} : memref<2x224x128xf32, #tpu.memory_space<vmem>>, vector<16xf32>,
        tpu.vector_store %arg5[%swap3A, %swap3A_626, %swap3A_627], %gather3A {strides = array<i32>} : memref<2x224x128xf32, #tpu.memory_space<vmem>>, vector<16xf32>,
        %swap3A_629 = arith.index_cast %and3A_352 : i32 to index
        %swap3A_630 = arith.index_cast %scan3A_617 : i32 to index
        %swap3A_631 = arith.constant 16 : index
        %swap3A_632 = tpu.vector_load %arg5[%swap3A_629, %swap3A_630, %swap3A_631] {strides = array<i32>} : memref<2x224x128xf32, #tpu.memory_space<vmem>>, vector<16xf32>,
        tpu.vector_store %arg5[%swap3A_629, %swap3A_630, %swap3A_631], %gather3A_619 {strides = array<i32>} : memref<2x224x128xf32, #tpu.memory_space<vmem>>, vector<16xf32>,
        %swap3A_633 = arith.index_cast %and3A_352 : i32 to index
        %swap3A_634 = arith.index_cast %scan3A_617 : i32 to index
        %swap3A_635 = arith.constant 32 : index
        %swap3A_636 = tpu.vector_load %arg5[%swap3A_633, %swap3A_634, %swap3A_635] {strides = array<i32>} : memref<2x224x128xf32, #tpu.memory_space<vmem>>, vector<16xf32>,
        tpu.vector_store %arg5[%swap3A_633, %swap3A_634, %swap3A_635], %gather3A_620 {strides = array<i32>} : memref<2x224x128xf32, #tpu.memory_space<vmem>>, vector<16xf32>,
        %swap3A_637 = arith.index_cast %and3A_352 : i32 to index
        %swap3A_638 = arith.index_cast %scan3A_617 : i32 to index
        %swap3A_639 = arith.constant 48 : index
        %swap3A_640 = tpu.vector_load %arg5[%swap3A_637, %swap3A_638, %swap3A_639] {strides = array<i32>} : memref<2x224x128xf32, #tpu.memory_space<vmem>>, vector<16xf32>,
        tpu.vector_store %arg5[%swap3A_637, %swap3A_638, %swap3A_639], %gather3A_621 {strides = array<i32>} : memref<2x224x128xf32, #tpu.memory_space<vmem>>, vector<16xf32>,
        %swap3A_641 = arith.index_cast %and3A_352 : i32 to index
        %swap3A_642 = arith.index_cast %scan3A_617 : i32 to index
        %swap3A_643 = arith.constant 64 : index
        %swap3A_644 = tpu.vector_load %arg5[%swap3A_641, %swap3A_642, %swap3A_643] {strides = array<i32>} : memref<2x224x128xf32, #tpu.memory_space<vmem>>, vector<16xf32>,
        tpu.vector_store %arg5[%swap3A_641, %swap3A_642, %swap3A_643], %gather3A_622 {strides = array<i32>} : memref<2x224x128xf32, #tpu.memory_space<vmem>>, vector<16xf32>,
        %swap3A_645 = arith.index_cast %and3A_352 : i32 to index
        %swap3A_646 = arith.index_cast %scan3A_617 : i32 to index
        %swap3A_647 = arith.constant 80 : index
        %swap3A_648 = tpu.vector_load %arg5[%swap3A_645, %swap3A_646, %swap3A_647] {strides = array<i32>} : memref<2x224x128xf32, #tpu.memory_space<vmem>>, vector<16xf32>,
        tpu.vector_store %arg5[%swap3A_645, %swap3A_646, %swap3A_647], %gather3A_623 {strides = array<i32>} : memref<2x224x128xf32, #tpu.memory_space<vmem>>, vector<16xf32>,
        %swap3A_649 = arith.index_cast %and3A_352 : i32 to index
        %swap3A_650 = arith.index_cast %scan3A_617 : i32 to index
        %swap3A_651 = arith.constant 96 : index
        %swap3A_652 = tpu.vector_load %arg5[%swap3A_649, %swap3A_650, %swap3A_651] {strides = array<i32>} : memref<2x224x128xf32, #tpu.memory_space<vmem>>, vector<16xf32>,
        tpu.vector_store %arg5[%swap3A_649, %swap3A_650, %swap3A_651], %gather3A_624 {strides = array<i32>} : memref<2x224x128xf32, #tpu.memory_space<vmem>>, vector<16xf32>,
        %swap3A_653 = arith.index_cast %and3A_352 : i32 to index
        %swap3A_654 = arith.index_cast %scan3A_617 : i32 to index
        %swap3A_655 = arith.constant 112 : index
        %swap3A_656 = tpu.vector_load %arg5[%swap3A_653, %swap3A_654, %swap3A_655] {strides = array<i32>} : memref<2x224x128xf32, #tpu.memory_space<vmem>>, vector<16xf32>,
        tpu.vector_store %arg5[%swap3A_653, %swap3A_654, %swap3A_655], %gather3A_625 {strides = array<i32>} : memref<2x224x128xf32, #tpu.memory_space<vmem>>, vector<16xf32>,
      }
      %scan3A_559 = arith.constant 224 : i32
      %jit3A_560 = arith.constant 10 : i32
      %div3A_561 = arith.divsi %add3A_350, %jit3A_560 : i32
      %sign3A_562 = arith.constant 0 : i32
      %sign3A_563 = arith.cmpi sgt, %add3A_350, %sign3A_562 : i32
      %sign3A_564 = arith.extui %sign3A_563 : i1 to i32
      %sign3A_565 = arith.constant 0 : i32
      %sign3A_566 = arith.cmpi slt, %add3A_350, %sign3A_565 : i32
      %sign3A_567 = arith.extui %sign3A_566 : i1 to i32
      %sign3A_568 = arith.subi %sign3A_564, %sign3A_567 : i32
      %sign3A_569 = arith.constant 0 : i32
      %sign3A_570 = arith.cmpi sgt, %jit3A_560, %sign3A_569 : i32
      %sign3A_571 = arith.extui %sign3A_570 : i1 to i32
      %sign3A_572 = arith.constant 0 : i32
      %sign3A_573 = arith.cmpi slt, %jit3A_560, %sign3A_572 : i32
      %sign3A_574 = arith.extui %sign3A_573 : i1 to i32
      %sign3A_575 = arith.subi %sign3A_571, %sign3A_574 : i32
      %ne3A_576 = arith.cmpi ne, %sign3A_568, %sign3A_575 : i32
      %rem3A_577 = arith.remsi %add3A_350, %jit3A_560 : i32
      %ne3A_578 = arith.constant 0 : i32
      %ne3A_579 = arith.cmpi ne, %rem3A_577, %ne3A_578 : i32
      %and3A_580 = arith.andi %ne3A_576, %ne3A_579 : i1
      %sub3A_581 = arith.constant 1 : i32
      %sub3A_582 = arith.subi %div3A_561, %sub3A_581 : i32
      %select_n3A_583 = arith.select %and3A_580, %sub3A_582, %div3A_561 : i32
      %jit3A_584 = arith.constant 10 : i32
      %eq3A_585 = arith.constant 0 : i32
      %eq3A_586 = arith.cmpi eq, %jit3A_584, %eq3A_585 : i32
      %jit3A_587 = arith.constant 1 : i32
      %select_n3A_588 = arith.select %eq3A_586, %jit3A_587, %jit3A_584 : i32
      %rem3A_589 = arith.remsi %add3A_350, %select_n3A_588 : i32
      %ne3A_590 = arith.constant 0 : i32
      %ne3A_591 = arith.cmpi ne, %rem3A_589, %ne3A_590 : i32
      %lt3A_592 = arith.constant 0 : i32
      %lt3A_593 = arith.cmpi slt, %rem3A_589, %lt3A_592 : i32
      %lt3A_594 = arith.constant 0 : i32
      %lt3A_595 = arith.cmpi slt, %select_n3A_588, %lt3A_594 : i32
      %ne3A_596 = arith.xori %lt3A_593, %lt3A_595 : i1
      %and3A_597 = arith.andi %ne3A_596, %ne3A_591 : i1
      %add3A_598 = arith.addi %rem3A_589, %select_n3A_588 : i32
      %select_n3A_599 = arith.select %and3A_597, %add3A_598, %rem3A_589 : i32
      %mul3A_600 = arith.constant 10 : i32
      %mul3A_601 = arith.muli %select_n3A_583, %mul3A_600 : i32
      %add3A_602 = arith.addi %mul3A_601, %select_n3A_599 : i32
      %mul3A_603 = arith.constant 224 : i32
      %mul3A_604 = arith.muli %add3A_602, %mul3A_603 : i32
      %dma_start3A_605 = arith.constant 0 : i32
      %dma_start3A_606 = arith.constant 0 : i32
      %dma_start3A_607 = tpu.memref_slice %arg5[%and3A_352, %dma_start3A_605, %dma_start3A_606] : memref<2x224x128xf32, #tpu.memory_space<vmem>> -> memref<1x224x128xf32, #tpu.memory_space<vmem>>
      %dma_start3A_608 = tpu.memref_squeeze %dma_start3A_607 : memref<1x224x128xf32, #tpu.memory_space<vmem>> -> memref<224x128xf32, #tpu.memory_space<vmem>>
      %dma_start3A_609 = arith.constant 0 : i32
      %dma_start3A_610 = tpu.memref_slice %arg3[%mul3A_604, %dma_start3A_609] : memref<250880x128xf32, #tpu.memory_space<hbm>> -> memref<224x128xf32, #tpu.memory_space<hbm>>
      %dma_start3A_611 = arith.constant 0 : i32
      %dma_start3A_612 = tpu.memref_slice %arg3[%mul3A_604, %dma_start3A_611] : memref<250880x128xf32, #tpu.memory_space<hbm>> -> memref<224x128xf32, #tpu.memory_space<hbm>>
      %dma_start3A_613 = arith.constant 0 : i32
      %dma_start3A_614 = arith.constant 0 : i32
      %dma_start3A_615 = tpu.memref_slice %arg5[%and3A_352, %dma_start3A_613, %dma_start3A_614] : memref<2x224x128xf32, #tpu.memory_space<vmem>> -> memref<1x224x128xf32, #tpu.memory_space<vmem>>
      %dma_start3A_616 = tpu.memref_squeeze %dma_start3A_615 : memref<1x224x128xf32, #tpu.memory_space<vmem>> -> memref<224x128xf32, #tpu.memory_space<vmem>>
      tpu.enqueue_dma source(%dma_start3A_616 : memref<224x128xf32, #tpu.memory_space<vmem>>) target(%dma_start3A_612 : memref<224x128xf32, #tpu.memory_space<hbm>>) target_semaphore(%arg7 : memref<!tpu.dma_semaphore, #tpu.memory_space<semaphore_mem>>)
    }
    %scan3A_225 = arith.constant 35 : i32
    %add3A_226 = arith.constant 35 : i32
    %add3A_227 = arith.addi %mul3A_2, %add3A_226 : i32
    %sub3A_228 = arith.constant 2 : i32
    %sub3A_229 = arith.subi %add3A_227, %sub3A_228 : i32
    %jit3A_230 = arith.constant 10 : i32
    %div3A_231 = arith.divsi %sub3A_229, %jit3A_230 : i32
    %sign3A_232 = arith.constant 0 : i32
    %sign3A_233 = arith.cmpi sgt, %sub3A_229, %sign3A_232 : i32
    %sign3A_234 = arith.extui %sign3A_233 : i1 to i32
    %sign3A_235 = arith.constant 0 : i32
    %sign3A_236 = arith.cmpi slt, %sub3A_229, %sign3A_235 : i32
    %sign3A_237 = arith.extui %sign3A_236 : i1 to i32
    %sign3A_238 = arith.subi %sign3A_234, %sign3A_237 : i32
    %sign3A_239 = arith.constant 0 : i32
    %sign3A_240 = arith.cmpi sgt, %jit3A_230, %sign3A_239 : i32
    %sign3A_241 = arith.extui %sign3A_240 : i1 to i32
    %sign3A_242 = arith.constant 0 : i32
    %sign3A_243 = arith.cmpi slt, %jit3A_230, %sign3A_242 : i32
    %sign3A_244 = arith.extui %sign3A_243 : i1 to i32
    %sign3A_245 = arith.subi %sign3A_241, %sign3A_244 : i32
    %ne3A_246 = arith.cmpi ne, %sign3A_238, %sign3A_245 : i32
    %rem3A_247 = arith.remsi %sub3A_229, %jit3A_230 : i32
    %ne3A_248 = arith.constant 0 : i32
    %ne3A_249 = arith.cmpi ne, %rem3A_247, %ne3A_248 : i32
    %and3A_250 = arith.andi %ne3A_246, %ne3A_249 : i1
    %sub3A_251 = arith.constant 1 : i32
    %sub3A_252 = arith.subi %div3A_231, %sub3A_251 : i32
    %select_n3A_253 = arith.select %and3A_250, %sub3A_252, %div3A_231 : i32
    %jit3A_254 = arith.constant 10 : i32
    %eq3A_255 = arith.constant 0 : i32
    %eq3A_256 = arith.cmpi eq, %jit3A_254, %eq3A_255 : i32
    %jit3A_257 = arith.constant 1 : i32
    %select_n3A_258 = arith.select %eq3A_256, %jit3A_257, %jit3A_254 : i32
    %rem3A_259 = arith.remsi %sub3A_229, %select_n3A_258 : i32
    %ne3A_260 = arith.constant 0 : i32
    %ne3A_261 = arith.cmpi ne, %rem3A_259, %ne3A_260 : i32
    %lt3A_262 = arith.constant 0 : i32
    %lt3A_263 = arith.cmpi slt, %rem3A_259, %lt3A_262 : i32
    %lt3A_264 = arith.constant 0 : i32
    %lt3A_265 = arith.cmpi slt, %select_n3A_258, %lt3A_264 : i32
    %ne3A_266 = arith.xori %lt3A_263, %lt3A_265 : i1
    %and3A_267 = arith.andi %ne3A_266, %ne3A_261 : i1
    %add3A_268 = arith.addi %rem3A_259, %select_n3A_258 : i32
    %select_n3A_269 = arith.select %and3A_267, %add3A_268, %rem3A_259 : i32
    %mul3A_270 = arith.constant 10 : i32
    %mul3A_271 = arith.muli %select_n3A_253, %mul3A_270 : i32
    %add3A_272 = arith.addi %mul3A_271, %select_n3A_269 : i32
    %mul3A_273 = arith.constant 224 : i32
    %mul3A_274 = arith.muli %add3A_272, %mul3A_273 : i32
    %dma_wait3A = arith.constant 0 : i32
    %dma_wait3A_275 = arith.constant 0 : i32
    %dma_wait3A_276 = arith.constant 0 : i32
    %dma_wait3A_277 = tpu.memref_slice %arg5[%dma_wait3A, %dma_wait3A_275, %dma_wait3A_276] : memref<2x224x128xf32, #tpu.memory_space<vmem>> -> memref<1x224x128xf32, #tpu.memory_space<vmem>>
    %dma_wait3A_278 = tpu.memref_squeeze %dma_wait3A_277 : memref<1x224x128xf32, #tpu.memory_space<vmem>> -> memref<224x128xf32, #tpu.memory_space<vmem>>
    %dma_wait3A_279 = arith.constant 0 : i32
    %dma_wait3A_280 = tpu.memref_slice %arg3[%mul3A_274, %dma_wait3A_279] : memref<250880x128xf32, #tpu.memory_space<hbm>> -> memref<224x128xf32, #tpu.memory_space<hbm>>
    %dma_wait3A_281 = arith.constant 0 : i32
    %dma_wait3A_282 = tpu.memref_slice %arg3[%mul3A_274, %dma_wait3A_281] : memref<250880x128xf32, #tpu.memory_space<hbm>> -> memref<224x128xf32, #tpu.memory_space<hbm>>
    %dma_wait3A_283 = arith.constant 0 : i32
    %dma_wait3A_284 = arith.constant 0 : i32
    %dma_wait3A_285 = tpu.memref_slice %arg5[%dma_wait3A, %dma_wait3A_283, %dma_wait3A_284] : memref<2x224x128xf32, #tpu.memory_space<vmem>> -> memref<1x224x128xf32, #tpu.memory_space<vmem>>
    %dma_wait3A_286 = tpu.memref_squeeze %dma_wait3A_285 : memref<1x224x128xf32, #tpu.memory_space<vmem>> -> memref<224x128xf32, #tpu.memory_space<vmem>>
    tpu.wait_dma2 semaphore(%arg7 : memref<!tpu.dma_semaphore, #tpu.memory_space<semaphore_mem>>) src(%dma_wait3A_286 : memref<224x128xf32, #tpu.memory_space<vmem>>) dst(%dma_wait3A_282 : memref<224x128xf32, #tpu.memory_space<hbm>>)
    %add3A_287 = arith.constant 35 : i32
    %add3A_288 = arith.addi %mul3A_2, %add3A_287 : i32
    %sub3A_289 = arith.constant 1 : i32
    %sub3A_290 = arith.subi %add3A_288, %sub3A_289 : i32
    %jit3A_291 = arith.constant 10 : i32
    %div3A_292 = arith.divsi %sub3A_290, %jit3A_291 : i32
    %sign3A_293 = arith.constant 0 : i32
    %sign3A_294 = arith.cmpi sgt, %sub3A_290, %sign3A_293 : i32
    %sign3A_295 = arith.extui %sign3A_294 : i1 to i32
    %sign3A_296 = arith.constant 0 : i32
    %sign3A_297 = arith.cmpi slt, %sub3A_290, %sign3A_296 : i32
    %sign3A_298 = arith.extui %sign3A_297 : i1 to i32
    %sign3A_299 = arith.subi %sign3A_295, %sign3A_298 : i32
    %sign3A_300 = arith.constant 0 : i32
    %sign3A_301 = arith.cmpi sgt, %jit3A_291, %sign3A_300 : i32
    %sign3A_302 = arith.extui %sign3A_301 : i1 to i32
    %sign3A_303 = arith.constant 0 : i32
    %sign3A_304 = arith.cmpi slt, %jit3A_291, %sign3A_303 : i32
    %sign3A_305 = arith.extui %sign3A_304 : i1 to i32
    %sign3A_306 = arith.subi %sign3A_302, %sign3A_305 : i32
    %ne3A_307 = arith.cmpi ne, %sign3A_299, %sign3A_306 : i32
    %rem3A_308 = arith.remsi %sub3A_290, %jit3A_291 : i32
    %ne3A_309 = arith.constant 0 : i32
    %ne3A_310 = arith.cmpi ne, %rem3A_308, %ne3A_309 : i32
    %and3A_311 = arith.andi %ne3A_307, %ne3A_310 : i1
    %sub3A_312 = arith.constant 1 : i32
    %sub3A_313 = arith.subi %div3A_292, %sub3A_312 : i32
    %select_n3A_314 = arith.select %and3A_311, %sub3A_313, %div3A_292 : i32
    %jit3A_315 = arith.constant 10 : i32
    %eq3A_316 = arith.constant 0 : i32
    %eq3A_317 = arith.cmpi eq, %jit3A_315, %eq3A_316 : i32
    %jit3A_318 = arith.constant 1 : i32
    %select_n3A_319 = arith.select %eq3A_317, %jit3A_318, %jit3A_315 : i32
    %rem3A_320 = arith.remsi %sub3A_290, %select_n3A_319 : i32
    %ne3A_321 = arith.constant 0 : i32
    %ne3A_322 = arith.cmpi ne, %rem3A_320, %ne3A_321 : i32
    %lt3A_323 = arith.constant 0 : i32
    %lt3A_324 = arith.cmpi slt, %rem3A_320, %lt3A_323 : i32
    %lt3A_325 = arith.constant 0 : i32
    %lt3A_326 = arith.cmpi slt, %select_n3A_319, %lt3A_325 : i32
    %ne3A_327 = arith.xori %lt3A_324, %lt3A_326 : i1
    %and3A_328 = arith.andi %ne3A_327, %ne3A_322 : i1
    %add3A_329 = arith.addi %rem3A_320, %select_n3A_319 : i32
    %select_n3A_330 = arith.select %and3A_328, %add3A_329, %rem3A_320 : i32
    %mul3A_331 = arith.constant 10 : i32
    %mul3A_332 = arith.muli %select_n3A_314, %mul3A_331 : i32
    %add3A_333 = arith.addi %mul3A_332, %select_n3A_330 : i32
    %mul3A_334 = arith.constant 224 : i32
    %mul3A_335 = arith.muli %add3A_333, %mul3A_334 : i32
    %dma_wait3A_336 = arith.constant 0 : i32
    %dma_wait3A_337 = arith.constant 0 : i32
    %dma_wait3A_338 = arith.constant 0 : i32
    %dma_wait3A_339 = tpu.memref_slice %arg5[%dma_wait3A_336, %dma_wait3A_337, %dma_wait3A_338] : memref<2x224x128xf32, #tpu.memory_space<vmem>> -> memref<1x224x128xf32, #tpu.memory_space<vmem>>
    %dma_wait3A_340 = tpu.memref_squeeze %dma_wait3A_339 : memref<1x224x128xf32, #tpu.memory_space<vmem>> -> memref<224x128xf32, #tpu.memory_space<vmem>>
    %dma_wait3A_341 = arith.constant 0 : i32
    %dma_wait3A_342 = tpu.memref_slice %arg3[%mul3A_335, %dma_wait3A_341] : memref<250880x128xf32, #tpu.memory_space<hbm>> -> memref<224x128xf32, #tpu.memory_space<hbm>>
    %dma_wait3A_343 = arith.constant 0 : i32
    %dma_wait3A_344 = tpu.memref_slice %arg3[%mul3A_335, %dma_wait3A_343] : memref<250880x128xf32, #tpu.memory_space<hbm>> -> memref<224x128xf32, #tpu.memory_space<hbm>>
    %dma_wait3A_345 = arith.constant 0 : i32
    %dma_wait3A_346 = arith.constant 0 : i32
    %dma_wait3A_347 = tpu.memref_slice %arg5[%dma_wait3A_336, %dma_wait3A_345, %dma_wait3A_346] : memref<2x224x128xf32, #tpu.memory_space<vmem>> -> memref<1x224x128xf32, #tpu.memory_space<vmem>>
    %dma_wait3A_348 = tpu.memref_squeeze %dma_wait3A_347 : memref<1x224x128xf32, #tpu.memory_space<vmem>> -> memref<224x128xf32, #tpu.memory_space<vmem>>
    tpu.wait_dma2 semaphore(%arg7 : memref<!tpu.dma_semaphore, #tpu.memory_space<semaphore_mem>>) src(%dma_wait3A_348 : memref<224x128xf32, #tpu.memory_space<vmem>>) dst(%dma_wait3A_344 : memref<224x128xf32, #tpu.memory_space<hbm>>)
    return
  }
}

#map = affine_map<(d0, d1) -> (0, 0)>
#map1 = affine_map<(d0, d1) -> (0)>
module attributes {stable_mosaic.version = 14 : i64} {
  func.func @_interp(%arg0: i32, %arg1: i32, %arg2: memref<4014080x8xf32, #tpu.memory_space<hbm>>, %arg3: memref<153600xf32, #tpu.memory_space<hbm>>, %arg4: memref<153600xf32, #tpu.memory_space<hbm>>, %arg5: memref<153600xf32, #tpu.memory_space<hbm>>, %arg6: memref<76800x16xf32, #tpu.memory_space<hbm>>, %arg7: memref<480xf32, #tpu.memory_space<vmem>>, %arg8: memref<480xf32, #tpu.memory_space<vmem>>, %arg9: memref<480xf32, #tpu.memory_space<vmem>>, %arg10: memref<3840xi32, #tpu.memory_space<vmem>>, %arg11: memref<4x480xf32, #tpu.memory_space<vmem>>, %arg12: memref<480xf32, #tpu.memory_space<vmem>>, %arg13: memref<3840x8xf32, #tpu.memory_space<vmem>>, %arg14: memref<240x16xf32, #tpu.memory_space<vmem>>, %arg15: memref<!tpu.dma_semaphore, #tpu.memory_space<semaphore_mem>>) attributes {dimension_semantics = [#tpu.dimension_semantics<core_parallel>, #tpu.dimension_semantics<subcore_parallel>], iteration_bounds = array<i64: 2, 16>, scalar_prefetch = 0 : i64, scratch_operands = 9 : i64, tpu.core_type = #tpu.core_type<sc_vector_subcore>, window_params = [{transform_indices = #map}, {transform_indices = #map1}, {transform_indices = #map1}, {transform_indices = #map1}, {transform_indices = #map}]} {
    %mul3A = arith.constant 2 : i32
    %mul3A_0 = arith.muli %arg1, %mul3A : i32
    %add3A = arith.addi %mul3A_0, %arg0 : i32
    %iota3A = tpu.iota {dimensions = array<i32: 0>} : vector<16xi32>
    %shift_right_arithmetic3A = arith.constant 3 : i32
    %shift_right_arithmetic3A_1 = vector.broadcast %shift_right_arithmetic3A : i32 to vector<16xi32>
    %shift_right_arithmetic3A_2 = arith.shrsi %iota3A, %shift_right_arithmetic3A_1 : vector<16xi32>
    %and3A = arith.constant 7 : i32
    %and3A_3 = vector.broadcast %and3A : i32 to vector<16xi32>
    %and3A_4 = arith.andi %iota3A, %and3A_3 : vector<16xi32>
    %broadcast_in_dim3A = arith.constant 0 : i32
    %broadcast_in_dim3A_5 = vector.broadcast %broadcast_in_dim3A : i32 to vector<16xi32>
    %broadcast_in_dim3A_6 = arith.constant 1 : i32
    %broadcast_in_dim3A_7 = vector.broadcast %broadcast_in_dim3A_6 : i32 to vector<16xi32>
    %broadcast_in_dim3A_8 = arith.constant 2 : i32
    %broadcast_in_dim3A_9 = vector.broadcast %broadcast_in_dim3A_8 : i32 to vector<16xi32>
    %broadcast_in_dim3A_10 = arith.constant 3 : i32
    %broadcast_in_dim3A_11 = vector.broadcast %broadcast_in_dim3A_10 : i32 to vector<16xi32>
    %scan3A = arith.constant 0 : i32
    %scan3A_12 = arith.constant 0 : i32
    %scan3A_13 = arith.constant 10 : i32
    %scan3A_14 = arith.addi %scan3A_12, %scan3A_13 : i32
    %scan3A_15 = arith.constant 1 : i32
    scf.for %scan3A_17 = %scan3A_12 to %scan3A_14 step %scan3A_15  : i32 {
      %mul3A_18 = arith.constant 4800 : i32
      %mul3A_19 = arith.muli %add3A, %mul3A_18 : i32
      %mul3A_20 = arith.constant 480 : i32
      %mul3A_21 = arith.muli %scan3A_17, %mul3A_20 : i32
      %add3A_22 = arith.addi %mul3A_19, %mul3A_21 : i32
      "tpu.region"() ({
        %run_scoped3A = tpu.sem_alloc : memref<!tpu.dma_semaphore, #tpu.memory_space<semaphore_mem>>
        %dma_start3A_518 = tpu.memref_slice %arg3[%add3A_22] : memref<153600xf32, #tpu.memory_space<hbm>> -> memref<480xf32, #tpu.memory_space<hbm>>
        %dma_start3A_519 = tpu.memref_slice %arg3[%add3A_22] : memref<153600xf32, #tpu.memory_space<hbm>> -> memref<480xf32, #tpu.memory_space<hbm>>
        tpu.enqueue_dma source(%dma_start3A_519 : memref<480xf32, #tpu.memory_space<hbm>>) target(%arg7 : memref<480xf32, #tpu.memory_space<vmem>>) target_semaphore(%run_scoped3A : memref<!tpu.dma_semaphore, #tpu.memory_space<semaphore_mem>>)
        %dma_wait3A_520 = tpu.memref_slice %arg3[%add3A_22] : memref<153600xf32, #tpu.memory_space<hbm>> -> memref<480xf32, #tpu.memory_space<hbm>>
        %dma_wait3A_521 = tpu.memref_slice %arg3[%add3A_22] : memref<153600xf32, #tpu.memory_space<hbm>> -> memref<480xf32, #tpu.memory_space<hbm>>
        tpu.wait_dma2 semaphore(%run_scoped3A : memref<!tpu.dma_semaphore, #tpu.memory_space<semaphore_mem>>) src(%dma_wait3A_521 : memref<480xf32, #tpu.memory_space<hbm>>) dst(%arg7 : memref<480xf32, #tpu.memory_space<vmem>>)
        tpu.yield
      }) : () -> ()
      "tpu.region"() ({
        %run_scoped3A = tpu.sem_alloc : memref<!tpu.dma_semaphore, #tpu.memory_space<semaphore_mem>>
        %dma_start3A_518 = tpu.memref_slice %arg4[%add3A_22] : memref<153600xf32, #tpu.memory_space<hbm>> -> memref<480xf32, #tpu.memory_space<hbm>>
        %dma_start3A_519 = tpu.memref_slice %arg4[%add3A_22] : memref<153600xf32, #tpu.memory_space<hbm>> -> memref<480xf32, #tpu.memory_space<hbm>>
        tpu.enqueue_dma source(%dma_start3A_519 : memref<480xf32, #tpu.memory_space<hbm>>) target(%arg8 : memref<480xf32, #tpu.memory_space<vmem>>) target_semaphore(%run_scoped3A : memref<!tpu.dma_semaphore, #tpu.memory_space<semaphore_mem>>)
        %dma_wait3A_520 = tpu.memref_slice %arg4[%add3A_22] : memref<153600xf32, #tpu.memory_space<hbm>> -> memref<480xf32, #tpu.memory_space<hbm>>
        %dma_wait3A_521 = tpu.memref_slice %arg4[%add3A_22] : memref<153600xf32, #tpu.memory_space<hbm>> -> memref<480xf32, #tpu.memory_space<hbm>>
        tpu.wait_dma2 semaphore(%run_scoped3A : memref<!tpu.dma_semaphore, #tpu.memory_space<semaphore_mem>>) src(%dma_wait3A_521 : memref<480xf32, #tpu.memory_space<hbm>>) dst(%arg8 : memref<480xf32, #tpu.memory_space<vmem>>)
        tpu.yield
      }) : () -> ()
      "tpu.region"() ({
        %run_scoped3A = tpu.sem_alloc : memref<!tpu.dma_semaphore, #tpu.memory_space<semaphore_mem>>
        %dma_start3A_518 = tpu.memref_slice %arg5[%add3A_22] : memref<153600xf32, #tpu.memory_space<hbm>> -> memref<480xf32, #tpu.memory_space<hbm>>
        %dma_start3A_519 = tpu.memref_slice %arg5[%add3A_22] : memref<153600xf32, #tpu.memory_space<hbm>> -> memref<480xf32, #tpu.memory_space<hbm>>
        tpu.enqueue_dma source(%dma_start3A_519 : memref<480xf32, #tpu.memory_space<hbm>>) target(%arg9 : memref<480xf32, #tpu.memory_space<vmem>>) target_semaphore(%run_scoped3A : memref<!tpu.dma_semaphore, #tpu.memory_space<semaphore_mem>>)
        %dma_wait3A_520 = tpu.memref_slice %arg5[%add3A_22] : memref<153600xf32, #tpu.memory_space<hbm>> -> memref<480xf32, #tpu.memory_space<hbm>>
        %dma_wait3A_521 = tpu.memref_slice %arg5[%add3A_22] : memref<153600xf32, #tpu.memory_space<hbm>> -> memref<480xf32, #tpu.memory_space<hbm>>
        tpu.wait_dma2 semaphore(%run_scoped3A : memref<!tpu.dma_semaphore, #tpu.memory_space<semaphore_mem>>) src(%dma_wait3A_521 : memref<480xf32, #tpu.memory_space<hbm>>) dst(%arg9 : memref<480xf32, #tpu.memory_space<vmem>>)
        tpu.yield
      }) : () -> ()
      %scan3A_23 = arith.constant 0 : i32
      %scan3A_24 = arith.constant 0 : i32
      %scan3A_25 = arith.constant 30 : i32
      %scan3A_26 = arith.addi %scan3A_24, %scan3A_25 : i32
      %scan3A_27 = arith.constant 1 : i32
      scf.for %scan3A_518 = %scan3A_24 to %scan3A_26 step %scan3A_27  : i32 {
        %mul3A_519 = arith.constant 16 : i32
        %mul3A_520 = arith.muli %scan3A_518, %mul3A_519 : i32
        %get3A = arith.index_cast %mul3A_520 : i32 to index
        %get3A_521 = tpu.vector_load %arg7[%get3A] {strides = array<i32>} : memref<480xf32, #tpu.memory_space<vmem>>, vector<16xf32>,
        %get3A_522 = arith.index_cast %mul3A_520 : i32 to index
        %get3A_523 = tpu.vector_load %arg8[%get3A_522] {strides = array<i32>} : memref<480xf32, #tpu.memory_space<vmem>>, vector<16xf32>,
        %get3A_524 = arith.index_cast %mul3A_520 : i32 to index
        %get3A_525 = tpu.vector_load %arg9[%get3A_524] {strides = array<i32>} : memref<480xf32, #tpu.memory_space<vmem>>, vector<16xf32>,
        %max3A = arith.constant 9.99999974E-6 : f32
        %max3A_526 = vector.broadcast %max3A : f32 to vector<16xf32>
        %max3A_527 = arith.maximumf %get3A_521, %max3A_526 : vector<16xf32>
        %min3A = arith.constant 110.999992 : f32
        %min3A_528 = vector.broadcast %min3A : f32 to vector<16xf32>
        %min3A_529 = arith.minimumf %max3A_527, %min3A_528 : vector<16xf32>
        %max3A_530 = arith.constant 9.99999974E-6 : f32
        %max3A_531 = vector.broadcast %max3A_530 : f32 to vector<16xf32>
        %max3A_532 = arith.maximumf %get3A_523, %max3A_531 : vector<16xf32>
        %min3A_533 = arith.constant 222.999985 : f32
        %min3A_534 = vector.broadcast %min3A_533 : f32 to vector<16xf32>
        %min3A_535 = arith.minimumf %max3A_532, %min3A_534 : vector<16xf32>
        %max3A_536 = arith.constant 9.99999974E-6 : f32
        %max3A_537 = vector.broadcast %max3A_536 : f32 to vector<16xf32>
        %max3A_538 = arith.maximumf %get3A_525, %max3A_537 : vector<16xf32>
        %min3A_539 = arith.constant 158.999985 : f32
        %min3A_540 = vector.broadcast %min3A_539 : f32 to vector<16xf32>
        %min3A_541 = arith.minimumf %max3A_538, %min3A_540 : vector<16xf32>
        %convert_element_type3A = arith.fptosi %min3A_529 : vector<16xf32> to vector<16xi32>
        %convert_element_type3A_542 = arith.fptosi %min3A_535 : vector<16xf32> to vector<16xi32>
        %convert_element_type3A_543 = arith.fptosi %min3A_541 : vector<16xf32> to vector<16xi32>
        %convert_element_type3A_544 = arith.sitofp %convert_element_type3A : vector<16xi32> to vector<16xf32>
        %sub3A = arith.subf %min3A_529, %convert_element_type3A_544 : vector<16xf32>
        %convert_element_type3A_545 = arith.sitofp %convert_element_type3A_542 : vector<16xi32> to vector<16xf32>
        %sub3A_546 = arith.subf %min3A_535, %convert_element_type3A_545 : vector<16xf32>
        %convert_element_type3A_547 = arith.sitofp %convert_element_type3A_543 : vector<16xi32> to vector<16xf32>
        %sub3A_548 = arith.subf %min3A_541, %convert_element_type3A_547 : vector<16xf32>
        %mul3A_549 = arith.constant 35840 : i32
        %mul3A_550 = vector.broadcast %mul3A_549 : i32 to vector<16xi32>
        %mul3A_551 = arith.muli %convert_element_type3A, %mul3A_550 : vector<16xi32>
        %mul3A_552 = arith.constant 16 : i32
        %mul3A_553 = vector.broadcast %mul3A_552 : i32 to vector<16xi32>
        %mul3A_554 = arith.muli %convert_element_type3A_542, %mul3A_553 : vector<16xi32>
        %add3A_555 = arith.addi %mul3A_551, %mul3A_554 : vector<16xi32>
        %shift_right_arithmetic3A_556 = arith.constant 4 : i32
        %shift_right_arithmetic3A_557 = vector.broadcast %shift_right_arithmetic3A_556 : i32 to vector<16xi32>
        %shift_right_arithmetic3A_558 = arith.shrsi %convert_element_type3A_543, %shift_right_arithmetic3A_557 : vector<16xi32>
        %mul3A_559 = arith.constant 3584 : i32
        %mul3A_560 = vector.broadcast %mul3A_559 : i32 to vector<16xi32>
        %mul3A_561 = arith.muli %shift_right_arithmetic3A_558, %mul3A_560 : vector<16xi32>
        %and3A_562 = arith.constant 15 : i32
        %and3A_563 = vector.broadcast %and3A_562 : i32 to vector<16xi32>
        %and3A_564 = arith.andi %convert_element_type3A_543, %and3A_563 : vector<16xi32>
        %add3A_565 = arith.addi %mul3A_561, %and3A_564 : vector<16xi32>
        %add3A_566 = arith.addi %add3A_565, %add3A_555 : vector<16xi32>
        %add3A_567 = arith.constant 1 : i32
        %add3A_568 = vector.broadcast %add3A_567 : i32 to vector<16xi32>
        %add3A_569 = arith.addi %convert_element_type3A_543, %add3A_568 : vector<16xi32>
        %shift_right_arithmetic3A_570 = arith.constant 4 : i32
        %shift_right_arithmetic3A_571 = vector.broadcast %shift_right_arithmetic3A_570 : i32 to vector<16xi32>
        %shift_right_arithmetic3A_572 = arith.shrsi %add3A_569, %shift_right_arithmetic3A_571 : vector<16xi32>
        %mul3A_573 = arith.constant 3584 : i32
        %mul3A_574 = vector.broadcast %mul3A_573 : i32 to vector<16xi32>
        %mul3A_575 = arith.muli %shift_right_arithmetic3A_572, %mul3A_574 : vector<16xi32>
        %and3A_576 = arith.constant 15 : i32
        %and3A_577 = vector.broadcast %and3A_576 : i32 to vector<16xi32>
        %and3A_578 = arith.andi %add3A_569, %and3A_577 : vector<16xi32>
        %add3A_579 = arith.addi %mul3A_575, %and3A_578 : vector<16xi32>
        %add3A_580 = arith.addi %add3A_579, %add3A_555 : vector<16xi32>
        %add3A_581 = arith.constant 0 : i32
        %add3A_582 = vector.broadcast %add3A_581 : i32 to vector<16xi32>
        %add3A_583 = arith.addi %add3A_566, %add3A_582 : vector<16xi32>
        %mul3A_584 = arith.constant 128 : i32
        %mul3A_585 = arith.muli %scan3A_518, %mul3A_584 : i32
        %add3A_586 = arith.constant 0 : i32
        %add3A_587 = arith.addi %mul3A_585, %add3A_586 : i32
        %swap3A = arith.index_cast %add3A_587 : i32 to index
        %swap3A_588 = tpu.vector_load %arg10[%swap3A] {strides = array<i32>} : memref<3840xi32, #tpu.memory_space<vmem>>, vector<16xi32>,
        tpu.vector_store %arg10[%swap3A], %add3A_583 {strides = array<i32>} : memref<3840xi32, #tpu.memory_space<vmem>>, vector<16xi32>,
        %add3A_589 = arith.constant 0 : i32
        %add3A_590 = vector.broadcast %add3A_589 : i32 to vector<16xi32>
        %add3A_591 = arith.addi %add3A_580, %add3A_590 : vector<16xi32>
        %mul3A_592 = arith.constant 128 : i32
        %mul3A_593 = arith.muli %scan3A_518, %mul3A_592 : i32
        %add3A_594 = arith.constant 16 : i32
        %add3A_595 = arith.addi %mul3A_593, %add3A_594 : i32
        %swap3A_596 = arith.index_cast %add3A_595 : i32 to index
        %swap3A_597 = tpu.vector_load %arg10[%swap3A_596] {strides = array<i32>} : memref<3840xi32, #tpu.memory_space<vmem>>, vector<16xi32>,
        tpu.vector_store %arg10[%swap3A_596], %add3A_591 {strides = array<i32>} : memref<3840xi32, #tpu.memory_space<vmem>>, vector<16xi32>,
        %add3A_598 = arith.constant 16 : i32
        %add3A_599 = vector.broadcast %add3A_598 : i32 to vector<16xi32>
        %add3A_600 = arith.addi %add3A_566, %add3A_599 : vector<16xi32>
        %mul3A_601 = arith.constant 128 : i32
        %mul3A_602 = arith.muli %scan3A_518, %mul3A_601 : i32
        %add3A_603 = arith.constant 32 : i32
        %add3A_604 = arith.addi %mul3A_602, %add3A_603 : i32
        %swap3A_605 = arith.index_cast %add3A_604 : i32 to index
        %swap3A_606 = tpu.vector_load %arg10[%swap3A_605] {strides = array<i32>} : memref<3840xi32, #tpu.memory_space<vmem>>, vector<16xi32>,
        tpu.vector_store %arg10[%swap3A_605], %add3A_600 {strides = array<i32>} : memref<3840xi32, #tpu.memory_space<vmem>>, vector<16xi32>,
        %add3A_607 = arith.constant 16 : i32
        %add3A_608 = vector.broadcast %add3A_607 : i32 to vector<16xi32>
        %add3A_609 = arith.addi %add3A_580, %add3A_608 : vector<16xi32>
        %mul3A_610 = arith.constant 128 : i32
        %mul3A_611 = arith.muli %scan3A_518, %mul3A_610 : i32
        %add3A_612 = arith.constant 48 : i32
        %add3A_613 = arith.addi %mul3A_611, %add3A_612 : i32
        %swap3A_614 = arith.index_cast %add3A_613 : i32 to index
        %swap3A_615 = tpu.vector_load %arg10[%swap3A_614] {strides = array<i32>} : memref<3840xi32, #tpu.memory_space<vmem>>, vector<16xi32>,
        tpu.vector_store %arg10[%swap3A_614], %add3A_609 {strides = array<i32>} : memref<3840xi32, #tpu.memory_space<vmem>>, vector<16xi32>,
        %add3A_616 = arith.constant 35840 : i32
        %add3A_617 = vector.broadcast %add3A_616 : i32 to vector<16xi32>
        %add3A_618 = arith.addi %add3A_566, %add3A_617 : vector<16xi32>
        %mul3A_619 = arith.constant 128 : i32
        %mul3A_620 = arith.muli %scan3A_518, %mul3A_619 : i32
        %add3A_621 = arith.constant 64 : i32
        %add3A_622 = arith.addi %mul3A_620, %add3A_621 : i32
        %swap3A_623 = arith.index_cast %add3A_622 : i32 to index
        %swap3A_624 = tpu.vector_load %arg10[%swap3A_623] {strides = array<i32>} : memref<3840xi32, #tpu.memory_space<vmem>>, vector<16xi32>,
        tpu.vector_store %arg10[%swap3A_623], %add3A_618 {strides = array<i32>} : memref<3840xi32, #tpu.memory_space<vmem>>, vector<16xi32>,
        %add3A_625 = arith.constant 35840 : i32
        %add3A_626 = vector.broadcast %add3A_625 : i32 to vector<16xi32>
        %add3A_627 = arith.addi %add3A_580, %add3A_626 : vector<16xi32>
        %mul3A_628 = arith.constant 128 : i32
        %mul3A_629 = arith.muli %scan3A_518, %mul3A_628 : i32
        %add3A_630 = arith.constant 80 : i32
        %add3A_631 = arith.addi %mul3A_629, %add3A_630 : i32
        %swap3A_632 = arith.index_cast %add3A_631 : i32 to index
        %swap3A_633 = tpu.vector_load %arg10[%swap3A_632] {strides = array<i32>} : memref<3840xi32, #tpu.memory_space<vmem>>, vector<16xi32>,
        tpu.vector_store %arg10[%swap3A_632], %add3A_627 {strides = array<i32>} : memref<3840xi32, #tpu.memory_space<vmem>>, vector<16xi32>,
        %add3A_634 = arith.constant 35856 : i32
        %add3A_635 = vector.broadcast %add3A_634 : i32 to vector<16xi32>
        %add3A_636 = arith.addi %add3A_566, %add3A_635 : vector<16xi32>
        %mul3A_637 = arith.constant 128 : i32
        %mul3A_638 = arith.muli %scan3A_518, %mul3A_637 : i32
        %add3A_639 = arith.constant 96 : i32
        %add3A_640 = arith.addi %mul3A_638, %add3A_639 : i32
        %swap3A_641 = arith.index_cast %add3A_640 : i32 to index
        %swap3A_642 = tpu.vector_load %arg10[%swap3A_641] {strides = array<i32>} : memref<3840xi32, #tpu.memory_space<vmem>>, vector<16xi32>,
        tpu.vector_store %arg10[%swap3A_641], %add3A_636 {strides = array<i32>} : memref<3840xi32, #tpu.memory_space<vmem>>, vector<16xi32>,
        %add3A_643 = arith.constant 35856 : i32
        %add3A_644 = vector.broadcast %add3A_643 : i32 to vector<16xi32>
        %add3A_645 = arith.addi %add3A_580, %add3A_644 : vector<16xi32>
        %mul3A_646 = arith.constant 128 : i32
        %mul3A_647 = arith.muli %scan3A_518, %mul3A_646 : i32
        %add3A_648 = arith.constant 112 : i32
        %add3A_649 = arith.addi %mul3A_647, %add3A_648 : i32
        %swap3A_650 = arith.index_cast %add3A_649 : i32 to index
        %swap3A_651 = tpu.vector_load %arg10[%swap3A_650] {strides = array<i32>} : memref<3840xi32, #tpu.memory_space<vmem>>, vector<16xi32>,
        tpu.vector_store %arg10[%swap3A_650], %add3A_645 {strides = array<i32>} : memref<3840xi32, #tpu.memory_space<vmem>>, vector<16xi32>,
        %sub3A_652 = arith.constant 1.000000e+00 : f32
        %sub3A_653 = vector.broadcast %sub3A_652 : f32 to vector<16xf32>
        %sub3A_654 = arith.subf %sub3A_653, %sub3A : vector<16xf32>
        %sub3A_655 = arith.constant 1.000000e+00 : f32
        %sub3A_656 = vector.broadcast %sub3A_655 : f32 to vector<16xf32>
        %sub3A_657 = arith.subf %sub3A_656, %sub3A_546 : vector<16xf32>
        %mul3A_658 = arith.mulf %sub3A_654, %sub3A_657 : vector<16xf32>
        %swap3A_659 = arith.constant 0 : i32
        %swap3A_660 = arith.index_cast %swap3A_659 : i32 to index
        %swap3A_661 = arith.index_cast %mul3A_520 : i32 to index
        %swap3A_662 = tpu.vector_load %arg11[%swap3A_660, %swap3A_661] {strides = array<i32>} : memref<4x480xf32, #tpu.memory_space<vmem>>, vector<16xf32>,
        tpu.vector_store %arg11[%swap3A_660, %swap3A_661], %mul3A_658 {strides = array<i32>} : memref<4x480xf32, #tpu.memory_space<vmem>>, vector<16xf32>,
        %mul3A_663 = arith.mulf %sub3A_654, %sub3A_546 : vector<16xf32>
        %swap3A_664 = arith.constant 1 : i32
        %swap3A_665 = arith.index_cast %swap3A_664 : i32 to index
        %swap3A_666 = arith.index_cast %mul3A_520 : i32 to index
        %swap3A_667 = tpu.vector_load %arg11[%swap3A_665, %swap3A_666] {strides = array<i32>} : memref<4x480xf32, #tpu.memory_space<vmem>>, vector<16xf32>,
        tpu.vector_store %arg11[%swap3A_665, %swap3A_666], %mul3A_663 {strides = array<i32>} : memref<4x480xf32, #tpu.memory_space<vmem>>, vector<16xf32>,
        %mul3A_668 = arith.mulf %sub3A, %sub3A_657 : vector<16xf32>
        %swap3A_669 = arith.constant 2 : i32
        %swap3A_670 = arith.index_cast %swap3A_669 : i32 to index
        %swap3A_671 = arith.index_cast %mul3A_520 : i32 to index
        %swap3A_672 = tpu.vector_load %arg11[%swap3A_670, %swap3A_671] {strides = array<i32>} : memref<4x480xf32, #tpu.memory_space<vmem>>, vector<16xf32>,
        tpu.vector_store %arg11[%swap3A_670, %swap3A_671], %mul3A_668 {strides = array<i32>} : memref<4x480xf32, #tpu.memory_space<vmem>>, vector<16xf32>,
        %mul3A_673 = arith.mulf %sub3A, %sub3A_546 : vector<16xf32>
        %swap3A_674 = arith.constant 3 : i32
        %swap3A_675 = arith.index_cast %swap3A_674 : i32 to index
        %swap3A_676 = arith.index_cast %mul3A_520 : i32 to index
        %swap3A_677 = tpu.vector_load %arg11[%swap3A_675, %swap3A_676] {strides = array<i32>} : memref<4x480xf32, #tpu.memory_space<vmem>>, vector<16xf32>,
        tpu.vector_store %arg11[%swap3A_675, %swap3A_676], %mul3A_673 {strides = array<i32>} : memref<4x480xf32, #tpu.memory_space<vmem>>, vector<16xf32>,
        %swap3A_678 = arith.index_cast %mul3A_520 : i32 to index
        %swap3A_679 = tpu.vector_load %arg12[%swap3A_678] {strides = array<i32>} : memref<480xf32, #tpu.memory_space<vmem>>, vector<16xf32>,
        tpu.vector_store %arg12[%swap3A_678], %sub3A_548 {strides = array<i32>} : memref<480xf32, #tpu.memory_space<vmem>>, vector<16xf32>,
      }
      %scan3A_28 = arith.constant 30 : i32
      %dma_start3A = arith.constant 0 : i32
      %dma_start3A_29 = arith.constant 0 : i32
      %dma_start3A_30 = tpu.memref_slice %arg13[%dma_start3A, %dma_start3A_29] : memref<3840x8xf32, #tpu.memory_space<vmem>> -> memref<128x8xf32, #tpu.memory_space<vmem>>
      %dma_start3A_31 = arith.constant 0 : i32
      %dma_start3A_32 = tpu.memref_slice %arg10[%dma_start3A_31] : memref<3840xi32, #tpu.memory_space<vmem>> -> memref<128xi32, #tpu.memory_space<vmem>>
      %dma_start3A_33 = arith.constant 0 : i32
      %dma_start3A_34 = arith.constant 0 : i32
      %dma_start3A_35 = tpu.memref_slice %arg2[%dma_start3A_33, %dma_start3A_34] : memref<4014080x8xf32, #tpu.memory_space<hbm>> -> memref<4014080x8xf32, #tpu.memory_space<hbm>>
      tpu.enqueue_indirect_dma source(%dma_start3A_35 : memref<4014080x8xf32, #tpu.memory_space<hbm>>) target(%dma_start3A_30 : memref<128x8xf32, #tpu.memory_space<vmem>>) offsets(%dma_start3A_32 : memref<128xi32, #tpu.memory_space<vmem>>) semaphore(%arg15 : memref<!tpu.dma_semaphore, #tpu.memory_space<semaphore_mem>>)
      %dma_start3A_36 = arith.constant 128 : i32
      %dma_start3A_37 = arith.constant 0 : i32
      %dma_start3A_38 = tpu.memref_slice %arg13[%dma_start3A_36, %dma_start3A_37] : memref<3840x8xf32, #tpu.memory_space<vmem>> -> memref<128x8xf32, #tpu.memory_space<vmem>>
      %dma_start3A_39 = arith.constant 128 : i32
      %dma_start3A_40 = tpu.memref_slice %arg10[%dma_start3A_39] : memref<3840xi32, #tpu.memory_space<vmem>> -> memref<128xi32, #tpu.memory_space<vmem>>
      %dma_start3A_41 = arith.constant 0 : i32
      %dma_start3A_42 = arith.constant 0 : i32
      %dma_start3A_43 = tpu.memref_slice %arg2[%dma_start3A_41, %dma_start3A_42] : memref<4014080x8xf32, #tpu.memory_space<hbm>> -> memref<4014080x8xf32, #tpu.memory_space<hbm>>
      tpu.enqueue_indirect_dma source(%dma_start3A_43 : memref<4014080x8xf32, #tpu.memory_space<hbm>>) target(%dma_start3A_38 : memref<128x8xf32, #tpu.memory_space<vmem>>) offsets(%dma_start3A_40 : memref<128xi32, #tpu.memory_space<vmem>>) semaphore(%arg15 : memref<!tpu.dma_semaphore, #tpu.memory_space<semaphore_mem>>)
      %dma_start3A_44 = arith.constant 256 : i32
      %dma_start3A_45 = arith.constant 0 : i32
      %dma_start3A_46 = tpu.memref_slice %arg13[%dma_start3A_44, %dma_start3A_45] : memref<3840x8xf32, #tpu.memory_space<vmem>> -> memref<128x8xf32, #tpu.memory_space<vmem>>
      %dma_start3A_47 = arith.constant 256 : i32
      %dma_start3A_48 = tpu.memref_slice %arg10[%dma_start3A_47] : memref<3840xi32, #tpu.memory_space<vmem>> -> memref<128xi32, #tpu.memory_space<vmem>>
      %dma_start3A_49 = arith.constant 0 : i32
      %dma_start3A_50 = arith.constant 0 : i32
      %dma_start3A_51 = tpu.memref_slice %arg2[%dma_start3A_49, %dma_start3A_50] : memref<4014080x8xf32, #tpu.memory_space<hbm>> -> memref<4014080x8xf32, #tpu.memory_space<hbm>>
      tpu.enqueue_indirect_dma source(%dma_start3A_51 : memref<4014080x8xf32, #tpu.memory_space<hbm>>) target(%dma_start3A_46 : memref<128x8xf32, #tpu.memory_space<vmem>>) offsets(%dma_start3A_48 : memref<128xi32, #tpu.memory_space<vmem>>) semaphore(%arg15 : memref<!tpu.dma_semaphore, #tpu.memory_space<semaphore_mem>>)
      %dma_start3A_52 = arith.constant 384 : i32
      %dma_start3A_53 = arith.constant 0 : i32
      %dma_start3A_54 = tpu.memref_slice %arg13[%dma_start3A_52, %dma_start3A_53] : memref<3840x8xf32, #tpu.memory_space<vmem>> -> memref<128x8xf32, #tpu.memory_space<vmem>>
      %dma_start3A_55 = arith.constant 384 : i32
      %dma_start3A_56 = tpu.memref_slice %arg10[%dma_start3A_55] : memref<3840xi32, #tpu.memory_space<vmem>> -> memref<128xi32, #tpu.memory_space<vmem>>
      %dma_start3A_57 = arith.constant 0 : i32
      %dma_start3A_58 = arith.constant 0 : i32
      %dma_start3A_59 = tpu.memref_slice %arg2[%dma_start3A_57, %dma_start3A_58] : memref<4014080x8xf32, #tpu.memory_space<hbm>> -> memref<4014080x8xf32, #tpu.memory_space<hbm>>
      tpu.enqueue_indirect_dma source(%dma_start3A_59 : memref<4014080x8xf32, #tpu.memory_space<hbm>>) target(%dma_start3A_54 : memref<128x8xf32, #tpu.memory_space<vmem>>) offsets(%dma_start3A_56 : memref<128xi32, #tpu.memory_space<vmem>>) semaphore(%arg15 : memref<!tpu.dma_semaphore, #tpu.memory_space<semaphore_mem>>)
      %dma_start3A_60 = arith.constant 512 : i32
      %dma_start3A_61 = arith.constant 0 : i32
      %dma_start3A_62 = tpu.memref_slice %arg13[%dma_start3A_60, %dma_start3A_61] : memref<3840x8xf32, #tpu.memory_space<vmem>> -> memref<128x8xf32, #tpu.memory_space<vmem>>
      %dma_start3A_63 = arith.constant 512 : i32
      %dma_start3A_64 = tpu.memref_slice %arg10[%dma_start3A_63] : memref<3840xi32, #tpu.memory_space<vmem>> -> memref<128xi32, #tpu.memory_space<vmem>>
      %dma_start3A_65 = arith.constant 0 : i32
      %dma_start3A_66 = arith.constant 0 : i32
      %dma_start3A_67 = tpu.memref_slice %arg2[%dma_start3A_65, %dma_start3A_66] : memref<4014080x8xf32, #tpu.memory_space<hbm>> -> memref<4014080x8xf32, #tpu.memory_space<hbm>>
      tpu.enqueue_indirect_dma source(%dma_start3A_67 : memref<4014080x8xf32, #tpu.memory_space<hbm>>) target(%dma_start3A_62 : memref<128x8xf32, #tpu.memory_space<vmem>>) offsets(%dma_start3A_64 : memref<128xi32, #tpu.memory_space<vmem>>) semaphore(%arg15 : memref<!tpu.dma_semaphore, #tpu.memory_space<semaphore_mem>>)
      %dma_start3A_68 = arith.constant 640 : i32
      %dma_start3A_69 = arith.constant 0 : i32
      %dma_start3A_70 = tpu.memref_slice %arg13[%dma_start3A_68, %dma_start3A_69] : memref<3840x8xf32, #tpu.memory_space<vmem>> -> memref<128x8xf32, #tpu.memory_space<vmem>>
      %dma_start3A_71 = arith.constant 640 : i32
      %dma_start3A_72 = tpu.memref_slice %arg10[%dma_start3A_71] : memref<3840xi32, #tpu.memory_space<vmem>> -> memref<128xi32, #tpu.memory_space<vmem>>
      %dma_start3A_73 = arith.constant 0 : i32
      %dma_start3A_74 = arith.constant 0 : i32
      %dma_start3A_75 = tpu.memref_slice %arg2[%dma_start3A_73, %dma_start3A_74] : memref<4014080x8xf32, #tpu.memory_space<hbm>> -> memref<4014080x8xf32, #tpu.memory_space<hbm>>
      tpu.enqueue_indirect_dma source(%dma_start3A_75 : memref<4014080x8xf32, #tpu.memory_space<hbm>>) target(%dma_start3A_70 : memref<128x8xf32, #tpu.memory_space<vmem>>) offsets(%dma_start3A_72 : memref<128xi32, #tpu.memory_space<vmem>>) semaphore(%arg15 : memref<!tpu.dma_semaphore, #tpu.memory_space<semaphore_mem>>)
      %dma_start3A_76 = arith.constant 768 : i32
      %dma_start3A_77 = arith.constant 0 : i32
      %dma_start3A_78 = tpu.memref_slice %arg13[%dma_start3A_76, %dma_start3A_77] : memref<3840x8xf32, #tpu.memory_space<vmem>> -> memref<128x8xf32, #tpu.memory_space<vmem>>
      %dma_start3A_79 = arith.constant 768 : i32
      %dma_start3A_80 = tpu.memref_slice %arg10[%dma_start3A_79] : memref<3840xi32, #tpu.memory_space<vmem>> -> memref<128xi32, #tpu.memory_space<vmem>>
      %dma_start3A_81 = arith.constant 0 : i32
      %dma_start3A_82 = arith.constant 0 : i32
      %dma_start3A_83 = tpu.memref_slice %arg2[%dma_start3A_81, %dma_start3A_82] : memref<4014080x8xf32, #tpu.memory_space<hbm>> -> memref<4014080x8xf32, #tpu.memory_space<hbm>>
      tpu.enqueue_indirect_dma source(%dma_start3A_83 : memref<4014080x8xf32, #tpu.memory_space<hbm>>) target(%dma_start3A_78 : memref<128x8xf32, #tpu.memory_space<vmem>>) offsets(%dma_start3A_80 : memref<128xi32, #tpu.memory_space<vmem>>) semaphore(%arg15 : memref<!tpu.dma_semaphore, #tpu.memory_space<semaphore_mem>>)
      %dma_start3A_84 = arith.constant 896 : i32
      %dma_start3A_85 = arith.constant 0 : i32
      %dma_start3A_86 = tpu.memref_slice %arg13[%dma_start3A_84, %dma_start3A_85] : memref<3840x8xf32, #tpu.memory_space<vmem>> -> memref<128x8xf32, #tpu.memory_space<vmem>>
      %dma_start3A_87 = arith.constant 896 : i32
      %dma_start3A_88 = tpu.memref_slice %arg10[%dma_start3A_87] : memref<3840xi32, #tpu.memory_space<vmem>> -> memref<128xi32, #tpu.memory_space<vmem>>
      %dma_start3A_89 = arith.constant 0 : i32
      %dma_start3A_90 = arith.constant 0 : i32
      %dma_start3A_91 = tpu.memref_slice %arg2[%dma_start3A_89, %dma_start3A_90] : memref<4014080x8xf32, #tpu.memory_space<hbm>> -> memref<4014080x8xf32, #tpu.memory_space<hbm>>
      tpu.enqueue_indirect_dma source(%dma_start3A_91 : memref<4014080x8xf32, #tpu.memory_space<hbm>>) target(%dma_start3A_86 : memref<128x8xf32, #tpu.memory_space<vmem>>) offsets(%dma_start3A_88 : memref<128xi32, #tpu.memory_space<vmem>>) semaphore(%arg15 : memref<!tpu.dma_semaphore, #tpu.memory_space<semaphore_mem>>)
      %dma_start3A_92 = arith.constant 1024 : i32
      %dma_start3A_93 = arith.constant 0 : i32
      %dma_start3A_94 = tpu.memref_slice %arg13[%dma_start3A_92, %dma_start3A_93] : memref<3840x8xf32, #tpu.memory_space<vmem>> -> memref<128x8xf32, #tpu.memory_space<vmem>>
      %dma_start3A_95 = arith.constant 1024 : i32
      %dma_start3A_96 = tpu.memref_slice %arg10[%dma_start3A_95] : memref<3840xi32, #tpu.memory_space<vmem>> -> memref<128xi32, #tpu.memory_space<vmem>>
      %dma_start3A_97 = arith.constant 0 : i32
      %dma_start3A_98 = arith.constant 0 : i32
      %dma_start3A_99 = tpu.memref_slice %arg2[%dma_start3A_97, %dma_start3A_98] : memref<4014080x8xf32, #tpu.memory_space<hbm>> -> memref<4014080x8xf32, #tpu.memory_space<hbm>>
      tpu.enqueue_indirect_dma source(%dma_start3A_99 : memref<4014080x8xf32, #tpu.memory_space<hbm>>) target(%dma_start3A_94 : memref<128x8xf32, #tpu.memory_space<vmem>>) offsets(%dma_start3A_96 : memref<128xi32, #tpu.memory_space<vmem>>) semaphore(%arg15 : memref<!tpu.dma_semaphore, #tpu.memory_space<semaphore_mem>>)
      %dma_start3A_100 = arith.constant 1152 : i32
      %dma_start3A_101 = arith.constant 0 : i32
      %dma_start3A_102 = tpu.memref_slice %arg13[%dma_start3A_100, %dma_start3A_101] : memref<3840x8xf32, #tpu.memory_space<vmem>> -> memref<128x8xf32, #tpu.memory_space<vmem>>
      %dma_start3A_103 = arith.constant 1152 : i32
      %dma_start3A_104 = tpu.memref_slice %arg10[%dma_start3A_103] : memref<3840xi32, #tpu.memory_space<vmem>> -> memref<128xi32, #tpu.memory_space<vmem>>
      %dma_start3A_105 = arith.constant 0 : i32
      %dma_start3A_106 = arith.constant 0 : i32
      %dma_start3A_107 = tpu.memref_slice %arg2[%dma_start3A_105, %dma_start3A_106] : memref<4014080x8xf32, #tpu.memory_space<hbm>> -> memref<4014080x8xf32, #tpu.memory_space<hbm>>
      tpu.enqueue_indirect_dma source(%dma_start3A_107 : memref<4014080x8xf32, #tpu.memory_space<hbm>>) target(%dma_start3A_102 : memref<128x8xf32, #tpu.memory_space<vmem>>) offsets(%dma_start3A_104 : memref<128xi32, #tpu.memory_space<vmem>>) semaphore(%arg15 : memref<!tpu.dma_semaphore, #tpu.memory_space<semaphore_mem>>)
      %dma_start3A_108 = arith.constant 1280 : i32
      %dma_start3A_109 = arith.constant 0 : i32
      %dma_start3A_110 = tpu.memref_slice %arg13[%dma_start3A_108, %dma_start3A_109] : memref<3840x8xf32, #tpu.memory_space<vmem>> -> memref<128x8xf32, #tpu.memory_space<vmem>>
      %dma_start3A_111 = arith.constant 1280 : i32
      %dma_start3A_112 = tpu.memref_slice %arg10[%dma_start3A_111] : memref<3840xi32, #tpu.memory_space<vmem>> -> memref<128xi32, #tpu.memory_space<vmem>>
      %dma_start3A_113 = arith.constant 0 : i32
      %dma_start3A_114 = arith.constant 0 : i32
      %dma_start3A_115 = tpu.memref_slice %arg2[%dma_start3A_113, %dma_start3A_114] : memref<4014080x8xf32, #tpu.memory_space<hbm>> -> memref<4014080x8xf32, #tpu.memory_space<hbm>>
      tpu.enqueue_indirect_dma source(%dma_start3A_115 : memref<4014080x8xf32, #tpu.memory_space<hbm>>) target(%dma_start3A_110 : memref<128x8xf32, #tpu.memory_space<vmem>>) offsets(%dma_start3A_112 : memref<128xi32, #tpu.memory_space<vmem>>) semaphore(%arg15 : memref<!tpu.dma_semaphore, #tpu.memory_space<semaphore_mem>>)
      %dma_start3A_116 = arith.constant 1408 : i32
      %dma_start3A_117 = arith.constant 0 : i32
      %dma_start3A_118 = tpu.memref_slice %arg13[%dma_start3A_116, %dma_start3A_117] : memref<3840x8xf32, #tpu.memory_space<vmem>> -> memref<128x8xf32, #tpu.memory_space<vmem>>
      %dma_start3A_119 = arith.constant 1408 : i32
      %dma_start3A_120 = tpu.memref_slice %arg10[%dma_start3A_119] : memref<3840xi32, #tpu.memory_space<vmem>> -> memref<128xi32, #tpu.memory_space<vmem>>
      %dma_start3A_121 = arith.constant 0 : i32
      %dma_start3A_122 = arith.constant 0 : i32
      %dma_start3A_123 = tpu.memref_slice %arg2[%dma_start3A_121, %dma_start3A_122] : memref<4014080x8xf32, #tpu.memory_space<hbm>> -> memref<4014080x8xf32, #tpu.memory_space<hbm>>
      tpu.enqueue_indirect_dma source(%dma_start3A_123 : memref<4014080x8xf32, #tpu.memory_space<hbm>>) target(%dma_start3A_118 : memref<128x8xf32, #tpu.memory_space<vmem>>) offsets(%dma_start3A_120 : memref<128xi32, #tpu.memory_space<vmem>>) semaphore(%arg15 : memref<!tpu.dma_semaphore, #tpu.memory_space<semaphore_mem>>)
      %dma_start3A_124 = arith.constant 1536 : i32
      %dma_start3A_125 = arith.constant 0 : i32
      %dma_start3A_126 = tpu.memref_slice %arg13[%dma_start3A_124, %dma_start3A_125] : memref<3840x8xf32, #tpu.memory_space<vmem>> -> memref<128x8xf32, #tpu.memory_space<vmem>>
      %dma_start3A_127 = arith.constant 1536 : i32
      %dma_start3A_128 = tpu.memref_slice %arg10[%dma_start3A_127] : memref<3840xi32, #tpu.memory_space<vmem>> -> memref<128xi32, #tpu.memory_space<vmem>>
      %dma_start3A_129 = arith.constant 0 : i32
      %dma_start3A_130 = arith.constant 0 : i32
      %dma_start3A_131 = tpu.memref_slice %arg2[%dma_start3A_129, %dma_start3A_130] : memref<4014080x8xf32, #tpu.memory_space<hbm>> -> memref<4014080x8xf32, #tpu.memory_space<hbm>>
      tpu.enqueue_indirect_dma source(%dma_start3A_131 : memref<4014080x8xf32, #tpu.memory_space<hbm>>) target(%dma_start3A_126 : memref<128x8xf32, #tpu.memory_space<vmem>>) offsets(%dma_start3A_128 : memref<128xi32, #tpu.memory_space<vmem>>) semaphore(%arg15 : memref<!tpu.dma_semaphore, #tpu.memory_space<semaphore_mem>>)
      %dma_start3A_132 = arith.constant 1664 : i32
      %dma_start3A_133 = arith.constant 0 : i32
      %dma_start3A_134 = tpu.memref_slice %arg13[%dma_start3A_132, %dma_start3A_133] : memref<3840x8xf32, #tpu.memory_space<vmem>> -> memref<128x8xf32, #tpu.memory_space<vmem>>
      %dma_start3A_135 = arith.constant 1664 : i32
      %dma_start3A_136 = tpu.memref_slice %arg10[%dma_start3A_135] : memref<3840xi32, #tpu.memory_space<vmem>> -> memref<128xi32, #tpu.memory_space<vmem>>
      %dma_start3A_137 = arith.constant 0 : i32
      %dma_start3A_138 = arith.constant 0 : i32
      %dma_start3A_139 = tpu.memref_slice %arg2[%dma_start3A_137, %dma_start3A_138] : memref<4014080x8xf32, #tpu.memory_space<hbm>> -> memref<4014080x8xf32, #tpu.memory_space<hbm>>
      tpu.enqueue_indirect_dma source(%dma_start3A_139 : memref<4014080x8xf32, #tpu.memory_space<hbm>>) target(%dma_start3A_134 : memref<128x8xf32, #tpu.memory_space<vmem>>) offsets(%dma_start3A_136 : memref<128xi32, #tpu.memory_space<vmem>>) semaphore(%arg15 : memref<!tpu.dma_semaphore, #tpu.memory_space<semaphore_mem>>)
      %dma_start3A_140 = arith.constant 1792 : i32
      %dma_start3A_141 = arith.constant 0 : i32
      %dma_start3A_142 = tpu.memref_slice %arg13[%dma_start3A_140, %dma_start3A_141] : memref<3840x8xf32, #tpu.memory_space<vmem>> -> memref<128x8xf32, #tpu.memory_space<vmem>>
      %dma_start3A_143 = arith.constant 1792 : i32
      %dma_start3A_144 = tpu.memref_slice %arg10[%dma_start3A_143] : memref<3840xi32, #tpu.memory_space<vmem>> -> memref<128xi32, #tpu.memory_space<vmem>>
      %dma_start3A_145 = arith.constant 0 : i32
      %dma_start3A_146 = arith.constant 0 : i32
      %dma_start3A_147 = tpu.memref_slice %arg2[%dma_start3A_145, %dma_start3A_146] : memref<4014080x8xf32, #tpu.memory_space<hbm>> -> memref<4014080x8xf32, #tpu.memory_space<hbm>>
      tpu.enqueue_indirect_dma source(%dma_start3A_147 : memref<4014080x8xf32, #tpu.memory_space<hbm>>) target(%dma_start3A_142 : memref<128x8xf32, #tpu.memory_space<vmem>>) offsets(%dma_start3A_144 : memref<128xi32, #tpu.memory_space<vmem>>) semaphore(%arg15 : memref<!tpu.dma_semaphore, #tpu.memory_space<semaphore_mem>>)
      %dma_start3A_148 = arith.constant 1920 : i32
      %dma_start3A_149 = arith.constant 0 : i32
      %dma_start3A_150 = tpu.memref_slice %arg13[%dma_start3A_148, %dma_start3A_149] : memref<3840x8xf32, #tpu.memory_space<vmem>> -> memref<128x8xf32, #tpu.memory_space<vmem>>
      %dma_start3A_151 = arith.constant 1920 : i32
      %dma_start3A_152 = tpu.memref_slice %arg10[%dma_start3A_151] : memref<3840xi32, #tpu.memory_space<vmem>> -> memref<128xi32, #tpu.memory_space<vmem>>
      %dma_start3A_153 = arith.constant 0 : i32
      %dma_start3A_154 = arith.constant 0 : i32
      %dma_start3A_155 = tpu.memref_slice %arg2[%dma_start3A_153, %dma_start3A_154] : memref<4014080x8xf32, #tpu.memory_space<hbm>> -> memref<4014080x8xf32, #tpu.memory_space<hbm>>
      tpu.enqueue_indirect_dma source(%dma_start3A_155 : memref<4014080x8xf32, #tpu.memory_space<hbm>>) target(%dma_start3A_150 : memref<128x8xf32, #tpu.memory_space<vmem>>) offsets(%dma_start3A_152 : memref<128xi32, #tpu.memory_space<vmem>>) semaphore(%arg15 : memref<!tpu.dma_semaphore, #tpu.memory_space<semaphore_mem>>)
      %dma_start3A_156 = arith.constant 2048 : i32
      %dma_start3A_157 = arith.constant 0 : i32
      %dma_start3A_158 = tpu.memref_slice %arg13[%dma_start3A_156, %dma_start3A_157] : memref<3840x8xf32, #tpu.memory_space<vmem>> -> memref<128x8xf32, #tpu.memory_space<vmem>>
      %dma_start3A_159 = arith.constant 2048 : i32
      %dma_start3A_160 = tpu.memref_slice %arg10[%dma_start3A_159] : memref<3840xi32, #tpu.memory_space<vmem>> -> memref<128xi32, #tpu.memory_space<vmem>>
      %dma_start3A_161 = arith.constant 0 : i32
      %dma_start3A_162 = arith.constant 0 : i32
      %dma_start3A_163 = tpu.memref_slice %arg2[%dma_start3A_161, %dma_start3A_162] : memref<4014080x8xf32, #tpu.memory_space<hbm>> -> memref<4014080x8xf32, #tpu.memory_space<hbm>>
      tpu.enqueue_indirect_dma source(%dma_start3A_163 : memref<4014080x8xf32, #tpu.memory_space<hbm>>) target(%dma_start3A_158 : memref<128x8xf32, #tpu.memory_space<vmem>>) offsets(%dma_start3A_160 : memref<128xi32, #tpu.memory_space<vmem>>) semaphore(%arg15 : memref<!tpu.dma_semaphore, #tpu.memory_space<semaphore_mem>>)
      %dma_start3A_164 = arith.constant 2176 : i32
      %dma_start3A_165 = arith.constant 0 : i32
      %dma_start3A_166 = tpu.memref_slice %arg13[%dma_start3A_164, %dma_start3A_165] : memref<3840x8xf32, #tpu.memory_space<vmem>> -> memref<128x8xf32, #tpu.memory_space<vmem>>
      %dma_start3A_167 = arith.constant 2176 : i32
      %dma_start3A_168 = tpu.memref_slice %arg10[%dma_start3A_167] : memref<3840xi32, #tpu.memory_space<vmem>> -> memref<128xi32, #tpu.memory_space<vmem>>
      %dma_start3A_169 = arith.constant 0 : i32
      %dma_start3A_170 = arith.constant 0 : i32
      %dma_start3A_171 = tpu.memref_slice %arg2[%dma_start3A_169, %dma_start3A_170] : memref<4014080x8xf32, #tpu.memory_space<hbm>> -> memref<4014080x8xf32, #tpu.memory_space<hbm>>
      tpu.enqueue_indirect_dma source(%dma_start3A_171 : memref<4014080x8xf32, #tpu.memory_space<hbm>>) target(%dma_start3A_166 : memref<128x8xf32, #tpu.memory_space<vmem>>) offsets(%dma_start3A_168 : memref<128xi32, #tpu.memory_space<vmem>>) semaphore(%arg15 : memref<!tpu.dma_semaphore, #tpu.memory_space<semaphore_mem>>)
      %dma_start3A_172 = arith.constant 2304 : i32
      %dma_start3A_173 = arith.constant 0 : i32
      %dma_start3A_174 = tpu.memref_slice %arg13[%dma_start3A_172, %dma_start3A_173] : memref<3840x8xf32, #tpu.memory_space<vmem>> -> memref<128x8xf32, #tpu.memory_space<vmem>>
      %dma_start3A_175 = arith.constant 2304 : i32
      %dma_start3A_176 = tpu.memref_slice %arg10[%dma_start3A_175] : memref<3840xi32, #tpu.memory_space<vmem>> -> memref<128xi32, #tpu.memory_space<vmem>>
      %dma_start3A_177 = arith.constant 0 : i32
      %dma_start3A_178 = arith.constant 0 : i32
      %dma_start3A_179 = tpu.memref_slice %arg2[%dma_start3A_177, %dma_start3A_178] : memref<4014080x8xf32, #tpu.memory_space<hbm>> -> memref<4014080x8xf32, #tpu.memory_space<hbm>>
      tpu.enqueue_indirect_dma source(%dma_start3A_179 : memref<4014080x8xf32, #tpu.memory_space<hbm>>) target(%dma_start3A_174 : memref<128x8xf32, #tpu.memory_space<vmem>>) offsets(%dma_start3A_176 : memref<128xi32, #tpu.memory_space<vmem>>) semaphore(%arg15 : memref<!tpu.dma_semaphore, #tpu.memory_space<semaphore_mem>>)
      %dma_start3A_180 = arith.constant 2432 : i32
      %dma_start3A_181 = arith.constant 0 : i32
      %dma_start3A_182 = tpu.memref_slice %arg13[%dma_start3A_180, %dma_start3A_181] : memref<3840x8xf32, #tpu.memory_space<vmem>> -> memref<128x8xf32, #tpu.memory_space<vmem>>
      %dma_start3A_183 = arith.constant 2432 : i32
      %dma_start3A_184 = tpu.memref_slice %arg10[%dma_start3A_183] : memref<3840xi32, #tpu.memory_space<vmem>> -> memref<128xi32, #tpu.memory_space<vmem>>
      %dma_start3A_185 = arith.constant 0 : i32
      %dma_start3A_186 = arith.constant 0 : i32
      %dma_start3A_187 = tpu.memref_slice %arg2[%dma_start3A_185, %dma_start3A_186] : memref<4014080x8xf32, #tpu.memory_space<hbm>> -> memref<4014080x8xf32, #tpu.memory_space<hbm>>
      tpu.enqueue_indirect_dma source(%dma_start3A_187 : memref<4014080x8xf32, #tpu.memory_space<hbm>>) target(%dma_start3A_182 : memref<128x8xf32, #tpu.memory_space<vmem>>) offsets(%dma_start3A_184 : memref<128xi32, #tpu.memory_space<vmem>>) semaphore(%arg15 : memref<!tpu.dma_semaphore, #tpu.memory_space<semaphore_mem>>)
      %dma_start3A_188 = arith.constant 2560 : i32
      %dma_start3A_189 = arith.constant 0 : i32
      %dma_start3A_190 = tpu.memref_slice %arg13[%dma_start3A_188, %dma_start3A_189] : memref<3840x8xf32, #tpu.memory_space<vmem>> -> memref<128x8xf32, #tpu.memory_space<vmem>>
      %dma_start3A_191 = arith.constant 2560 : i32
      %dma_start3A_192 = tpu.memref_slice %arg10[%dma_start3A_191] : memref<3840xi32, #tpu.memory_space<vmem>> -> memref<128xi32, #tpu.memory_space<vmem>>
      %dma_start3A_193 = arith.constant 0 : i32
      %dma_start3A_194 = arith.constant 0 : i32
      %dma_start3A_195 = tpu.memref_slice %arg2[%dma_start3A_193, %dma_start3A_194] : memref<4014080x8xf32, #tpu.memory_space<hbm>> -> memref<4014080x8xf32, #tpu.memory_space<hbm>>
      tpu.enqueue_indirect_dma source(%dma_start3A_195 : memref<4014080x8xf32, #tpu.memory_space<hbm>>) target(%dma_start3A_190 : memref<128x8xf32, #tpu.memory_space<vmem>>) offsets(%dma_start3A_192 : memref<128xi32, #tpu.memory_space<vmem>>) semaphore(%arg15 : memref<!tpu.dma_semaphore, #tpu.memory_space<semaphore_mem>>)
      %dma_start3A_196 = arith.constant 2688 : i32
      %dma_start3A_197 = arith.constant 0 : i32
      %dma_start3A_198 = tpu.memref_slice %arg13[%dma_start3A_196, %dma_start3A_197] : memref<3840x8xf32, #tpu.memory_space<vmem>> -> memref<128x8xf32, #tpu.memory_space<vmem>>
      %dma_start3A_199 = arith.constant 2688 : i32
      %dma_start3A_200 = tpu.memref_slice %arg10[%dma_start3A_199] : memref<3840xi32, #tpu.memory_space<vmem>> -> memref<128xi32, #tpu.memory_space<vmem>>
      %dma_start3A_201 = arith.constant 0 : i32
      %dma_start3A_202 = arith.constant 0 : i32
      %dma_start3A_203 = tpu.memref_slice %arg2[%dma_start3A_201, %dma_start3A_202] : memref<4014080x8xf32, #tpu.memory_space<hbm>> -> memref<4014080x8xf32, #tpu.memory_space<hbm>>
      tpu.enqueue_indirect_dma source(%dma_start3A_203 : memref<4014080x8xf32, #tpu.memory_space<hbm>>) target(%dma_start3A_198 : memref<128x8xf32, #tpu.memory_space<vmem>>) offsets(%dma_start3A_200 : memref<128xi32, #tpu.memory_space<vmem>>) semaphore(%arg15 : memref<!tpu.dma_semaphore, #tpu.memory_space<semaphore_mem>>)
      %dma_start3A_204 = arith.constant 2816 : i32
      %dma_start3A_205 = arith.constant 0 : i32
      %dma_start3A_206 = tpu.memref_slice %arg13[%dma_start3A_204, %dma_start3A_205] : memref<3840x8xf32, #tpu.memory_space<vmem>> -> memref<128x8xf32, #tpu.memory_space<vmem>>
      %dma_start3A_207 = arith.constant 2816 : i32
      %dma_start3A_208 = tpu.memref_slice %arg10[%dma_start3A_207] : memref<3840xi32, #tpu.memory_space<vmem>> -> memref<128xi32, #tpu.memory_space<vmem>>
      %dma_start3A_209 = arith.constant 0 : i32
      %dma_start3A_210 = arith.constant 0 : i32
      %dma_start3A_211 = tpu.memref_slice %arg2[%dma_start3A_209, %dma_start3A_210] : memref<4014080x8xf32, #tpu.memory_space<hbm>> -> memref<4014080x8xf32, #tpu.memory_space<hbm>>
      tpu.enqueue_indirect_dma source(%dma_start3A_211 : memref<4014080x8xf32, #tpu.memory_space<hbm>>) target(%dma_start3A_206 : memref<128x8xf32, #tpu.memory_space<vmem>>) offsets(%dma_start3A_208 : memref<128xi32, #tpu.memory_space<vmem>>) semaphore(%arg15 : memref<!tpu.dma_semaphore, #tpu.memory_space<semaphore_mem>>)
      %dma_start3A_212 = arith.constant 2944 : i32
      %dma_start3A_213 = arith.constant 0 : i32
      %dma_start3A_214 = tpu.memref_slice %arg13[%dma_start3A_212, %dma_start3A_213] : memref<3840x8xf32, #tpu.memory_space<vmem>> -> memref<128x8xf32, #tpu.memory_space<vmem>>
      %dma_start3A_215 = arith.constant 2944 : i32
      %dma_start3A_216 = tpu.memref_slice %arg10[%dma_start3A_215] : memref<3840xi32, #tpu.memory_space<vmem>> -> memref<128xi32, #tpu.memory_space<vmem>>
      %dma_start3A_217 = arith.constant 0 : i32
      %dma_start3A_218 = arith.constant 0 : i32
      %dma_start3A_219 = tpu.memref_slice %arg2[%dma_start3A_217, %dma_start3A_218] : memref<4014080x8xf32, #tpu.memory_space<hbm>> -> memref<4014080x8xf32, #tpu.memory_space<hbm>>
      tpu.enqueue_indirect_dma source(%dma_start3A_219 : memref<4014080x8xf32, #tpu.memory_space<hbm>>) target(%dma_start3A_214 : memref<128x8xf32, #tpu.memory_space<vmem>>) offsets(%dma_start3A_216 : memref<128xi32, #tpu.memory_space<vmem>>) semaphore(%arg15 : memref<!tpu.dma_semaphore, #tpu.memory_space<semaphore_mem>>)
      %dma_start3A_220 = arith.constant 3072 : i32
      %dma_start3A_221 = arith.constant 0 : i32
      %dma_start3A_222 = tpu.memref_slice %arg13[%dma_start3A_220, %dma_start3A_221] : memref<3840x8xf32, #tpu.memory_space<vmem>> -> memref<128x8xf32, #tpu.memory_space<vmem>>
      %dma_start3A_223 = arith.constant 3072 : i32
      %dma_start3A_224 = tpu.memref_slice %arg10[%dma_start3A_223] : memref<3840xi32, #tpu.memory_space<vmem>> -> memref<128xi32, #tpu.memory_space<vmem>>
      %dma_start3A_225 = arith.constant 0 : i32
      %dma_start3A_226 = arith.constant 0 : i32
      %dma_start3A_227 = tpu.memref_slice %arg2[%dma_start3A_225, %dma_start3A_226] : memref<4014080x8xf32, #tpu.memory_space<hbm>> -> memref<4014080x8xf32, #tpu.memory_space<hbm>>
      tpu.enqueue_indirect_dma source(%dma_start3A_227 : memref<4014080x8xf32, #tpu.memory_space<hbm>>) target(%dma_start3A_222 : memref<128x8xf32, #tpu.memory_space<vmem>>) offsets(%dma_start3A_224 : memref<128xi32, #tpu.memory_space<vmem>>) semaphore(%arg15 : memref<!tpu.dma_semaphore, #tpu.memory_space<semaphore_mem>>)
      %dma_start3A_228 = arith.constant 3200 : i32
      %dma_start3A_229 = arith.constant 0 : i32
      %dma_start3A_230 = tpu.memref_slice %arg13[%dma_start3A_228, %dma_start3A_229] : memref<3840x8xf32, #tpu.memory_space<vmem>> -> memref<128x8xf32, #tpu.memory_space<vmem>>
      %dma_start3A_231 = arith.constant 3200 : i32
      %dma_start3A_232 = tpu.memref_slice %arg10[%dma_start3A_231] : memref<3840xi32, #tpu.memory_space<vmem>> -> memref<128xi32, #tpu.memory_space<vmem>>
      %dma_start3A_233 = arith.constant 0 : i32
      %dma_start3A_234 = arith.constant 0 : i32
      %dma_start3A_235 = tpu.memref_slice %arg2[%dma_start3A_233, %dma_start3A_234] : memref<4014080x8xf32, #tpu.memory_space<hbm>> -> memref<4014080x8xf32, #tpu.memory_space<hbm>>
      tpu.enqueue_indirect_dma source(%dma_start3A_235 : memref<4014080x8xf32, #tpu.memory_space<hbm>>) target(%dma_start3A_230 : memref<128x8xf32, #tpu.memory_space<vmem>>) offsets(%dma_start3A_232 : memref<128xi32, #tpu.memory_space<vmem>>) semaphore(%arg15 : memref<!tpu.dma_semaphore, #tpu.memory_space<semaphore_mem>>)
      %dma_start3A_236 = arith.constant 3328 : i32
      %dma_start3A_237 = arith.constant 0 : i32
      %dma_start3A_238 = tpu.memref_slice %arg13[%dma_start3A_236, %dma_start3A_237] : memref<3840x8xf32, #tpu.memory_space<vmem>> -> memref<128x8xf32, #tpu.memory_space<vmem>>
      %dma_start3A_239 = arith.constant 3328 : i32
      %dma_start3A_240 = tpu.memref_slice %arg10[%dma_start3A_239] : memref<3840xi32, #tpu.memory_space<vmem>> -> memref<128xi32, #tpu.memory_space<vmem>>
      %dma_start3A_241 = arith.constant 0 : i32
      %dma_start3A_242 = arith.constant 0 : i32
      %dma_start3A_243 = tpu.memref_slice %arg2[%dma_start3A_241, %dma_start3A_242] : memref<4014080x8xf32, #tpu.memory_space<hbm>> -> memref<4014080x8xf32, #tpu.memory_space<hbm>>
      tpu.enqueue_indirect_dma source(%dma_start3A_243 : memref<4014080x8xf32, #tpu.memory_space<hbm>>) target(%dma_start3A_238 : memref<128x8xf32, #tpu.memory_space<vmem>>) offsets(%dma_start3A_240 : memref<128xi32, #tpu.memory_space<vmem>>) semaphore(%arg15 : memref<!tpu.dma_semaphore, #tpu.memory_space<semaphore_mem>>)
      %dma_start3A_244 = arith.constant 3456 : i32
      %dma_start3A_245 = arith.constant 0 : i32
      %dma_start3A_246 = tpu.memref_slice %arg13[%dma_start3A_244, %dma_start3A_245] : memref<3840x8xf32, #tpu.memory_space<vmem>> -> memref<128x8xf32, #tpu.memory_space<vmem>>
      %dma_start3A_247 = arith.constant 3456 : i32
      %dma_start3A_248 = tpu.memref_slice %arg10[%dma_start3A_247] : memref<3840xi32, #tpu.memory_space<vmem>> -> memref<128xi32, #tpu.memory_space<vmem>>
      %dma_start3A_249 = arith.constant 0 : i32
      %dma_start3A_250 = arith.constant 0 : i32
      %dma_start3A_251 = tpu.memref_slice %arg2[%dma_start3A_249, %dma_start3A_250] : memref<4014080x8xf32, #tpu.memory_space<hbm>> -> memref<4014080x8xf32, #tpu.memory_space<hbm>>
      tpu.enqueue_indirect_dma source(%dma_start3A_251 : memref<4014080x8xf32, #tpu.memory_space<hbm>>) target(%dma_start3A_246 : memref<128x8xf32, #tpu.memory_space<vmem>>) offsets(%dma_start3A_248 : memref<128xi32, #tpu.memory_space<vmem>>) semaphore(%arg15 : memref<!tpu.dma_semaphore, #tpu.memory_space<semaphore_mem>>)
      %dma_start3A_252 = arith.constant 3584 : i32
      %dma_start3A_253 = arith.constant 0 : i32
      %dma_start3A_254 = tpu.memref_slice %arg13[%dma_start3A_252, %dma_start3A_253] : memref<3840x8xf32, #tpu.memory_space<vmem>> -> memref<128x8xf32, #tpu.memory_space<vmem>>
      %dma_start3A_255 = arith.constant 3584 : i32
      %dma_start3A_256 = tpu.memref_slice %arg10[%dma_start3A_255] : memref<3840xi32, #tpu.memory_space<vmem>> -> memref<128xi32, #tpu.memory_space<vmem>>
      %dma_start3A_257 = arith.constant 0 : i32
      %dma_start3A_258 = arith.constant 0 : i32
      %dma_start3A_259 = tpu.memref_slice %arg2[%dma_start3A_257, %dma_start3A_258] : memref<4014080x8xf32, #tpu.memory_space<hbm>> -> memref<4014080x8xf32, #tpu.memory_space<hbm>>
      tpu.enqueue_indirect_dma source(%dma_start3A_259 : memref<4014080x8xf32, #tpu.memory_space<hbm>>) target(%dma_start3A_254 : memref<128x8xf32, #tpu.memory_space<vmem>>) offsets(%dma_start3A_256 : memref<128xi32, #tpu.memory_space<vmem>>) semaphore(%arg15 : memref<!tpu.dma_semaphore, #tpu.memory_space<semaphore_mem>>)
      %dma_start3A_260 = arith.constant 3712 : i32
      %dma_start3A_261 = arith.constant 0 : i32
      %dma_start3A_262 = tpu.memref_slice %arg13[%dma_start3A_260, %dma_start3A_261] : memref<3840x8xf32, #tpu.memory_space<vmem>> -> memref<128x8xf32, #tpu.memory_space<vmem>>
      %dma_start3A_263 = arith.constant 3712 : i32
      %dma_start3A_264 = tpu.memref_slice %arg10[%dma_start3A_263] : memref<3840xi32, #tpu.memory_space<vmem>> -> memref<128xi32, #tpu.memory_space<vmem>>
      %dma_start3A_265 = arith.constant 0 : i32
      %dma_start3A_266 = arith.constant 0 : i32
      %dma_start3A_267 = tpu.memref_slice %arg2[%dma_start3A_265, %dma_start3A_266] : memref<4014080x8xf32, #tpu.memory_space<hbm>> -> memref<4014080x8xf32, #tpu.memory_space<hbm>>
      tpu.enqueue_indirect_dma source(%dma_start3A_267 : memref<4014080x8xf32, #tpu.memory_space<hbm>>) target(%dma_start3A_262 : memref<128x8xf32, #tpu.memory_space<vmem>>) offsets(%dma_start3A_264 : memref<128xi32, #tpu.memory_space<vmem>>) semaphore(%arg15 : memref<!tpu.dma_semaphore, #tpu.memory_space<semaphore_mem>>)
      %dma_wait3A = arith.constant 0 : i32
      %dma_wait3A_268 = arith.constant 0 : i32
      %dma_wait3A_269 = tpu.memref_slice %arg13[%dma_wait3A, %dma_wait3A_268] : memref<3840x8xf32, #tpu.memory_space<vmem>> -> memref<128x8xf32, #tpu.memory_space<vmem>>
      %dma_wait3A_270 = arith.constant 0 : i32
      %dma_wait3A_271 = tpu.memref_slice %arg10[%dma_wait3A_270] : memref<3840xi32, #tpu.memory_space<vmem>> -> memref<128xi32, #tpu.memory_space<vmem>>
      %dma_wait3A_272 = arith.constant 0 : i32
      %dma_wait3A_273 = arith.constant 0 : i32
      %dma_wait3A_274 = tpu.memref_slice %arg2[%dma_wait3A_272, %dma_wait3A_273] : memref<4014080x8xf32, #tpu.memory_space<hbm>> -> memref<4014080x8xf32, #tpu.memory_space<hbm>>
      tpu.wait_indirect_dma semaphore(%arg15 : memref<!tpu.dma_semaphore, #tpu.memory_space<semaphore_mem>>) src(%dma_wait3A_274 : memref<4014080x8xf32, #tpu.memory_space<hbm>>) dst(%dma_wait3A_269 : memref<128x8xf32, #tpu.memory_space<vmem>>)
      %dma_wait3A_275 = arith.constant 128 : i32
      %dma_wait3A_276 = arith.constant 0 : i32
      %dma_wait3A_277 = tpu.memref_slice %arg13[%dma_wait3A_275, %dma_wait3A_276] : memref<3840x8xf32, #tpu.memory_space<vmem>> -> memref<128x8xf32, #tpu.memory_space<vmem>>
      %dma_wait3A_278 = arith.constant 128 : i32
      %dma_wait3A_279 = tpu.memref_slice %arg10[%dma_wait3A_278] : memref<3840xi32, #tpu.memory_space<vmem>> -> memref<128xi32, #tpu.memory_space<vmem>>
      %dma_wait3A_280 = arith.constant 0 : i32
      %dma_wait3A_281 = arith.constant 0 : i32
      %dma_wait3A_282 = tpu.memref_slice %arg2[%dma_wait3A_280, %dma_wait3A_281] : memref<4014080x8xf32, #tpu.memory_space<hbm>> -> memref<4014080x8xf32, #tpu.memory_space<hbm>>
      tpu.wait_indirect_dma semaphore(%arg15 : memref<!tpu.dma_semaphore, #tpu.memory_space<semaphore_mem>>) src(%dma_wait3A_282 : memref<4014080x8xf32, #tpu.memory_space<hbm>>) dst(%dma_wait3A_277 : memref<128x8xf32, #tpu.memory_space<vmem>>)
      %dma_wait3A_283 = arith.constant 256 : i32
      %dma_wait3A_284 = arith.constant 0 : i32
      %dma_wait3A_285 = tpu.memref_slice %arg13[%dma_wait3A_283, %dma_wait3A_284] : memref<3840x8xf32, #tpu.memory_space<vmem>> -> memref<128x8xf32, #tpu.memory_space<vmem>>
      %dma_wait3A_286 = arith.constant 256 : i32
      %dma_wait3A_287 = tpu.memref_slice %arg10[%dma_wait3A_286] : memref<3840xi32, #tpu.memory_space<vmem>> -> memref<128xi32, #tpu.memory_space<vmem>>
      %dma_wait3A_288 = arith.constant 0 : i32
      %dma_wait3A_289 = arith.constant 0 : i32
      %dma_wait3A_290 = tpu.memref_slice %arg2[%dma_wait3A_288, %dma_wait3A_289] : memref<4014080x8xf32, #tpu.memory_space<hbm>> -> memref<4014080x8xf32, #tpu.memory_space<hbm>>
      tpu.wait_indirect_dma semaphore(%arg15 : memref<!tpu.dma_semaphore, #tpu.memory_space<semaphore_mem>>) src(%dma_wait3A_290 : memref<4014080x8xf32, #tpu.memory_space<hbm>>) dst(%dma_wait3A_285 : memref<128x8xf32, #tpu.memory_space<vmem>>)
      %dma_wait3A_291 = arith.constant 384 : i32
      %dma_wait3A_292 = arith.constant 0 : i32
      %dma_wait3A_293 = tpu.memref_slice %arg13[%dma_wait3A_291, %dma_wait3A_292] : memref<3840x8xf32, #tpu.memory_space<vmem>> -> memref<128x8xf32, #tpu.memory_space<vmem>>
      %dma_wait3A_294 = arith.constant 384 : i32
      %dma_wait3A_295 = tpu.memref_slice %arg10[%dma_wait3A_294] : memref<3840xi32, #tpu.memory_space<vmem>> -> memref<128xi32, #tpu.memory_space<vmem>>
      %dma_wait3A_296 = arith.constant 0 : i32
      %dma_wait3A_297 = arith.constant 0 : i32
      %dma_wait3A_298 = tpu.memref_slice %arg2[%dma_wait3A_296, %dma_wait3A_297] : memref<4014080x8xf32, #tpu.memory_space<hbm>> -> memref<4014080x8xf32, #tpu.memory_space<hbm>>
      tpu.wait_indirect_dma semaphore(%arg15 : memref<!tpu.dma_semaphore, #tpu.memory_space<semaphore_mem>>) src(%dma_wait3A_298 : memref<4014080x8xf32, #tpu.memory_space<hbm>>) dst(%dma_wait3A_293 : memref<128x8xf32, #tpu.memory_space<vmem>>)
      %dma_wait3A_299 = arith.constant 512 : i32
      %dma_wait3A_300 = arith.constant 0 : i32
      %dma_wait3A_301 = tpu.memref_slice %arg13[%dma_wait3A_299, %dma_wait3A_300] : memref<3840x8xf32, #tpu.memory_space<vmem>> -> memref<128x8xf32, #tpu.memory_space<vmem>>
      %dma_wait3A_302 = arith.constant 512 : i32
      %dma_wait3A_303 = tpu.memref_slice %arg10[%dma_wait3A_302] : memref<3840xi32, #tpu.memory_space<vmem>> -> memref<128xi32, #tpu.memory_space<vmem>>
      %dma_wait3A_304 = arith.constant 0 : i32
      %dma_wait3A_305 = arith.constant 0 : i32
      %dma_wait3A_306 = tpu.memref_slice %arg2[%dma_wait3A_304, %dma_wait3A_305] : memref<4014080x8xf32, #tpu.memory_space<hbm>> -> memref<4014080x8xf32, #tpu.memory_space<hbm>>
      tpu.wait_indirect_dma semaphore(%arg15 : memref<!tpu.dma_semaphore, #tpu.memory_space<semaphore_mem>>) src(%dma_wait3A_306 : memref<4014080x8xf32, #tpu.memory_space<hbm>>) dst(%dma_wait3A_301 : memref<128x8xf32, #tpu.memory_space<vmem>>)
      %dma_wait3A_307 = arith.constant 640 : i32
      %dma_wait3A_308 = arith.constant 0 : i32
      %dma_wait3A_309 = tpu.memref_slice %arg13[%dma_wait3A_307, %dma_wait3A_308] : memref<3840x8xf32, #tpu.memory_space<vmem>> -> memref<128x8xf32, #tpu.memory_space<vmem>>
      %dma_wait3A_310 = arith.constant 640 : i32
      %dma_wait3A_311 = tpu.memref_slice %arg10[%dma_wait3A_310] : memref<3840xi32, #tpu.memory_space<vmem>> -> memref<128xi32, #tpu.memory_space<vmem>>
      %dma_wait3A_312 = arith.constant 0 : i32
      %dma_wait3A_313 = arith.constant 0 : i32
      %dma_wait3A_314 = tpu.memref_slice %arg2[%dma_wait3A_312, %dma_wait3A_313] : memref<4014080x8xf32, #tpu.memory_space<hbm>> -> memref<4014080x8xf32, #tpu.memory_space<hbm>>
      tpu.wait_indirect_dma semaphore(%arg15 : memref<!tpu.dma_semaphore, #tpu.memory_space<semaphore_mem>>) src(%dma_wait3A_314 : memref<4014080x8xf32, #tpu.memory_space<hbm>>) dst(%dma_wait3A_309 : memref<128x8xf32, #tpu.memory_space<vmem>>)
      %dma_wait3A_315 = arith.constant 768 : i32
      %dma_wait3A_316 = arith.constant 0 : i32
      %dma_wait3A_317 = tpu.memref_slice %arg13[%dma_wait3A_315, %dma_wait3A_316] : memref<3840x8xf32, #tpu.memory_space<vmem>> -> memref<128x8xf32, #tpu.memory_space<vmem>>
      %dma_wait3A_318 = arith.constant 768 : i32
      %dma_wait3A_319 = tpu.memref_slice %arg10[%dma_wait3A_318] : memref<3840xi32, #tpu.memory_space<vmem>> -> memref<128xi32, #tpu.memory_space<vmem>>
      %dma_wait3A_320 = arith.constant 0 : i32
      %dma_wait3A_321 = arith.constant 0 : i32
      %dma_wait3A_322 = tpu.memref_slice %arg2[%dma_wait3A_320, %dma_wait3A_321] : memref<4014080x8xf32, #tpu.memory_space<hbm>> -> memref<4014080x8xf32, #tpu.memory_space<hbm>>
      tpu.wait_indirect_dma semaphore(%arg15 : memref<!tpu.dma_semaphore, #tpu.memory_space<semaphore_mem>>) src(%dma_wait3A_322 : memref<4014080x8xf32, #tpu.memory_space<hbm>>) dst(%dma_wait3A_317 : memref<128x8xf32, #tpu.memory_space<vmem>>)
      %dma_wait3A_323 = arith.constant 896 : i32
      %dma_wait3A_324 = arith.constant 0 : i32
      %dma_wait3A_325 = tpu.memref_slice %arg13[%dma_wait3A_323, %dma_wait3A_324] : memref<3840x8xf32, #tpu.memory_space<vmem>> -> memref<128x8xf32, #tpu.memory_space<vmem>>
      %dma_wait3A_326 = arith.constant 896 : i32
      %dma_wait3A_327 = tpu.memref_slice %arg10[%dma_wait3A_326] : memref<3840xi32, #tpu.memory_space<vmem>> -> memref<128xi32, #tpu.memory_space<vmem>>
      %dma_wait3A_328 = arith.constant 0 : i32
      %dma_wait3A_329 = arith.constant 0 : i32
      %dma_wait3A_330 = tpu.memref_slice %arg2[%dma_wait3A_328, %dma_wait3A_329] : memref<4014080x8xf32, #tpu.memory_space<hbm>> -> memref<4014080x8xf32, #tpu.memory_space<hbm>>
      tpu.wait_indirect_dma semaphore(%arg15 : memref<!tpu.dma_semaphore, #tpu.memory_space<semaphore_mem>>) src(%dma_wait3A_330 : memref<4014080x8xf32, #tpu.memory_space<hbm>>) dst(%dma_wait3A_325 : memref<128x8xf32, #tpu.memory_space<vmem>>)
      %dma_wait3A_331 = arith.constant 1024 : i32
      %dma_wait3A_332 = arith.constant 0 : i32
      %dma_wait3A_333 = tpu.memref_slice %arg13[%dma_wait3A_331, %dma_wait3A_332] : memref<3840x8xf32, #tpu.memory_space<vmem>> -> memref<128x8xf32, #tpu.memory_space<vmem>>
      %dma_wait3A_334 = arith.constant 1024 : i32
      %dma_wait3A_335 = tpu.memref_slice %arg10[%dma_wait3A_334] : memref<3840xi32, #tpu.memory_space<vmem>> -> memref<128xi32, #tpu.memory_space<vmem>>
      %dma_wait3A_336 = arith.constant 0 : i32
      %dma_wait3A_337 = arith.constant 0 : i32
      %dma_wait3A_338 = tpu.memref_slice %arg2[%dma_wait3A_336, %dma_wait3A_337] : memref<4014080x8xf32, #tpu.memory_space<hbm>> -> memref<4014080x8xf32, #tpu.memory_space<hbm>>
      tpu.wait_indirect_dma semaphore(%arg15 : memref<!tpu.dma_semaphore, #tpu.memory_space<semaphore_mem>>) src(%dma_wait3A_338 : memref<4014080x8xf32, #tpu.memory_space<hbm>>) dst(%dma_wait3A_333 : memref<128x8xf32, #tpu.memory_space<vmem>>)
      %dma_wait3A_339 = arith.constant 1152 : i32
      %dma_wait3A_340 = arith.constant 0 : i32
      %dma_wait3A_341 = tpu.memref_slice %arg13[%dma_wait3A_339, %dma_wait3A_340] : memref<3840x8xf32, #tpu.memory_space<vmem>> -> memref<128x8xf32, #tpu.memory_space<vmem>>
      %dma_wait3A_342 = arith.constant 1152 : i32
      %dma_wait3A_343 = tpu.memref_slice %arg10[%dma_wait3A_342] : memref<3840xi32, #tpu.memory_space<vmem>> -> memref<128xi32, #tpu.memory_space<vmem>>
      %dma_wait3A_344 = arith.constant 0 : i32
      %dma_wait3A_345 = arith.constant 0 : i32
      %dma_wait3A_346 = tpu.memref_slice %arg2[%dma_wait3A_344, %dma_wait3A_345] : memref<4014080x8xf32, #tpu.memory_space<hbm>> -> memref<4014080x8xf32, #tpu.memory_space<hbm>>
      tpu.wait_indirect_dma semaphore(%arg15 : memref<!tpu.dma_semaphore, #tpu.memory_space<semaphore_mem>>) src(%dma_wait3A_346 : memref<4014080x8xf32, #tpu.memory_space<hbm>>) dst(%dma_wait3A_341 : memref<128x8xf32, #tpu.memory_space<vmem>>)
      %dma_wait3A_347 = arith.constant 1280 : i32
      %dma_wait3A_348 = arith.constant 0 : i32
      %dma_wait3A_349 = tpu.memref_slice %arg13[%dma_wait3A_347, %dma_wait3A_348] : memref<3840x8xf32, #tpu.memory_space<vmem>> -> memref<128x8xf32, #tpu.memory_space<vmem>>
      %dma_wait3A_350 = arith.constant 1280 : i32
      %dma_wait3A_351 = tpu.memref_slice %arg10[%dma_wait3A_350] : memref<3840xi32, #tpu.memory_space<vmem>> -> memref<128xi32, #tpu.memory_space<vmem>>
      %dma_wait3A_352 = arith.constant 0 : i32
      %dma_wait3A_353 = arith.constant 0 : i32
      %dma_wait3A_354 = tpu.memref_slice %arg2[%dma_wait3A_352, %dma_wait3A_353] : memref<4014080x8xf32, #tpu.memory_space<hbm>> -> memref<4014080x8xf32, #tpu.memory_space<hbm>>
      tpu.wait_indirect_dma semaphore(%arg15 : memref<!tpu.dma_semaphore, #tpu.memory_space<semaphore_mem>>) src(%dma_wait3A_354 : memref<4014080x8xf32, #tpu.memory_space<hbm>>) dst(%dma_wait3A_349 : memref<128x8xf32, #tpu.memory_space<vmem>>)
      %dma_wait3A_355 = arith.constant 1408 : i32
      %dma_wait3A_356 = arith.constant 0 : i32
      %dma_wait3A_357 = tpu.memref_slice %arg13[%dma_wait3A_355, %dma_wait3A_356] : memref<3840x8xf32, #tpu.memory_space<vmem>> -> memref<128x8xf32, #tpu.memory_space<vmem>>
      %dma_wait3A_358 = arith.constant 1408 : i32
      %dma_wait3A_359 = tpu.memref_slice %arg10[%dma_wait3A_358] : memref<3840xi32, #tpu.memory_space<vmem>> -> memref<128xi32, #tpu.memory_space<vmem>>
      %dma_wait3A_360 = arith.constant 0 : i32
      %dma_wait3A_361 = arith.constant 0 : i32
      %dma_wait3A_362 = tpu.memref_slice %arg2[%dma_wait3A_360, %dma_wait3A_361] : memref<4014080x8xf32, #tpu.memory_space<hbm>> -> memref<4014080x8xf32, #tpu.memory_space<hbm>>
      tpu.wait_indirect_dma semaphore(%arg15 : memref<!tpu.dma_semaphore, #tpu.memory_space<semaphore_mem>>) src(%dma_wait3A_362 : memref<4014080x8xf32, #tpu.memory_space<hbm>>) dst(%dma_wait3A_357 : memref<128x8xf32, #tpu.memory_space<vmem>>)
      %dma_wait3A_363 = arith.constant 1536 : i32
      %dma_wait3A_364 = arith.constant 0 : i32
      %dma_wait3A_365 = tpu.memref_slice %arg13[%dma_wait3A_363, %dma_wait3A_364] : memref<3840x8xf32, #tpu.memory_space<vmem>> -> memref<128x8xf32, #tpu.memory_space<vmem>>
      %dma_wait3A_366 = arith.constant 1536 : i32
      %dma_wait3A_367 = tpu.memref_slice %arg10[%dma_wait3A_366] : memref<3840xi32, #tpu.memory_space<vmem>> -> memref<128xi32, #tpu.memory_space<vmem>>
      %dma_wait3A_368 = arith.constant 0 : i32
      %dma_wait3A_369 = arith.constant 0 : i32
      %dma_wait3A_370 = tpu.memref_slice %arg2[%dma_wait3A_368, %dma_wait3A_369] : memref<4014080x8xf32, #tpu.memory_space<hbm>> -> memref<4014080x8xf32, #tpu.memory_space<hbm>>
      tpu.wait_indirect_dma semaphore(%arg15 : memref<!tpu.dma_semaphore, #tpu.memory_space<semaphore_mem>>) src(%dma_wait3A_370 : memref<4014080x8xf32, #tpu.memory_space<hbm>>) dst(%dma_wait3A_365 : memref<128x8xf32, #tpu.memory_space<vmem>>)
      %dma_wait3A_371 = arith.constant 1664 : i32
      %dma_wait3A_372 = arith.constant 0 : i32
      %dma_wait3A_373 = tpu.memref_slice %arg13[%dma_wait3A_371, %dma_wait3A_372] : memref<3840x8xf32, #tpu.memory_space<vmem>> -> memref<128x8xf32, #tpu.memory_space<vmem>>
      %dma_wait3A_374 = arith.constant 1664 : i32
      %dma_wait3A_375 = tpu.memref_slice %arg10[%dma_wait3A_374] : memref<3840xi32, #tpu.memory_space<vmem>> -> memref<128xi32, #tpu.memory_space<vmem>>
      %dma_wait3A_376 = arith.constant 0 : i32
      %dma_wait3A_377 = arith.constant 0 : i32
      %dma_wait3A_378 = tpu.memref_slice %arg2[%dma_wait3A_376, %dma_wait3A_377] : memref<4014080x8xf32, #tpu.memory_space<hbm>> -> memref<4014080x8xf32, #tpu.memory_space<hbm>>
      tpu.wait_indirect_dma semaphore(%arg15 : memref<!tpu.dma_semaphore, #tpu.memory_space<semaphore_mem>>) src(%dma_wait3A_378 : memref<4014080x8xf32, #tpu.memory_space<hbm>>) dst(%dma_wait3A_373 : memref<128x8xf32, #tpu.memory_space<vmem>>)
      %dma_wait3A_379 = arith.constant 1792 : i32
      %dma_wait3A_380 = arith.constant 0 : i32
      %dma_wait3A_381 = tpu.memref_slice %arg13[%dma_wait3A_379, %dma_wait3A_380] : memref<3840x8xf32, #tpu.memory_space<vmem>> -> memref<128x8xf32, #tpu.memory_space<vmem>>
      %dma_wait3A_382 = arith.constant 1792 : i32
      %dma_wait3A_383 = tpu.memref_slice %arg10[%dma_wait3A_382] : memref<3840xi32, #tpu.memory_space<vmem>> -> memref<128xi32, #tpu.memory_space<vmem>>
      %dma_wait3A_384 = arith.constant 0 : i32
      %dma_wait3A_385 = arith.constant 0 : i32
      %dma_wait3A_386 = tpu.memref_slice %arg2[%dma_wait3A_384, %dma_wait3A_385] : memref<4014080x8xf32, #tpu.memory_space<hbm>> -> memref<4014080x8xf32, #tpu.memory_space<hbm>>
      tpu.wait_indirect_dma semaphore(%arg15 : memref<!tpu.dma_semaphore, #tpu.memory_space<semaphore_mem>>) src(%dma_wait3A_386 : memref<4014080x8xf32, #tpu.memory_space<hbm>>) dst(%dma_wait3A_381 : memref<128x8xf32, #tpu.memory_space<vmem>>)
      %dma_wait3A_387 = arith.constant 1920 : i32
      %dma_wait3A_388 = arith.constant 0 : i32
      %dma_wait3A_389 = tpu.memref_slice %arg13[%dma_wait3A_387, %dma_wait3A_388] : memref<3840x8xf32, #tpu.memory_space<vmem>> -> memref<128x8xf32, #tpu.memory_space<vmem>>
      %dma_wait3A_390 = arith.constant 1920 : i32
      %dma_wait3A_391 = tpu.memref_slice %arg10[%dma_wait3A_390] : memref<3840xi32, #tpu.memory_space<vmem>> -> memref<128xi32, #tpu.memory_space<vmem>>
      %dma_wait3A_392 = arith.constant 0 : i32
      %dma_wait3A_393 = arith.constant 0 : i32
      %dma_wait3A_394 = tpu.memref_slice %arg2[%dma_wait3A_392, %dma_wait3A_393] : memref<4014080x8xf32, #tpu.memory_space<hbm>> -> memref<4014080x8xf32, #tpu.memory_space<hbm>>
      tpu.wait_indirect_dma semaphore(%arg15 : memref<!tpu.dma_semaphore, #tpu.memory_space<semaphore_mem>>) src(%dma_wait3A_394 : memref<4014080x8xf32, #tpu.memory_space<hbm>>) dst(%dma_wait3A_389 : memref<128x8xf32, #tpu.memory_space<vmem>>)
      %dma_wait3A_395 = arith.constant 2048 : i32
      %dma_wait3A_396 = arith.constant 0 : i32
      %dma_wait3A_397 = tpu.memref_slice %arg13[%dma_wait3A_395, %dma_wait3A_396] : memref<3840x8xf32, #tpu.memory_space<vmem>> -> memref<128x8xf32, #tpu.memory_space<vmem>>
      %dma_wait3A_398 = arith.constant 2048 : i32
      %dma_wait3A_399 = tpu.memref_slice %arg10[%dma_wait3A_398] : memref<3840xi32, #tpu.memory_space<vmem>> -> memref<128xi32, #tpu.memory_space<vmem>>
      %dma_wait3A_400 = arith.constant 0 : i32
      %dma_wait3A_401 = arith.constant 0 : i32
      %dma_wait3A_402 = tpu.memref_slice %arg2[%dma_wait3A_400, %dma_wait3A_401] : memref<4014080x8xf32, #tpu.memory_space<hbm>> -> memref<4014080x8xf32, #tpu.memory_space<hbm>>
      tpu.wait_indirect_dma semaphore(%arg15 : memref<!tpu.dma_semaphore, #tpu.memory_space<semaphore_mem>>) src(%dma_wait3A_402 : memref<4014080x8xf32, #tpu.memory_space<hbm>>) dst(%dma_wait3A_397 : memref<128x8xf32, #tpu.memory_space<vmem>>)
      %dma_wait3A_403 = arith.constant 2176 : i32
      %dma_wait3A_404 = arith.constant 0 : i32
      %dma_wait3A_405 = tpu.memref_slice %arg13[%dma_wait3A_403, %dma_wait3A_404] : memref<3840x8xf32, #tpu.memory_space<vmem>> -> memref<128x8xf32, #tpu.memory_space<vmem>>
      %dma_wait3A_406 = arith.constant 2176 : i32
      %dma_wait3A_407 = tpu.memref_slice %arg10[%dma_wait3A_406] : memref<3840xi32, #tpu.memory_space<vmem>> -> memref<128xi32, #tpu.memory_space<vmem>>
      %dma_wait3A_408 = arith.constant 0 : i32
      %dma_wait3A_409 = arith.constant 0 : i32
      %dma_wait3A_410 = tpu.memref_slice %arg2[%dma_wait3A_408, %dma_wait3A_409] : memref<4014080x8xf32, #tpu.memory_space<hbm>> -> memref<4014080x8xf32, #tpu.memory_space<hbm>>
      tpu.wait_indirect_dma semaphore(%arg15 : memref<!tpu.dma_semaphore, #tpu.memory_space<semaphore_mem>>) src(%dma_wait3A_410 : memref<4014080x8xf32, #tpu.memory_space<hbm>>) dst(%dma_wait3A_405 : memref<128x8xf32, #tpu.memory_space<vmem>>)
      %dma_wait3A_411 = arith.constant 2304 : i32
      %dma_wait3A_412 = arith.constant 0 : i32
      %dma_wait3A_413 = tpu.memref_slice %arg13[%dma_wait3A_411, %dma_wait3A_412] : memref<3840x8xf32, #tpu.memory_space<vmem>> -> memref<128x8xf32, #tpu.memory_space<vmem>>
      %dma_wait3A_414 = arith.constant 2304 : i32
      %dma_wait3A_415 = tpu.memref_slice %arg10[%dma_wait3A_414] : memref<3840xi32, #tpu.memory_space<vmem>> -> memref<128xi32, #tpu.memory_space<vmem>>
      %dma_wait3A_416 = arith.constant 0 : i32
      %dma_wait3A_417 = arith.constant 0 : i32
      %dma_wait3A_418 = tpu.memref_slice %arg2[%dma_wait3A_416, %dma_wait3A_417] : memref<4014080x8xf32, #tpu.memory_space<hbm>> -> memref<4014080x8xf32, #tpu.memory_space<hbm>>
      tpu.wait_indirect_dma semaphore(%arg15 : memref<!tpu.dma_semaphore, #tpu.memory_space<semaphore_mem>>) src(%dma_wait3A_418 : memref<4014080x8xf32, #tpu.memory_space<hbm>>) dst(%dma_wait3A_413 : memref<128x8xf32, #tpu.memory_space<vmem>>)
      %dma_wait3A_419 = arith.constant 2432 : i32
      %dma_wait3A_420 = arith.constant 0 : i32
      %dma_wait3A_421 = tpu.memref_slice %arg13[%dma_wait3A_419, %dma_wait3A_420] : memref<3840x8xf32, #tpu.memory_space<vmem>> -> memref<128x8xf32, #tpu.memory_space<vmem>>
      %dma_wait3A_422 = arith.constant 2432 : i32
      %dma_wait3A_423 = tpu.memref_slice %arg10[%dma_wait3A_422] : memref<3840xi32, #tpu.memory_space<vmem>> -> memref<128xi32, #tpu.memory_space<vmem>>
      %dma_wait3A_424 = arith.constant 0 : i32
      %dma_wait3A_425 = arith.constant 0 : i32
      %dma_wait3A_426 = tpu.memref_slice %arg2[%dma_wait3A_424, %dma_wait3A_425] : memref<4014080x8xf32, #tpu.memory_space<hbm>> -> memref<4014080x8xf32, #tpu.memory_space<hbm>>
      tpu.wait_indirect_dma semaphore(%arg15 : memref<!tpu.dma_semaphore, #tpu.memory_space<semaphore_mem>>) src(%dma_wait3A_426 : memref<4014080x8xf32, #tpu.memory_space<hbm>>) dst(%dma_wait3A_421 : memref<128x8xf32, #tpu.memory_space<vmem>>)
      %dma_wait3A_427 = arith.constant 2560 : i32
      %dma_wait3A_428 = arith.constant 0 : i32
      %dma_wait3A_429 = tpu.memref_slice %arg13[%dma_wait3A_427, %dma_wait3A_428] : memref<3840x8xf32, #tpu.memory_space<vmem>> -> memref<128x8xf32, #tpu.memory_space<vmem>>
      %dma_wait3A_430 = arith.constant 2560 : i32
      %dma_wait3A_431 = tpu.memref_slice %arg10[%dma_wait3A_430] : memref<3840xi32, #tpu.memory_space<vmem>> -> memref<128xi32, #tpu.memory_space<vmem>>
      %dma_wait3A_432 = arith.constant 0 : i32
      %dma_wait3A_433 = arith.constant 0 : i32
      %dma_wait3A_434 = tpu.memref_slice %arg2[%dma_wait3A_432, %dma_wait3A_433] : memref<4014080x8xf32, #tpu.memory_space<hbm>> -> memref<4014080x8xf32, #tpu.memory_space<hbm>>
      tpu.wait_indirect_dma semaphore(%arg15 : memref<!tpu.dma_semaphore, #tpu.memory_space<semaphore_mem>>) src(%dma_wait3A_434 : memref<4014080x8xf32, #tpu.memory_space<hbm>>) dst(%dma_wait3A_429 : memref<128x8xf32, #tpu.memory_space<vmem>>)
      %dma_wait3A_435 = arith.constant 2688 : i32
      %dma_wait3A_436 = arith.constant 0 : i32
      %dma_wait3A_437 = tpu.memref_slice %arg13[%dma_wait3A_435, %dma_wait3A_436] : memref<3840x8xf32, #tpu.memory_space<vmem>> -> memref<128x8xf32, #tpu.memory_space<vmem>>
      %dma_wait3A_438 = arith.constant 2688 : i32
      %dma_wait3A_439 = tpu.memref_slice %arg10[%dma_wait3A_438] : memref<3840xi32, #tpu.memory_space<vmem>> -> memref<128xi32, #tpu.memory_space<vmem>>
      %dma_wait3A_440 = arith.constant 0 : i32
      %dma_wait3A_441 = arith.constant 0 : i32
      %dma_wait3A_442 = tpu.memref_slice %arg2[%dma_wait3A_440, %dma_wait3A_441] : memref<4014080x8xf32, #tpu.memory_space<hbm>> -> memref<4014080x8xf32, #tpu.memory_space<hbm>>
      tpu.wait_indirect_dma semaphore(%arg15 : memref<!tpu.dma_semaphore, #tpu.memory_space<semaphore_mem>>) src(%dma_wait3A_442 : memref<4014080x8xf32, #tpu.memory_space<hbm>>) dst(%dma_wait3A_437 : memref<128x8xf32, #tpu.memory_space<vmem>>)
      %dma_wait3A_443 = arith.constant 2816 : i32
      %dma_wait3A_444 = arith.constant 0 : i32
      %dma_wait3A_445 = tpu.memref_slice %arg13[%dma_wait3A_443, %dma_wait3A_444] : memref<3840x8xf32, #tpu.memory_space<vmem>> -> memref<128x8xf32, #tpu.memory_space<vmem>>
      %dma_wait3A_446 = arith.constant 2816 : i32
      %dma_wait3A_447 = tpu.memref_slice %arg10[%dma_wait3A_446] : memref<3840xi32, #tpu.memory_space<vmem>> -> memref<128xi32, #tpu.memory_space<vmem>>
      %dma_wait3A_448 = arith.constant 0 : i32
      %dma_wait3A_449 = arith.constant 0 : i32
      %dma_wait3A_450 = tpu.memref_slice %arg2[%dma_wait3A_448, %dma_wait3A_449] : memref<4014080x8xf32, #tpu.memory_space<hbm>> -> memref<4014080x8xf32, #tpu.memory_space<hbm>>
      tpu.wait_indirect_dma semaphore(%arg15 : memref<!tpu.dma_semaphore, #tpu.memory_space<semaphore_mem>>) src(%dma_wait3A_450 : memref<4014080x8xf32, #tpu.memory_space<hbm>>) dst(%dma_wait3A_445 : memref<128x8xf32, #tpu.memory_space<vmem>>)
      %dma_wait3A_451 = arith.constant 2944 : i32
      %dma_wait3A_452 = arith.constant 0 : i32
      %dma_wait3A_453 = tpu.memref_slice %arg13[%dma_wait3A_451, %dma_wait3A_452] : memref<3840x8xf32, #tpu.memory_space<vmem>> -> memref<128x8xf32, #tpu.memory_space<vmem>>
      %dma_wait3A_454 = arith.constant 2944 : i32
      %dma_wait3A_455 = tpu.memref_slice %arg10[%dma_wait3A_454] : memref<3840xi32, #tpu.memory_space<vmem>> -> memref<128xi32, #tpu.memory_space<vmem>>
      %dma_wait3A_456 = arith.constant 0 : i32
      %dma_wait3A_457 = arith.constant 0 : i32
      %dma_wait3A_458 = tpu.memref_slice %arg2[%dma_wait3A_456, %dma_wait3A_457] : memref<4014080x8xf32, #tpu.memory_space<hbm>> -> memref<4014080x8xf32, #tpu.memory_space<hbm>>
      tpu.wait_indirect_dma semaphore(%arg15 : memref<!tpu.dma_semaphore, #tpu.memory_space<semaphore_mem>>) src(%dma_wait3A_458 : memref<4014080x8xf32, #tpu.memory_space<hbm>>) dst(%dma_wait3A_453 : memref<128x8xf32, #tpu.memory_space<vmem>>)
      %dma_wait3A_459 = arith.constant 3072 : i32
      %dma_wait3A_460 = arith.constant 0 : i32
      %dma_wait3A_461 = tpu.memref_slice %arg13[%dma_wait3A_459, %dma_wait3A_460] : memref<3840x8xf32, #tpu.memory_space<vmem>> -> memref<128x8xf32, #tpu.memory_space<vmem>>
      %dma_wait3A_462 = arith.constant 3072 : i32
      %dma_wait3A_463 = tpu.memref_slice %arg10[%dma_wait3A_462] : memref<3840xi32, #tpu.memory_space<vmem>> -> memref<128xi32, #tpu.memory_space<vmem>>
      %dma_wait3A_464 = arith.constant 0 : i32
      %dma_wait3A_465 = arith.constant 0 : i32
      %dma_wait3A_466 = tpu.memref_slice %arg2[%dma_wait3A_464, %dma_wait3A_465] : memref<4014080x8xf32, #tpu.memory_space<hbm>> -> memref<4014080x8xf32, #tpu.memory_space<hbm>>
      tpu.wait_indirect_dma semaphore(%arg15 : memref<!tpu.dma_semaphore, #tpu.memory_space<semaphore_mem>>) src(%dma_wait3A_466 : memref<4014080x8xf32, #tpu.memory_space<hbm>>) dst(%dma_wait3A_461 : memref<128x8xf32, #tpu.memory_space<vmem>>)
      %dma_wait3A_467 = arith.constant 3200 : i32
      %dma_wait3A_468 = arith.constant 0 : i32
      %dma_wait3A_469 = tpu.memref_slice %arg13[%dma_wait3A_467, %dma_wait3A_468] : memref<3840x8xf32, #tpu.memory_space<vmem>> -> memref<128x8xf32, #tpu.memory_space<vmem>>
      %dma_wait3A_470 = arith.constant 3200 : i32
      %dma_wait3A_471 = tpu.memref_slice %arg10[%dma_wait3A_470] : memref<3840xi32, #tpu.memory_space<vmem>> -> memref<128xi32, #tpu.memory_space<vmem>>
      %dma_wait3A_472 = arith.constant 0 : i32
      %dma_wait3A_473 = arith.constant 0 : i32
      %dma_wait3A_474 = tpu.memref_slice %arg2[%dma_wait3A_472, %dma_wait3A_473] : memref<4014080x8xf32, #tpu.memory_space<hbm>> -> memref<4014080x8xf32, #tpu.memory_space<hbm>>
      tpu.wait_indirect_dma semaphore(%arg15 : memref<!tpu.dma_semaphore, #tpu.memory_space<semaphore_mem>>) src(%dma_wait3A_474 : memref<4014080x8xf32, #tpu.memory_space<hbm>>) dst(%dma_wait3A_469 : memref<128x8xf32, #tpu.memory_space<vmem>>)
      %dma_wait3A_475 = arith.constant 3328 : i32
      %dma_wait3A_476 = arith.constant 0 : i32
      %dma_wait3A_477 = tpu.memref_slice %arg13[%dma_wait3A_475, %dma_wait3A_476] : memref<3840x8xf32, #tpu.memory_space<vmem>> -> memref<128x8xf32, #tpu.memory_space<vmem>>
      %dma_wait3A_478 = arith.constant 3328 : i32
      %dma_wait3A_479 = tpu.memref_slice %arg10[%dma_wait3A_478] : memref<3840xi32, #tpu.memory_space<vmem>> -> memref<128xi32, #tpu.memory_space<vmem>>
      %dma_wait3A_480 = arith.constant 0 : i32
      %dma_wait3A_481 = arith.constant 0 : i32
      %dma_wait3A_482 = tpu.memref_slice %arg2[%dma_wait3A_480, %dma_wait3A_481] : memref<4014080x8xf32, #tpu.memory_space<hbm>> -> memref<4014080x8xf32, #tpu.memory_space<hbm>>
      tpu.wait_indirect_dma semaphore(%arg15 : memref<!tpu.dma_semaphore, #tpu.memory_space<semaphore_mem>>) src(%dma_wait3A_482 : memref<4014080x8xf32, #tpu.memory_space<hbm>>) dst(%dma_wait3A_477 : memref<128x8xf32, #tpu.memory_space<vmem>>)
      %dma_wait3A_483 = arith.constant 3456 : i32
      %dma_wait3A_484 = arith.constant 0 : i32
      %dma_wait3A_485 = tpu.memref_slice %arg13[%dma_wait3A_483, %dma_wait3A_484] : memref<3840x8xf32, #tpu.memory_space<vmem>> -> memref<128x8xf32, #tpu.memory_space<vmem>>
      %dma_wait3A_486 = arith.constant 3456 : i32
      %dma_wait3A_487 = tpu.memref_slice %arg10[%dma_wait3A_486] : memref<3840xi32, #tpu.memory_space<vmem>> -> memref<128xi32, #tpu.memory_space<vmem>>
      %dma_wait3A_488 = arith.constant 0 : i32
      %dma_wait3A_489 = arith.constant 0 : i32
      %dma_wait3A_490 = tpu.memref_slice %arg2[%dma_wait3A_488, %dma_wait3A_489] : memref<4014080x8xf32, #tpu.memory_space<hbm>> -> memref<4014080x8xf32, #tpu.memory_space<hbm>>
      tpu.wait_indirect_dma semaphore(%arg15 : memref<!tpu.dma_semaphore, #tpu.memory_space<semaphore_mem>>) src(%dma_wait3A_490 : memref<4014080x8xf32, #tpu.memory_space<hbm>>) dst(%dma_wait3A_485 : memref<128x8xf32, #tpu.memory_space<vmem>>)
      %dma_wait3A_491 = arith.constant 3584 : i32
      %dma_wait3A_492 = arith.constant 0 : i32
      %dma_wait3A_493 = tpu.memref_slice %arg13[%dma_wait3A_491, %dma_wait3A_492] : memref<3840x8xf32, #tpu.memory_space<vmem>> -> memref<128x8xf32, #tpu.memory_space<vmem>>
      %dma_wait3A_494 = arith.constant 3584 : i32
      %dma_wait3A_495 = tpu.memref_slice %arg10[%dma_wait3A_494] : memref<3840xi32, #tpu.memory_space<vmem>> -> memref<128xi32, #tpu.memory_space<vmem>>
      %dma_wait3A_496 = arith.constant 0 : i32
      %dma_wait3A_497 = arith.constant 0 : i32
      %dma_wait3A_498 = tpu.memref_slice %arg2[%dma_wait3A_496, %dma_wait3A_497] : memref<4014080x8xf32, #tpu.memory_space<hbm>> -> memref<4014080x8xf32, #tpu.memory_space<hbm>>
      tpu.wait_indirect_dma semaphore(%arg15 : memref<!tpu.dma_semaphore, #tpu.memory_space<semaphore_mem>>) src(%dma_wait3A_498 : memref<4014080x8xf32, #tpu.memory_space<hbm>>) dst(%dma_wait3A_493 : memref<128x8xf32, #tpu.memory_space<vmem>>)
      %dma_wait3A_499 = arith.constant 3712 : i32
      %dma_wait3A_500 = arith.constant 0 : i32
      %dma_wait3A_501 = tpu.memref_slice %arg13[%dma_wait3A_499, %dma_wait3A_500] : memref<3840x8xf32, #tpu.memory_space<vmem>> -> memref<128x8xf32, #tpu.memory_space<vmem>>
      %dma_wait3A_502 = arith.constant 3712 : i32
      %dma_wait3A_503 = tpu.memref_slice %arg10[%dma_wait3A_502] : memref<3840xi32, #tpu.memory_space<vmem>> -> memref<128xi32, #tpu.memory_space<vmem>>
      %dma_wait3A_504 = arith.constant 0 : i32
      %dma_wait3A_505 = arith.constant 0 : i32
      %dma_wait3A_506 = tpu.memref_slice %arg2[%dma_wait3A_504, %dma_wait3A_505] : memref<4014080x8xf32, #tpu.memory_space<hbm>> -> memref<4014080x8xf32, #tpu.memory_space<hbm>>
      tpu.wait_indirect_dma semaphore(%arg15 : memref<!tpu.dma_semaphore, #tpu.memory_space<semaphore_mem>>) src(%dma_wait3A_506 : memref<4014080x8xf32, #tpu.memory_space<hbm>>) dst(%dma_wait3A_501 : memref<128x8xf32, #tpu.memory_space<vmem>>)
      %scan3A_507 = arith.constant 0 : i32
      %scan3A_508 = arith.constant 0 : i32
      %scan3A_509 = arith.constant 240 : i32
      %scan3A_510 = arith.addi %scan3A_508, %scan3A_509 : i32
      %scan3A_511 = arith.constant 1 : i32
      scf.for %scan3A_518 = %scan3A_508 to %scan3A_510 step %scan3A_511  : i32 {
        %shift_right_arithmetic3A_519 = arith.constant 3 : i32
        %shift_right_arithmetic3A_520 = arith.shrsi %scan3A_518, %shift_right_arithmetic3A_519 : i32
        %shift_left3A = arith.constant 7 : i32
        %shift_left3A_521 = arith.shli %shift_right_arithmetic3A_520, %shift_left3A : i32
        %and3A_522 = arith.constant 7 : i32
        %and3A_523 = arith.andi %scan3A_518, %and3A_522 : i32
        %shift_left3A_524 = arith.constant 1 : i32
        %shift_left3A_525 = arith.shli %and3A_523, %shift_left3A_524 : i32
        %add3A_526 = arith.addi %shift_left3A_521, %shift_left3A_525 : i32
        %mul3A_527 = arith.constant 2 : i32
        %mul3A_528 = arith.muli %mul3A_527, %scan3A_518 : i32
        %add3A_529 = vector.broadcast %mul3A_528 : i32 to vector<16xi32>
        %add3A_530 = arith.addi %add3A_529, %shift_right_arithmetic3A_2 : vector<16xi32>
        %add3A_531 = arith.constant 0 : i32
        %add3A_532 = arith.addi %add3A_526, %add3A_531 : i32
        %add3A_533 = vector.broadcast %add3A_532 : i32 to vector<16xi32>
        %add3A_534 = arith.addi %add3A_533, %shift_right_arithmetic3A_2 : vector<16xi32>
        %add3A_535 = arith.constant 32 : i32
        %add3A_536 = arith.addi %add3A_526, %add3A_535 : i32
        %add3A_537 = vector.broadcast %add3A_536 : i32 to vector<16xi32>
        %add3A_538 = arith.addi %add3A_537, %shift_right_arithmetic3A_2 : vector<16xi32>
        %add3A_539 = arith.constant 64 : i32
        %add3A_540 = arith.addi %add3A_526, %add3A_539 : i32
        %add3A_541 = vector.broadcast %add3A_540 : i32 to vector<16xi32>
        %add3A_542 = arith.addi %add3A_541, %shift_right_arithmetic3A_2 : vector<16xi32>
        %add3A_543 = arith.constant 96 : i32
        %add3A_544 = arith.addi %add3A_526, %add3A_543 : i32
        %add3A_545 = vector.broadcast %add3A_544 : i32 to vector<16xi32>
        %add3A_546 = arith.addi %add3A_545, %shift_right_arithmetic3A_2 : vector<16xi32>
        %gather3A = tpu.vector_load_idx %arg13[%add3A_534, %and3A_4] : memref<3840x8xf32, #tpu.memory_space<vmem>>[vector<16xi32>, vector<16xi32>], vector<16xf32>,
        %gather3A_547 = tpu.vector_load_idx %arg13[%add3A_538, %and3A_4] : memref<3840x8xf32, #tpu.memory_space<vmem>>[vector<16xi32>, vector<16xi32>], vector<16xf32>,
        %gather3A_548 = tpu.vector_load_idx %arg13[%add3A_542, %and3A_4] : memref<3840x8xf32, #tpu.memory_space<vmem>>[vector<16xi32>, vector<16xi32>], vector<16xf32>,
        %gather3A_549 = tpu.vector_load_idx %arg13[%add3A_546, %and3A_4] : memref<3840x8xf32, #tpu.memory_space<vmem>>[vector<16xi32>, vector<16xi32>], vector<16xf32>,
        %add3A_550 = arith.constant 16 : i32
        %add3A_551 = vector.broadcast %add3A_550 : i32 to vector<16xi32>
        %add3A_552 = arith.addi %add3A_534, %add3A_551 : vector<16xi32>
        %gather3A_553 = tpu.vector_load_idx %arg13[%add3A_552, %and3A_4] : memref<3840x8xf32, #tpu.memory_space<vmem>>[vector<16xi32>, vector<16xi32>], vector<16xf32>,
        %add3A_554 = arith.constant 16 : i32
        %add3A_555 = vector.broadcast %add3A_554 : i32 to vector<16xi32>
        %add3A_556 = arith.addi %add3A_538, %add3A_555 : vector<16xi32>
        %gather3A_557 = tpu.vector_load_idx %arg13[%add3A_556, %and3A_4] : memref<3840x8xf32, #tpu.memory_space<vmem>>[vector<16xi32>, vector<16xi32>], vector<16xf32>,
        %add3A_558 = arith.constant 16 : i32
        %add3A_559 = vector.broadcast %add3A_558 : i32 to vector<16xi32>
        %add3A_560 = arith.addi %add3A_542, %add3A_559 : vector<16xi32>
        %gather3A_561 = tpu.vector_load_idx %arg13[%add3A_560, %and3A_4] : memref<3840x8xf32, #tpu.memory_space<vmem>>[vector<16xi32>, vector<16xi32>], vector<16xf32>,
        %add3A_562 = arith.constant 16 : i32
        %add3A_563 = vector.broadcast %add3A_562 : i32 to vector<16xi32>
        %add3A_564 = arith.addi %add3A_546, %add3A_563 : vector<16xi32>
        %gather3A_565 = tpu.vector_load_idx %arg13[%add3A_564, %and3A_4] : memref<3840x8xf32, #tpu.memory_space<vmem>>[vector<16xi32>, vector<16xi32>], vector<16xf32>,
        %gather3A_566 = tpu.vector_load_idx %arg11[%broadcast_in_dim3A_5, %add3A_530] : memref<4x480xf32, #tpu.memory_space<vmem>>[vector<16xi32>, vector<16xi32>], vector<16xf32>,
        %gather3A_567 = tpu.vector_load_idx %arg11[%broadcast_in_dim3A_7, %add3A_530] : memref<4x480xf32, #tpu.memory_space<vmem>>[vector<16xi32>, vector<16xi32>], vector<16xf32>,
        %gather3A_568 = tpu.vector_load_idx %arg11[%broadcast_in_dim3A_9, %add3A_530] : memref<4x480xf32, #tpu.memory_space<vmem>>[vector<16xi32>, vector<16xi32>], vector<16xf32>,
        %gather3A_569 = tpu.vector_load_idx %arg11[%broadcast_in_dim3A_11, %add3A_530] : memref<4x480xf32, #tpu.memory_space<vmem>>[vector<16xi32>, vector<16xi32>], vector<16xf32>,
        %gather3A_570 = tpu.vector_load_idx %arg12[%add3A_530] : memref<480xf32, #tpu.memory_space<vmem>>[vector<16xi32>], vector<16xf32>,
        %mul3A_571 = arith.mulf %gather3A_566, %gather3A : vector<16xf32>
        %mul3A_572 = arith.mulf %gather3A_567, %gather3A_547 : vector<16xf32>
        %add3A_573 = arith.addf %mul3A_571, %mul3A_572 : vector<16xf32>
        %mul3A_574 = arith.mulf %gather3A_568, %gather3A_548 : vector<16xf32>
        %mul3A_575 = arith.mulf %gather3A_569, %gather3A_549 : vector<16xf32>
        %add3A_576 = arith.addf %mul3A_574, %mul3A_575 : vector<16xf32>
        %add3A_577 = arith.addf %add3A_573, %add3A_576 : vector<16xf32>
        %mul3A_578 = arith.mulf %gather3A_566, %gather3A_553 : vector<16xf32>
        %mul3A_579 = arith.mulf %gather3A_567, %gather3A_557 : vector<16xf32>
        %add3A_580 = arith.addf %mul3A_578, %mul3A_579 : vector<16xf32>
        %mul3A_581 = arith.mulf %gather3A_568, %gather3A_561 : vector<16xf32>
        %mul3A_582 = arith.mulf %gather3A_569, %gather3A_565 : vector<16xf32>
        %add3A_583 = arith.addf %mul3A_581, %mul3A_582 : vector<16xf32>
        %add3A_584 = arith.addf %add3A_580, %add3A_583 : vector<16xf32>
        %sub3A = arith.subf %add3A_584, %add3A_577 : vector<16xf32>
        %mul3A_585 = arith.mulf %gather3A_570, %sub3A : vector<16xf32>
        %add3A_586 = arith.addf %add3A_577, %mul3A_585 : vector<16xf32>
        %swap3A = arith.index_cast %scan3A_518 : i32 to index
        %swap3A_587 = arith.constant 0 : index
        %swap3A_588 = tpu.vector_load %arg14[%swap3A, %swap3A_587] {strides = array<i32>} : memref<240x16xf32, #tpu.memory_space<vmem>>, vector<16xf32>,
        tpu.vector_store %arg14[%swap3A, %swap3A_587], %add3A_586 {strides = array<i32>} : memref<240x16xf32, #tpu.memory_space<vmem>>, vector<16xf32>,
      }
      %scan3A_512 = arith.constant 240 : i32
      %mul3A_513 = arith.constant 2400 : i32
      %mul3A_514 = arith.muli %add3A, %mul3A_513 : i32
      %mul3A_515 = arith.constant 240 : i32
      %mul3A_516 = arith.muli %scan3A_17, %mul3A_515 : i32
      %add3A_517 = arith.addi %mul3A_514, %mul3A_516 : i32
      "tpu.region"() ({
        %run_scoped3A = tpu.sem_alloc : memref<!tpu.dma_semaphore, #tpu.memory_space<semaphore_mem>>
        %dma_start3A_518 = arith.constant 0 : i32
        %dma_start3A_519 = tpu.memref_slice %arg6[%add3A_517, %dma_start3A_518] : memref<76800x16xf32, #tpu.memory_space<hbm>> -> memref<240x16xf32, #tpu.memory_space<hbm>>
        %dma_start3A_520 = arith.constant 0 : i32
        %dma_start3A_521 = tpu.memref_slice %arg6[%add3A_517, %dma_start3A_520] : memref<76800x16xf32, #tpu.memory_space<hbm>> -> memref<240x16xf32, #tpu.memory_space<hbm>>
        tpu.enqueue_dma source(%arg14 : memref<240x16xf32, #tpu.memory_space<vmem>>) target(%dma_start3A_521 : memref<240x16xf32, #tpu.memory_space<hbm>>) target_semaphore(%run_scoped3A : memref<!tpu.dma_semaphore, #tpu.memory_space<semaphore_mem>>)
        %dma_wait3A_522 = arith.constant 0 : i32
        %dma_wait3A_523 = tpu.memref_slice %arg6[%add3A_517, %dma_wait3A_522] : memref<76800x16xf32, #tpu.memory_space<hbm>> -> memref<240x16xf32, #tpu.memory_space<hbm>>
        %dma_wait3A_524 = arith.constant 0 : i32
        %dma_wait3A_525 = tpu.memref_slice %arg6[%add3A_517, %dma_wait3A_524] : memref<76800x16xf32, #tpu.memory_space<hbm>> -> memref<240x16xf32, #tpu.memory_space<hbm>>
        tpu.wait_dma2 semaphore(%run_scoped3A : memref<!tpu.dma_semaphore, #tpu.memory_space<semaphore_mem>>) src(%arg14 : memref<240x16xf32, #tpu.memory_space<vmem>>) dst(%dma_wait3A_525 : memref<240x16xf32, #tpu.memory_space<hbm>>)
        tpu.yield
      }) : () -> ()
    }
    %scan3A_16 = arith.constant 10 : i32
    return
  }
}

</mosaic_0001>

<sc_bundles>
// kernel: kernel.4.cloned.1.call-start
scs
__scs_entry_jumppad:
0x0: {  	(pc) =	sbr.rel $0x88, $3  }
0x1: {  	(tag) =	ssettag $0x0;
	lr =	simm.s32 $0x1  }
0x2: {  	[smem:$0x3F9F] =	sst lr;
	_ =	strace $0xD0000000  }
0x3: {  	_ = 	snop  }
0x4: {  	_ = 	snop  }
0x5: {  	_ = 	snop  }
0x6: {  	_ = 	snop  }
0x7: {  	_ = 	snop  }
__scs_overlays_trampoline_lowered:
0x8: {  	[smem:$0x3FAE] =	sst s0  }
0x9: {  	[smem:$0x3FAF] =	sst s1  }
0xa: {  	[smem:$0x3FB0] =	sst s2  }
0xb: {  	[smem:$0x3FB1] =	sst s3  }
0xc: {  	[smem:$0x3FB2] =	sst s4  }
0xd: {  	[smem:$0x3FB3] =	sst s5  }
0xe: {  	[smem:$0x3FB4] =	sst s6  }
0xf: {  	[smem:$0x3FB5] =	sst s7  }
0x10: {  	[smem:$0x3FB6] =	sst s8  }
0x11: {  	[smem:$0x3FB7] =	sst s9;
	s0 =	simm.s32 @!p0 $0x0  }
0x12: {  	s1 =	sld [smem:$0x3F9D];
	s0 =	simm.s32 @p0 $0x1  }
0x13: {  	[smem:$0x3FB8] =	sst s0;
	s0 =	simm.s32 @!p1 $0x0  }
0x14: {  	s2 =	sld [smem:$0x3F9C];
	s0 =	simm.s32 @p1 $0x1  }
0x15: {  	[smem:$0x3FB9] =	sst s0;
	s0 =	simm.s32 @!p2 $0x0  }
0x16: {  	s3 =	sld [smem:$0x3FDB];
	s0 =	simm.s32 @p2 $0x1  }
0x17: {  	s4 =	simm.s32 $0x1BF5;
	[smem:$0x3FBB] =	sst s0  }
0x18: {  	s0 =	sld [smem:$0x3F9E];
	_ =	swait.ge [sflag:s4], $0x0  }
0x19: {  	s7 =	sld [smem:$0x3F9F]  }
0x1a: {  	s8 =	sadd.s32 $0xFFFFE003, lr  }
0x1b: {  	s9 =	sadd.s32 $0xFFFFFEF7, lr;
	s5 =	simm.s32 $0xFFFFFFFF;
	p2 =	slt.u32 s8, $0xFFFFF086  }
0x1c: {  	p1 =	slt.u32 s9, $0xF7A;
	s5 =	simm.s32 @!p2 $0x0  }
0x1d: {  	s5 =	simm.s32 @p1 $0x1;
	p0 =	seq.s32 s7, s2  }
0x1e: {  	s7 =	smul.u32 @!p0 $0xF7A, s2;
	p2 =	seq.s32 @!p0 s5, $0x0  }
0x1f: {  	s9 =	smul.u32 $0xF7A, s1;
	s8 =	simm.s32 @!p0 $0x1BF5;
	p2 =	por !p2, p0  }
0x20: {  	[sflag:s8] =	ssyncset.s32 @!p0 $0xFFFFF086;
	s6 =	sadd.s32 @!p0 s3, s7;
	s7 =	simm.s32 @!p0 $0x108  }
0x21: {  	s3 =	sadd.s32 s3, s9;
	s6 =	sadd.s32 @!p0 $0x88, s6;
	s7 =	simm.s32 @p2 $0x1082  }
0x22: {  	[simem:s7], [sflag:s8] =	dma.local @!p0 [hbm:s6], $0xF7A  }
0x23: {  	s9 =	sor.u32 $0xD0000000, s2;
	s6 =	simm.s32 $0x108;
	_ =	swait.ge @!p0 [sflag:s8], $0x0  }
0x24: {  	s3 =	sadd.s32 $0x88, s3;
	s6 =	simm.s32 @!p1 $0x1082;
	[sflag:s4] =	ssyncset.s32 $0xFFFFF086  }
0x25: {  	[simem:s6], [sflag:s4] =	dma.local [hbm:s3], $0xF7A  }
0x26: {  	[smem:$0x3F9F] =	sst s1;
	(tag) =	ssettag s2;
	_ =	strace s9  }
0x27: {  	s1 =	sld [smem:$0x3FAF]  }
0x28: {  	s2 =	sld [smem:$0x3FB0]  }
0x29: {  	s4 =	sld [smem:$0x3FB2]  }
0x2a: {  	p0 =	seq.s32 s5, $0x0;
	s5 =	sld [smem:$0x3FB3]  }
0x2b: {  	s6 =	sld [smem:$0x3FB4]  }
0x2c: {  	s7 =	sld [smem:$0x3FB5]  }
0x2d: {  	s3 =	simm.s32 $0x108;
	s8 =	sld [smem:$0x3FB6]  }
0x2e: {  	s3 =	simm.s32 @!p0 $0x1082;
	s9 =	sld [smem:$0x3FB7]  }
0x2f: {  	lr =	sadd.s32 s0, s3;
	s0 =	sld [smem:$0x3FAE]  }
0x30: {  	s3 =	sld [smem:$0x3FB1]  }
0x31: {  	[smem:$0x3FBA] =	sst s10  }
0x32: {  	s10 =	sld [smem:$0x3FB8];
	_ =	sdelay $0x3  }
0x33: {  	p0 =	seq.s32 s10, $0x1;
	s10 =	sld [smem:$0x3FBA];
	_ =	sdelay $0x3  }
0x34: {  	[smem:$0x3FBA] =	sst s10  }
0x35: {  	s10 =	sld [smem:$0x3FB9];
	_ =	sdelay $0x3  }
0x36: {  	p1 =	seq.s32 s10, $0x1;
	s10 =	sld [smem:$0x3FBA];
	_ =	sdelay $0x3  }
0x37: {  	[smem:$0x3FBA] =	sst s10  }
0x38: {  	s10 =	sld [smem:$0x3FBB]  }
0x39: {  	_ = 	snop;
	(pc) =	sbr.ind lr, $3  }
0x3a: {  	_ = 	snop  }
0x3b: {  	_ = 	snop  }
0x3c: {  	p2 =	seq.s32 s10, $0x1;
	s10 =	sld [smem:$0x3FBA]  }
0x3d: {  	_ =	shalt  }
0x3e: {  	_ =	shalt  }
0x3f: {  	_ =	shalt  }
0x40: {  	_ =	shalt  }
0x41: {  	_ =	shalt  }
0x42: {  	_ =	shalt  }
0x43: {  	_ =	shalt  }
0x44: {  	_ =	shalt  }
0x45: {  	_ =	shalt  }
0x46: {  	_ =	shalt  }
0x47: {  	_ =	shalt  }
0x48: {  	_ =	shalt  }
0x49: {  	_ =	shalt  }
0x4a: {  	_ =	shalt  }
0x4b: {  	_ =	shalt  }
0x4c: {  	_ =	shalt  }
0x4d: {  	_ =	shalt  }
0x4e: {  	_ =	shalt  }
0x4f: {  	_ =	shalt  }
0x50: {  	_ =	shalt  }
0x51: {  	_ =	shalt  }
0x52: {  	_ =	shalt  }
0x53: {  	_ =	shalt  }
0x54: {  	_ =	shalt  }
0x55: {  	_ =	shalt  }
0x56: {  	_ =	shalt  }
0x57: {  	_ =	shalt  }
0x58: {  	_ =	shalt  }
0x59: {  	_ =	shalt  }
0x5a: {  	_ =	shalt  }
0x5b: {  	_ =	shalt  }
0x5c: {  	_ =	shalt  }
0x5d: {  	_ =	shalt  }
0x5e: {  	_ =	shalt  }
0x5f: {  	_ =	shalt  }
0x60: {  	_ =	shalt  }
0x61: {  	_ =	shalt  }
0x62: {  	_ =	shalt  }
0x63: {  	_ =	shalt  }
0x64: {  	_ =	shalt  }
0x65: {  	_ =	shalt  }
0x66: {  	_ =	shalt  }
0x67: {  	_ =	shalt  }
0x68: {  	_ =	shalt  }
0x69: {  	_ =	shalt  }
0x6a: {  	_ =	shalt  }
0x6b: {  	_ =	shalt  }
0x6c: {  	_ =	shalt  }
0x6d: {  	_ =	shalt  }
0x6e: {  	_ =	shalt  }
0x6f: {  	_ =	shalt  }
0x70: {  	_ =	shalt  }
0x71: {  	_ =	shalt  }
0x72: {  	_ =	shalt  }
0x73: {  	_ =	shalt  }
0x74: {  	_ =	shalt  }
0x75: {  	_ =	shalt  }
0x76: {  	_ =	shalt  }
0x77: {  	_ =	shalt  }
0x78: {  	_ =	shalt  }
0x79: {  	_ =	shalt  }
0x7a: {  	_ =	shalt  }
0x7b: {  	_ =	shalt  }
0x7c: {  	_ =	shalt  }
0x7d: {  	_ =	shalt  }
0x7e: {  	_ =	shalt  }
0x7f: {  	_ =	shalt  }
0x80: {  	_ =	shalt  }
0x81: {  	_ =	shalt  }
0x82: {  	_ =	shalt  }
0x83: {  	_ =	shalt  }
0x84: {  	_ =	shalt  }
0x85: {  	_ =	shalt  }
0x86: {  	_ =	shalt  }
0x87: {  	_ =	shalt  }
.Lfunc_end0:
.L_simem_size_0:
called_computation_lowered:
.L_overlay_start_0:
0x88: {  	s2 =	sld [smem:$0x3FD9]  }
0x89: {  	s3 =	sld [smem:$0x3FFE];
	_ =	sdelay $0x1  }
0x8a: {  	s1 =	srdreg.scid  }
0x8b: {  	s0 =	sand.u32 $0x1, s1  }
0x8c: {  	s17 =	sshll.u32 s0, $0xA;
	s2 =	sadd.s32 s3, s2  }
0x8d: {  	s2 =	sadd.s32 s2, s17  }
0x8e: {  	[smem:$0x3FC6] =	sst s2  }
0x8f: {  	_ = 	snop  }
0x90: {  	s2 =	sld [smem:$0x3FC8];
	(tm) =	ssettm $0x1  }
0x91: {  	s18 =	sld [smem:$0x3FFB];
	_ =	sdelay $0x3  }
0x92: {  	_ =	strace s18  }
0x93: {  	s3 =	sld [smem:$0x3FFC];
	_ =	sdelay $0x3  }
0x94: {  	_ =	strace s3  }
0x95: {  	s3 =	sld [smem:$0x3FFD];
	_ =	sdelay $0x3  }
0x96: {  	_ =	strace s3  }
0x97: {  	_ =	strace $0x8FFFFFFF  }
0x98: {  	s19 =	sld [smem:$0x3FDB];
	_ =	sdelay $0x1  }
0x99: {  	s4 =	simm.s32 $_scs_section_size  }
0x9a: {  	s5 =	simm.s32 $_size__tile_overlayer_lowered;
	s6 =	simm.s32 $_tile_overlayer_lowered  }
0x9b: {  	s22 =	simm.s32 $0x1BFF;
	s21 =	sshll.u32 s6, $0x1;
	s3 =	sadd.s32 s4, s19  }
0x9c: {  	s7 =	simm.s32 $0x0;
	s20 =	sshll.u32 s5, $0x1;
	s5 =	sadd.s32 s21, s3  }
0x9d: {  	[timem:s7], [sflag:s22] =	dma.local [hbm:s5], s20  }
0x9e: {  	_ =	swait.ge [sflag:s22], s20  }
0x9f: {  	s4 =	ssub.s32 $0x0, s20;
	[sflag:s22] =	ssyncset.done $0x0  }
0xa0: {  	[sflag:s22] =	ssyncadd.s32 s4;
	_ =	sdelay $0x1  }
0xa1: {  	s23 =	simm.s32 $0x1B8B  }
0xa2: {  	_ =	swait.ge [sflag:s23], $0x1  }
0xa3: {  	[sflag:s23] =	ssyncset.done $0x0  }
0xa4: {  	s25 =	simm.s32 $0x1B8E;
	s24 =	sld [smem:$0x3FFE];
	[sflag:s23] =	ssyncadd.s32 $0xFFFFFFFF  }
0xa5: {  	s26 =	simm.s32 $execute0_lowered;
	[smem:$0x3FD2] =	sst s25  }
0xa6: {  	s5 =	sshll.u32 s26, $0x1;
	_ =	strace $0x80000046;
	[dreg:$0x1] =	wrdreg $0xFFFFFFFF  }
0xa7: {  	s28 =	simm.s32 $_size_execute0_lowered;
	s3 =	sadd.s32 s3, s5;
	[dreg:$0x0] =	wrdreg $0x0  }
0xa8: {  	s5 =	sshll.u32 s28, $0x1;
	[dreg:$0x2] =	wrdreg s3  }
0xa9: {  	[dreg:$0x3] =	wrdreg s5  }
0xaa: {  	[dreg:$0x4] =	wrdreg $0xC0  }
0xab: {  	_ =	task [dreg:s7], $0x5FFFF  }
0xac: {  	[dreg:$0x1] =	wrdreg $0xFFFFFFFF  }
0xad: {  	[dreg:$0x0] =	wrdreg $0x60  }
0xae: {  	[dreg:$0x2] =	wrdreg s2  }
0xaf: {  	[dreg:$0x3] =	wrdreg s24  }
0xb0: {  	[dreg:$0x4] =	wrdreg $0x9  }
0xb1: {  	_ =	task.clear_ibuf [dreg:s7], $0x5FFFF;
	_ =	strace $0x90000046  }
0xb2: {  	s29 =	simm.s32 $0x9;
	_ =	strace $0x80000048  }
0xb3: {  	_ =	swait.ge [sflag:s29], $0x1  }
0xb4: {  	[sflag:s29] =	ssyncadd.s32 $0xFFFFFFFF  }
0xb5: {  	_ =	strace $0x90000048  }
0xb6: {  	_ =	sfence  }
0xb7: {  	s30 =	sld [smem:$0x0];
	_ =	sdelay $0x2  }
0xb8: {  	s31 =	sshll.u32 s1, $0xD;
	s1 =	sshrl.u32 s1, $0x2  }
0xb9: {  	s3 =	sand.u32 $0x4000, s31;
	s1 =	sadd.s32 s1, s30  }
0xba: {  	s0 =	sor.u32 s3, s0;
	s1 =	sshll.u32 s1, $0x11  }
0xbb: {  	s0 =	sor.u32 s1, s0  }
0xbc: {  	s0 =	sadd.s32 $0x8F2B, s0  }
0xbd: {  	[sflag:s0] =	ssyncadd.remote.s32 $0x1  }
0xbe: {  	_ =	sfence.sel $0xFFFF  }
0xbf: {  	[dreg:$0x0] =	wrdreg $0xFFFFFFFF;
	(pc) =	sbr.abs _section_cstart, $3  }
0xc0: {  	[dreg:$0x1] =	wrdreg $0xFFFFFFFF  }
0xc1: {  	_ =	task.clear_ibuf [dreg:s7], $0x2FFFF;
	_ =	strace $0x9FFFFFFF  }
0xc2: {  	(tm) =	ssettm $0x7FFFFFFF  }
0xc3: {  	_ =	shalt  }
tec
execute0_lowered:
.L_overlay_start_1:
0x0: {  	(tag) =	ssettag $0x1  }
0x1: {  	s1 =	srdreg.scid;
	s0 =	stileid.u32  }
0x2: {  	s5 =	sand.u32 $0x1, s1;
	s29 =	sshll.u32 s0, $0x1  }
0x3: {  	s1 =	sor.u32 s5, s29  }
0x4: {  	s2 =	smul.u32 $0x3800E, s1  }
0x5: {  	s3 =	rddreg [dreg:$0x0]  }
0x6: {  	s6 =	rddreg [dreg:$0x1];
	s1 =	smul.u32 $0x23, s1;
	s2 =	sshrl.u32 s2, $0x10  }
0x7: {  	s15 =	simm.s32 $0x1000;
	s16 =	simm.s32 $0x2000;
	s4 =	smul.u32 $0xA, s2  }
0x8: {  	s17 =	simm.s32 $0x3000;
	s18 =	simm.s32 $0x4000;
	s19 =	simm.s32 $0x5000  }
0x9: {  	s20 =	simm.s32 $0x6000;
	s21 =	simm.s32 $0x7000;
	s4 =	ssub.s32 s1, s4  }
0xa: {  	s22 =	simm.s32 $0x1;
	s8 =	smul.u32 $0xA000, s2;
	s7 =	sshll.u32 s4, $0xC  }
0xb: {  	s23 =	simm.s32 $0x2;
	s24 =	simm.s32 $0x0;
	s7 =	sand.u32 $0xF000, s7  }
0xc: {  	v1 =	vlaneseq.u32;
	s9 =	ssub.s32 $0x2, s5;
	s5 =	sadd.s32 $0xC00, s6;
	s30 =	sadd.s32 s7, s8  }
0xd: {  	v0 =	vand.u32 $0x7, v1;
	s31 =	sshrl.u32 s9, $0x1;
	s4 =	simm.s32 $0x0;
	s8 =	sshrl.u32 s30, $0x3  }
0xe: {  	v1 =	vshrl.u32 v1, $0x3;
	v0 =	vmul.u32 $0x1000, v0;
	s14 =	ssub.s32 s9, s31;
	[smem:$0x7FF] =	sst s4;
	s6 =	sadd.s32 s3, s8  }
0xf: {  	v1 =	vmul.u32 $0x80, v1;
	s14 =	smax.u32 s14, $0x1;
	_ =	strace $0x80000047;
	s7 =	sadd.s32 $0x8C000, s6  }
0x10: {  	v2 =	vor.u32 $0x800, v0;
	s8 =	sadd.s32 $0x118000, s6;
	s9 =	sadd.s32 $0x1A4000, s6;
	s10 =	sadd.s32 $0x230000, s6  }
0x11: {  	v3 =	vor.u32 $0x100, v1;
	v4 =	vor.u32 $0x200, v1;
	v5 =	vor.u32 $0x300, v1;
	s11 =	sadd.s32 $0x2BC000, s6;
	s12 =	sadd.s32 $0x348000, s6;
	s13 =	sadd.s32 $0x3D4000, s6  }
.LBB2_1:
0x12: {  	[tilespmem:s4], [sflag:$0x1] =	stream.linear.gather [hbm4b:s6+s4], $0x1000, $0x38;
	[tilespmem:$0x1E000] =	vst v63  }
0x13: {  	_ = 	snop  }
0x14: {  	[tilespmem:s15], [sflag:$0x1] =	stream.linear.gather [hbm4b:s7+s4], $0x1000, $0x38;
	[tilespmem:$0x1E000] =	vst v63  }
0x15: {  	_ = 	snop  }
0x16: {  	[tilespmem:s16], [sflag:$0x1] =	stream.linear.gather [hbm4b:s8+s4], $0x1000, $0x38;
	[tilespmem:$0x1E000] =	vst v63  }
0x17: {  	_ = 	snop  }
0x18: {  	[tilespmem:s17], [sflag:$0x1] =	stream.linear.gather [hbm4b:s9+s4], $0x1000, $0x38;
	[tilespmem:$0x1E000] =	vst v63  }
0x19: {  	_ = 	snop  }
0x1a: {  	[tilespmem:s18], [sflag:$0x1] =	stream.linear.gather [hbm4b:s10+s4], $0x1000, $0x38;
	[tilespmem:$0x1E000] =	vst v63  }
0x1b: {  	_ = 	snop  }
0x1c: {  	[tilespmem:s19], [sflag:$0x1] =	stream.linear.gather [hbm4b:s11+s4], $0x1000, $0x38;
	[tilespmem:$0x1E000] =	vst v63  }
0x1d: {  	_ = 	snop  }
0x1e: {  	[tilespmem:s20], [sflag:$0x1] =	stream.linear.gather [hbm4b:s12+s4], $0x1000, $0x38;
	[tilespmem:$0x1E000] =	vst v63  }
0x1f: {  	p0 =	por $0x0, $0x0;
	s28 =	simm.s32 $0x0  }
0x20: {  	[tilespmem:s21], [sflag:$0x1] =	stream.linear.gather [hbm4b:s13+s4], $0x1000, $0x38;
	[tilespmem:$0x1E000] =	vst v63  }
.LBB2_2:
0x21: {  	_ =	swait.ge [sflag:s22], $0x1000  }
0x22: {  	[sflag:s22] =	ssyncset.done $0x0  }
0x23: {  	[sflag:s22] =	ssyncadd.s32 $0xFFFFF000  }
0x24: {  	_ =	swait.ge [sflag:s22], $0x1000  }
0x25: {  	[sflag:s22] =	ssyncset.done $0x0  }
0x26: {  	[sflag:s22] =	ssyncadd.s32 $0xFFFFF000  }
0x27: {  	_ =	swait.ge [sflag:s22], $0x1000  }
0x28: {  	[sflag:s22] =	ssyncset.done $0x0  }
0x29: {  	[sflag:s22] =	ssyncadd.s32 $0xFFFFF000  }
0x2a: {  	_ =	swait.ge [sflag:s22], $0x1000  }
0x2b: {  	[sflag:s22] =	ssyncset.done $0x0  }
0x2c: {  	[sflag:s22] =	ssyncadd.s32 $0xFFFFF000  }
0x2d: {  	_ =	swait.ge [sflag:s22], $0x1000  }
0x2e: {  	[sflag:s22] =	ssyncset.done $0x0  }
0x2f: {  	[sflag:s22] =	ssyncadd.s32 $0xFFFFF000  }
0x30: {  	_ =	swait.ge [sflag:s22], $0x1000  }
0x31: {  	[sflag:s22] =	ssyncset.done $0x0  }
0x32: {  	[sflag:s22] =	ssyncadd.s32 $0xFFFFF000  }
0x33: {  	_ =	swait.ge [sflag:s22], $0x1000  }
0x34: {  	s26 =	sadd.s32 s1, s28;
	p1 =	seq.s32 s28, $0x22;
	[sflag:s22] =	ssyncset.done $0x0  }
0x35: {  	s25 =	sadd.s32 $0x1, s28;
	s29 =	sshll.u32 @!p1 s26, $0xC;
	[sflag:s22] =	ssyncadd.s32 $0xFFFFF000  }
0x36: {  	s31 =	sshll.u32 @!p1 s25, $0xF;
	s30 =	sadd.s32 @!p1 $0x1000, s29;
	_ =	swait.ge [sflag:s22], $0x1000  }
0x37: {  	s2 =	simm.s32 @!p1 $0x0;
	s30 =	sshrl.u32 @!p1 s30, $0x3;
	[sflag:s22] =	ssyncset.done $0x0  }
0x38: {  	s31 =	sand.u32 @!p1 $0x8000, s31;
	s30 =	sadd.s32 @!p1 s3, s30;
	[sflag:s22] =	ssyncadd.s32 $0xFFFFF000  }
0x39: {  	[tilespmem:s31], [sflag:$0x1] =	stream.linear.gather @!p1 [hbm4b:s30+s2], $0x1000, $0x38;
	[tilespmem:$0x1E000] =	vst v63  }
0x3a: {  	s30 =	sadd.s32 @!p1 $0x461000, s29  }
0x3b: {  	s30 =	sshrl.u32 @!p1 s30, $0x3  }
0x3c: {  	s0 =	sor.u32 @!p1 $0x1000, s31;
	s30 =	sadd.s32 @!p1 s3, s30  }
0x3d: {  	[tilespmem:s0], [sflag:$0x1] =	stream.linear.gather @!p1 [hbm4b:s30+s2], $0x1000, $0x38;
	[tilespmem:$0x1E000] =	vst v63  }
0x3e: {  	s0 =	sadd.s32 @!p1 $0x8C1000, s29  }
0x3f: {  	s0 =	sshrl.u32 @!p1 s0, $0x3  }
0x40: {  	s30 =	sor.u32 @!p1 $0x2000, s31;
	s0 =	sadd.s32 @!p1 s3, s0  }
0x41: {  	[tilespmem:s30], [sflag:$0x1] =	stream.linear.gather @!p1 [hbm4b:s0+s2], $0x1000, $0x38;
	[tilespmem:$0x1E000] =	vst v63  }
0x42: {  	s0 =	sadd.s32 @!p1 $0xD21000, s29  }
0x43: {  	s0 =	sshrl.u32 @!p1 s0, $0x3  }
0x44: {  	s30 =	sor.u32 @!p1 $0x3000, s31;
	s0 =	sadd.s32 @!p1 s3, s0  }
0x45: {  	[tilespmem:s30], [sflag:$0x1] =	stream.linear.gather @!p1 [hbm4b:s0+s2], $0x1000, $0x38;
	[tilespmem:$0x1E000] =	vst v63  }
0x46: {  	s0 =	sadd.s32 @!p1 $0x1181000, s29  }
0x47: {  	s0 =	sshrl.u32 @!p1 s0, $0x3  }
0x48: {  	s30 =	sor.u32 @!p1 $0x4000, s31;
	s0 =	sadd.s32 @!p1 s3, s0  }
0x49: {  	[tilespmem:s30], [sflag:$0x1] =	stream.linear.gather @!p1 [hbm4b:s0+s2], $0x1000, $0x38;
	[tilespmem:$0x1E000] =	vst v63  }
0x4a: {  	s0 =	sadd.s32 @!p1 $0x15E1000, s29  }
0x4b: {  	s0 =	sshrl.u32 @!p1 s0, $0x3  }
0x4c: {  	s30 =	sor.u32 @!p1 $0x5000, s31;
	s0 =	sadd.s32 @!p1 s3, s0  }
0x4d: {  	[tilespmem:s30], [sflag:$0x1] =	stream.linear.gather @!p1 [hbm4b:s0+s2], $0x1000, $0x38;
	[tilespmem:$0x1E000] =	vst v63  }
0x4e: {  	s0 =	sadd.s32 @!p1 $0x1A41000, s29  }
0x4f: {  	s0 =	sshrl.u32 @!p1 s0, $0x3  }
0x50: {  	s30 =	sor.u32 @!p1 $0x6000, s31;
	s0 =	sadd.s32 @!p1 s3, s0  }
0x51: {  	[tilespmem:s30], [sflag:$0x1] =	stream.linear.gather @!p1 [hbm4b:s0+s2], $0x1000, $0x38;
	[tilespmem:$0x1E000] =	vst v63  }
0x52: {  	s0 =	sadd.s32 @!p1 $0x1EA1000, s29  }
0x53: {  	s0 =	sshrl.u32 @!p1 s0, $0x3  }
0x54: {  	s29 =	sor.u32 @!p1 $0x7000, s31;
	s31 =	simm.s32 $0x0;
	s0 =	sadd.s32 @!p1 s3, s0  }
0x55: {  	[tilespmem:s29], [sflag:$0x1] =	stream.linear.gather @!p1 [hbm4b:s0+s2], $0x1000, $0x38;
	[tilespmem:$0x1E000] =	vst v63  }
0x56: {  	v8 =	vmov s31;
	s2 =	sand.u32 $0x1, s28  }
0x57: {  	v6 =	vshll.u32 v8, $0x3;
	s31 =	sshll.u32 s2, $0xF  }
0x58: {  	v9 =	vand.u32 $0x400, v6;
	v7 =	vor.u32 s31, v0  }
0x59: {  	v8 =	vand.u32 $0x7F, v8;
	v6 =	vor.u32 s31, v2;
	v10 =	vor.u32 v7, v9  }
0x5a: {  	v9 =	vor.u32 v6, v9;
	v10 =	vor.u32 v10, v8  }
0x5b: {  	p2 =	slt.u32 @!p1 s28, $0x2;
	v13 =	vor.u32 v9, v8;
	v11 =	vor.u32 v1, v10  }
0x5c: {  	p1 =	por p1, !p2;
	v9 =	vor.u32 v5, v13  }
0x5d: {  	_ =	swait.ge @p1 [sflag:s23], $0x7000;
	v16 =	vor.u32 v5, v10  }
0x5e: {  	[sflag:s23] =	ssyncset.done @p1 $0x0;
	v12 =	vor.u32 v3, v10  }
0x5f: {  	[sflag:s23] =	ssyncadd.s32 @p1 $0xFFFF9000;
	v15 =	vor.u32 v4, v10  }
0x60: {  	v18 =	vor.u32 v3, v13;
	v8 =	vld.idx.msk [tilespmem:v11+s4+$0x0], $0xffff  }
0x61: {  	s0 =	simm.s32 $0x1;
	v11 =	vor.u32 v1, v13;
	v14 =	vld.idx.msk [tilespmem:v9+s4+$0x0], $0xffff  }
0x62: {  	s0 =	simm.s32 @!p0 $0x0;
	s2 =	smul.u32 $0x1C000, s2;
	v9 =	vld.idx.msk [tilespmem:v16+s4+$0x0], $0xffff;
	v16 =	vor.u32 v4, v13  }
0x63: {  	s0 =	smul.u32 $0x1C000, s0;
	v12 =	vld.idx.msk [tilespmem:v12+s4+$0x0], $0xffff  }
0x64: {  	s28 =	simm.s32 $0x1;
	v10 =	vld.idx.msk [tilespmem:v15+s4+$0x0], $0xffff  }
0x65: {  	s2 =	sshrl.u32 s2, $0x2;
	s0 =	sshrl.u32 s0, $0x2;
	v15 =	vmov s28;
	v13 =	vld.idx.msk [tilespmem:v18+s4+$0x0], $0xffff  }
0x66: {  	s30 =	simm.s32 $0x2;
	s29 =	sor.u32 $0x10040, s0;
	s28 =	sor.u32 $0x10000, s2;
	v17 =	vshll.u32 v15, $0x3;
	v11 =	vld.idx.msk [tilespmem:v11+s4+$0x0], $0xffff  }
.LBB2_3:
0x67: {  	p1 =	sne.s32 s30, $0xDF;
	v17 =	vand.u32 $0x400, v17;
	v16 =	vld.idx.msk [tilespmem:v16+s4+$0x0], $0xffff;
	[tilespmem:s29+$0x30] =	vst v14  }
0x68: {  	v14 =	vand.u32 $0x7F, v15;
	v15 =	vor.u32 v7, v17;
	[tilespmem:s29+$0xFFFFFFC0] =	vst v8  }
0x69: {  	v8 =	vor.u32 v15, v14;
	v15 =	vor.u32 v6, v17;
	[tilespmem:s29+$0xFFFFFFD0] =	vst v12  }
0x6a: {  	v12 =	vor.u32 v1, v8;
	v15 =	vor.u32 v15, v14;
	[tilespmem:s29+$0xFFFFFFE0] =	vst v10  }
0x6b: {  	v10 =	vor.u32 v5, v15;
	[tilespmem:s29+$0xFFFFFFF0] =	vst v9  }
0x6c: {  	v9 =	vor.u32 v3, v8;
	[tilespmem:s29+$0x0] =	vst v11  }
0x6d: {  	v11 =	vor.u32 v4, v8;
	[tilespmem:s29+$0x10] =	vst v13  }
0x6e: {  	v13 =	vor.u32 v5, v8;
	[tilespmem:s29+$0x20] =	vst v16  }
0x6f: {  	v17 =	vor.u32 v1, v15;
	v8 =	vld.idx.msk [tilespmem:v12+s4+$0x0], $0xffff  }
0x70: {  	v18 =	vor.u32 v3, v15;
	v14 =	vld.idx.msk [tilespmem:v10+s4+$0x0], $0xffff  }
.Ltmp0:
0x71: {  	v16 =	vor.u32 v4, v15;
	v12 =	vld.idx.msk [tilespmem:v9+s4+$0x0], $0xffff;
	(pc) =	sbr.rel @p1 .LBB2_3-.Ltmp0, $4  }
0x72: {  	v10 =	vld.idx.msk [tilespmem:v11+s4+$0x0], $0xffff  }
0x73: {  	v9 =	vld.idx.msk [tilespmem:v13+s4+$0x0], $0xffff  }
0x74: {  	v15 =	vmov s30;
	v11 =	vld.idx.msk [tilespmem:v17+s4+$0x0], $0xffff  }
0x75: {  	s30 =	sadd.s32 $0x1, s30;
	s29 =	sadd.s32 $0x80, s29;
	v17 =	vshll.u32 v15, $0x3;
	v13 =	vld.idx.msk [tilespmem:v18+s4+$0x0], $0xffff  }
0x76: {  	_ =	sdelay $0x3  }
0x77: {  	v16 =	vld.idx.msk [tilespmem:v16+s4+$0x0], $0xffff;
	v17 =	vand.u32 $0x400, v17;
	[tilespmem:s29+$0x30] =	vst v14  }
0x78: {  	v57 =	vand.u32 $0x7F, v15;
	[tilespmem:s29+$0xFFFFFFC0] =	vst v8;
	v7 =	vor.u32 v7, v17  }
0x79: {  	[tilespmem:s29+$0xFFFFFFD0] =	vst v12;
	v6 =	vor.u32 v6, v17;
	v7 =	vor.u32 v7, v57  }
0x7a: {  	[tilespmem:s29+$0xFFFFFFE0] =	vst v10;
	v6 =	vor.u32 v6, v57;
	v58 =	vor.u32 v1, v7  }
0x7b: {  	[tilespmem:s29+$0xFFFFFFF0] =	vst v9;
	v59 =	vor.u32 v5, v6  }
0x7c: {  	v60 =	vor.u32 v3, v7;
	[tilespmem:s29+$0x0] =	vst v11  }
0x7d: {  	v61 =	vor.u32 v4, v7;
	[tilespmem:s29+$0x10] =	vst v13  }
0x7e: {  	v7 =	vor.u32 v5, v7;
	[tilespmem:s29+$0x20] =	vst v16  }
0x7f: {  	v62 =	vor.u32 v1, v6;
	v8 =	vld.idx.msk [tilespmem:v58+s4+$0x0], $0xffff  }
0x80: {  	v63 =	vor.u32 v3, v6;
	v10 =	vld.idx.msk [tilespmem:v59+s4+$0x0], $0xffff  }
0x81: {  	v6 =	vor.u32 v4, v6;
	v9 =	vld.idx.msk [tilespmem:v60+s4+$0x0], $0xffff  }
0x82: {  	v11 =	vld.idx.msk [tilespmem:v61+s4+$0x0], $0xffff  }
0x83: {  	v7 =	vld.idx.msk [tilespmem:v7+s4+$0x0], $0xffff  }
0x84: {  	v12 =	vld.idx.msk [tilespmem:v62+s4+$0x0], $0xffff  }
0x85: {  	s0 =	sadd.s32 $0x80, s29;
	v13 =	vld.idx.msk [tilespmem:v63+s4+$0x0], $0xffff  }
0x86: {  	v6 =	vld.idx.msk [tilespmem:v6+s4+$0x0], $0xffff;
	[tilespmem:s0+$0x30] =	vst v10  }
0x87: {  	[tilespmem:s0+$0xFFFFFFC0] =	vst v8  }
0x88: {  	[tilespmem:s0+$0xFFFFFFD0] =	vst v9  }
0x89: {  	[tilespmem:s0+$0xFFFFFFE0] =	vst v11  }
0x8a: {  	s2 =	smul.u32 $0x7000, s26;
	p1 =	sne.s32 s25, $0x23;
	[tilespmem:s0+$0xFFFFFFF0] =	vst v7  }
.Ltmp1:
0x8b: {  	[tilespmem:s0+$0x0] =	vst v12;
	(pc) =	sbr.rel @p1 .LBB2_2-.Ltmp1, $4  }
0x8c: {  	s2 =	sshrl.u32 s2, $0x3;
	[tilespmem:s0+$0x10] =	vst v13  }
0x8d: {  	s31 =	sadd.s32 s5, s2;
	[tilespmem:s0+$0x20] =	vst v6  }
0x8e: {  	[hbm4b:s31+s4] =	stream.linear.scatter [tilespmem:s28], [sflag:$0x2], $0x7000, $0x38;
	[tilespmem:$0x1E000] =	vst v63  }
0x8f: {  	p0 =	por !p0, !p0;
	s28 =	smov.u32 s25  }
0x90: {  	s24 =	sadd.s32 $0x1, s24  }
0x91: {  	_ =	swait.ge [sflag:s23], $0x7000;
	p0 =	sne.s32 s24, s14  }
.Ltmp2:
0x92: {  	[sflag:s23] =	ssyncset.done $0x0;
	(pc) =	sbr.rel @p0 .LBB2_1-.Ltmp2, $4  }
0x93: {  	[sflag:s23] =	ssyncadd.s32 $0xFFFF9000  }
0x94: {  	_ =	swait.ge [sflag:s23], $0x7000  }
0x95: {  	[sflag:s23] =	ssyncset.done $0x0  }
0x96: {  	[sflag:s23] =	ssyncadd.s32 $0xFFFF9000  }
0x97: {  	_ =	sfence.sel $0x180000  }
0x98: {  	[bflag:$0x0] =	sbarrier.arrive $0xFFFF  }
0x99: {  	_ =	strace $0x90000047  }
0x9a: {  	s0 =	stileid.u32;
	[bflag:$0x2] =	sbarrier.arrive $0xFFFF  }
0x9b: {  	p0 =	sne.s32 s0, $0x0;
	s0 =	rddreg [dreg:$0x2]  }
0x9c: {  	s0 =	sadd.s32 @!p0 $0x100000, s0  }
0x9d: {  	[sflag:s0] =	ssyncadd.tile.s32 @!p0 $0x1;
	_ =	shalt  }
.Lfunc_end2:
_tile_overlayer_lowered:
.L_overlay_start_2:
0x9e: {  	(tag) =	ssettag $0x2  }
0x9f: {  	s0 =	rddreg [dreg:$0x0];
	s2 =	stileid.u32  }
0xa0: {  	s1 =	rddreg [dreg:$0x1];
	p0 =	sne.s32 s2, $0x0  }
0xa1: {  	s3 =	rddreg [dreg:$0x2];
	[bflag:$0x3] =	sbarrier.arrive $0xFFFF;
	s2 =	simm.s32 @!p0 $0x1C03  }
0xa2: {  	[timem:s3], [sflag:s2] =	dma.local @!p0 [hbm:s0], s1  }
0xa3: {  	s0 =	simm.s32 @!p0 $0x3  }
0xa4: {  	_ =	swait.ge @!p0 [sflag:s0], s1  }
0xa5: {  	s1 =	ssub.s32 @!p0 $0x0, s1;
	[sflag:s0] =	ssyncset.done @!p0 $0x0  }
0xa6: {  	[sflag:s0] =	ssyncadd.s32 @!p0 s1  }
0xa7: {  	[bflag:$0x3] =	sbarrier.arrive $0xFFFF  }
0xa8: {  	_ =	shalt  }

// kernel: kernel.7.cloned.1.call-start
scs
__scs_entry_jumppad:
0x0: {  	(pc) =	sbr.rel $0x88, $3  }
0x1: {  	(tag) =	ssettag $0x0;
	lr =	simm.s32 $0x1  }
0x2: {  	[smem:$0x3F9F] =	sst lr;
	_ =	strace $0xD0000000  }
0x3: {  	_ = 	snop  }
0x4: {  	_ = 	snop  }
0x5: {  	_ = 	snop  }
0x6: {  	_ = 	snop  }
0x7: {  	_ = 	snop  }
__scs_overlays_trampoline_lowered:
0x8: {  	[smem:$0x3FAE] =	sst s0  }
0x9: {  	[smem:$0x3FAF] =	sst s1  }
0xa: {  	[smem:$0x3FB0] =	sst s2  }
0xb: {  	[smem:$0x3FB1] =	sst s3  }
0xc: {  	[smem:$0x3FB2] =	sst s4  }
0xd: {  	[smem:$0x3FB3] =	sst s5  }
0xe: {  	[smem:$0x3FB4] =	sst s6  }
0xf: {  	[smem:$0x3FB5] =	sst s7  }
0x10: {  	[smem:$0x3FB6] =	sst s8  }
0x11: {  	[smem:$0x3FB7] =	sst s9;
	s0 =	simm.s32 @!p0 $0x0  }
0x12: {  	s1 =	sld [smem:$0x3F9D];
	s0 =	simm.s32 @p0 $0x1  }
0x13: {  	[smem:$0x3FB8] =	sst s0;
	s0 =	simm.s32 @!p1 $0x0  }
0x14: {  	s2 =	sld [smem:$0x3F9C];
	s0 =	simm.s32 @p1 $0x1  }
0x15: {  	[smem:$0x3FB9] =	sst s0;
	s0 =	simm.s32 @!p2 $0x0  }
0x16: {  	s3 =	sld [smem:$0x3FDB];
	s0 =	simm.s32 @p2 $0x1  }
0x17: {  	s4 =	simm.s32 $0x1BF5;
	[smem:$0x3FBB] =	sst s0  }
0x18: {  	s0 =	sld [smem:$0x3F9E];
	_ =	swait.ge [sflag:s4], $0x0  }
0x19: {  	s7 =	sld [smem:$0x3F9F]  }
0x1a: {  	s8 =	sadd.s32 $0xFFFFE003, lr  }
0x1b: {  	s9 =	sadd.s32 $0xFFFFFEF7, lr;
	s5 =	simm.s32 $0xFFFFFFFF;
	p2 =	slt.u32 s8, $0xFFFFF086  }
0x1c: {  	p1 =	slt.u32 s9, $0xF7A;
	s5 =	simm.s32 @!p2 $0x0  }
0x1d: {  	s5 =	simm.s32 @p1 $0x1;
	p0 =	seq.s32 s7, s2  }
0x1e: {  	s7 =	smul.u32 @!p0 $0xF7A, s2;
	p2 =	seq.s32 @!p0 s5, $0x0  }
0x1f: {  	s9 =	smul.u32 $0xF7A, s1;
	s8 =	simm.s32 @!p0 $0x1BF5;
	p2 =	por !p2, p0  }
0x20: {  	[sflag:s8] =	ssyncset.s32 @!p0 $0xFFFFF086;
	s6 =	sadd.s32 @!p0 s3, s7;
	s7 =	simm.s32 @!p0 $0x108  }
0x21: {  	s3 =	sadd.s32 s3, s9;
	s6 =	sadd.s32 @!p0 $0x88, s6;
	s7 =	simm.s32 @p2 $0x1082  }
0x22: {  	[simem:s7], [sflag:s8] =	dma.local @!p0 [hbm:s6], $0xF7A  }
0x23: {  	s9 =	sor.u32 $0xD0000000, s2;
	s6 =	simm.s32 $0x108;
	_ =	swait.ge @!p0 [sflag:s8], $0x0  }
0x24: {  	s3 =	sadd.s32 $0x88, s3;
	s6 =	simm.s32 @!p1 $0x1082;
	[sflag:s4] =	ssyncset.s32 $0xFFFFF086  }
0x25: {  	[simem:s6], [sflag:s4] =	dma.local [hbm:s3], $0xF7A  }
0x26: {  	[smem:$0x3F9F] =	sst s1;
	(tag) =	ssettag s2;
	_ =	strace s9  }
0x27: {  	s1 =	sld [smem:$0x3FAF]  }
0x28: {  	s2 =	sld [smem:$0x3FB0]  }
0x29: {  	s4 =	sld [smem:$0x3FB2]  }
0x2a: {  	p0 =	seq.s32 s5, $0x0;
	s5 =	sld [smem:$0x3FB3]  }
0x2b: {  	s6 =	sld [smem:$0x3FB4]  }
0x2c: {  	s7 =	sld [smem:$0x3FB5]  }
0x2d: {  	s3 =	simm.s32 $0x108;
	s8 =	sld [smem:$0x3FB6]  }
0x2e: {  	s3 =	simm.s32 @!p0 $0x1082;
	s9 =	sld [smem:$0x3FB7]  }
0x2f: {  	lr =	sadd.s32 s0, s3;
	s0 =	sld [smem:$0x3FAE]  }
0x30: {  	s3 =	sld [smem:$0x3FB1]  }
0x31: {  	[smem:$0x3FBA] =	sst s10  }
0x32: {  	s10 =	sld [smem:$0x3FB8];
	_ =	sdelay $0x3  }
0x33: {  	p0 =	seq.s32 s10, $0x1;
	s10 =	sld [smem:$0x3FBA];
	_ =	sdelay $0x3  }
0x34: {  	[smem:$0x3FBA] =	sst s10  }
0x35: {  	s10 =	sld [smem:$0x3FB9];
	_ =	sdelay $0x3  }
0x36: {  	p1 =	seq.s32 s10, $0x1;
	s10 =	sld [smem:$0x3FBA];
	_ =	sdelay $0x3  }
0x37: {  	[smem:$0x3FBA] =	sst s10  }
0x38: {  	s10 =	sld [smem:$0x3FBB]  }
0x39: {  	_ = 	snop;
	(pc) =	sbr.ind lr, $3  }
0x3a: {  	_ = 	snop  }
0x3b: {  	_ = 	snop  }
0x3c: {  	p2 =	seq.s32 s10, $0x1;
	s10 =	sld [smem:$0x3FBA]  }
0x3d: {  	_ =	shalt  }
0x3e: {  	_ =	shalt  }
0x3f: {  	_ =	shalt  }
0x40: {  	_ =	shalt  }
0x41: {  	_ =	shalt  }
0x42: {  	_ =	shalt  }
0x43: {  	_ =	shalt  }
0x44: {  	_ =	shalt  }
0x45: {  	_ =	shalt  }
0x46: {  	_ =	shalt  }
0x47: {  	_ =	shalt  }
0x48: {  	_ =	shalt  }
0x49: {  	_ =	shalt  }
0x4a: {  	_ =	shalt  }
0x4b: {  	_ =	shalt  }
0x4c: {  	_ =	shalt  }
0x4d: {  	_ =	shalt  }
0x4e: {  	_ =	shalt  }
0x4f: {  	_ =	shalt  }
0x50: {  	_ =	shalt  }
0x51: {  	_ =	shalt  }
0x52: {  	_ =	shalt  }
0x53: {  	_ =	shalt  }
0x54: {  	_ =	shalt  }
0x55: {  	_ =	shalt  }
0x56: {  	_ =	shalt  }
0x57: {  	_ =	shalt  }
0x58: {  	_ =	shalt  }
0x59: {  	_ =	shalt  }
0x5a: {  	_ =	shalt  }
0x5b: {  	_ =	shalt  }
0x5c: {  	_ =	shalt  }
0x5d: {  	_ =	shalt  }
0x5e: {  	_ =	shalt  }
0x5f: {  	_ =	shalt  }
0x60: {  	_ =	shalt  }
0x61: {  	_ =	shalt  }
0x62: {  	_ =	shalt  }
0x63: {  	_ =	shalt  }
0x64: {  	_ =	shalt  }
0x65: {  	_ =	shalt  }
0x66: {  	_ =	shalt  }
0x67: {  	_ =	shalt  }
0x68: {  	_ =	shalt  }
0x69: {  	_ =	shalt  }
0x6a: {  	_ =	shalt  }
0x6b: {  	_ =	shalt  }
0x6c: {  	_ =	shalt  }
0x6d: {  	_ =	shalt  }
0x6e: {  	_ =	shalt  }
0x6f: {  	_ =	shalt  }
0x70: {  	_ =	shalt  }
0x71: {  	_ =	shalt  }
0x72: {  	_ =	shalt  }
0x73: {  	_ =	shalt  }
0x74: {  	_ =	shalt  }
0x75: {  	_ =	shalt  }
0x76: {  	_ =	shalt  }
0x77: {  	_ =	shalt  }
0x78: {  	_ =	shalt  }
0x79: {  	_ =	shalt  }
0x7a: {  	_ =	shalt  }
0x7b: {  	_ =	shalt  }
0x7c: {  	_ =	shalt  }
0x7d: {  	_ =	shalt  }
0x7e: {  	_ =	shalt  }
0x7f: {  	_ =	shalt  }
0x80: {  	_ =	shalt  }
0x81: {  	_ =	shalt  }
0x82: {  	_ =	shalt  }
0x83: {  	_ =	shalt  }
0x84: {  	_ =	shalt  }
0x85: {  	_ =	shalt  }
0x86: {  	_ =	shalt  }
0x87: {  	_ =	shalt  }
.Lfunc_end0:
.L_simem_size_0:
called_computation.1_lowered:
.L_overlay_start_0:
0x88: {  	s2 =	sld [smem:$0x3FD9]  }
0x89: {  	s3 =	sld [smem:$0x3FFE];
	_ =	sdelay $0x1  }
0x8a: {  	s1 =	srdreg.scid  }
0x8b: {  	s0 =	sand.u32 $0x1, s1  }
0x8c: {  	s17 =	sshll.u32 s0, $0xA;
	s2 =	sadd.s32 s3, s2  }
0x8d: {  	s2 =	sadd.s32 s2, s17  }
0x8e: {  	[smem:$0x3FC6] =	sst s2  }
0x8f: {  	_ = 	snop  }
0x90: {  	s2 =	sld [smem:$0x3FD0];
	(tm) =	ssettm $0x1  }
0x91: {  	s18 =	sld [smem:$0x3FFB];
	_ =	sdelay $0x3  }
0x92: {  	_ =	strace s18  }
0x93: {  	s3 =	sld [smem:$0x3FFC];
	_ =	sdelay $0x3  }
0x94: {  	_ =	strace s3  }
0x95: {  	s3 =	sld [smem:$0x3FFD];
	_ =	sdelay $0x3  }
0x96: {  	_ =	strace s3  }
0x97: {  	_ =	strace $0x8FFFFFFF  }
0x98: {  	s19 =	sld [smem:$0x3FDB];
	_ =	sdelay $0x1  }
0x99: {  	s4 =	simm.s32 $_scs_section_size  }
0x9a: {  	s5 =	simm.s32 $_size__tile_overlayer_lowered;
	s6 =	simm.s32 $_tile_overlayer_lowered  }
0x9b: {  	s22 =	simm.s32 $0x1BFF;
	s21 =	sshll.u32 s6, $0x1;
	s3 =	sadd.s32 s4, s19  }
0x9c: {  	s7 =	simm.s32 $0x0;
	s20 =	sshll.u32 s5, $0x1;
	s5 =	sadd.s32 s21, s3  }
0x9d: {  	[timem:s7], [sflag:s22] =	dma.local [hbm:s5], s20  }
0x9e: {  	_ =	swait.ge [sflag:s22], s20  }
0x9f: {  	s4 =	ssub.s32 $0x0, s20;
	[sflag:s22] =	ssyncset.done $0x0  }
0xa0: {  	[sflag:s22] =	ssyncadd.s32 s4;
	_ =	sdelay $0x1  }
0xa1: {  	s23 =	simm.s32 $0x1B8B  }
0xa2: {  	_ =	swait.ge [sflag:s23], $0x1  }
0xa3: {  	[sflag:s23] =	ssyncset.done $0x0  }
0xa4: {  	s25 =	simm.s32 $0x1B8E;
	s24 =	sld [smem:$0x3FFE];
	[sflag:s23] =	ssyncadd.s32 $0xFFFFFFFF  }
0xa5: {  	s26 =	simm.s32 $execute0_lowered;
	[smem:$0x3FD2] =	sst s25  }
0xa6: {  	s5 =	sshll.u32 s26, $0x1;
	_ =	strace $0x80000049;
	[dreg:$0x1] =	wrdreg $0xFFFFFFFF  }
0xa7: {  	s28 =	simm.s32 $_size_execute0_lowered;
	s3 =	sadd.s32 s3, s5;
	[dreg:$0x0] =	wrdreg $0x0  }
0xa8: {  	s5 =	sshll.u32 s28, $0x1;
	[dreg:$0x2] =	wrdreg s3  }
0xa9: {  	[dreg:$0x3] =	wrdreg s5  }
0xaa: {  	[dreg:$0x4] =	wrdreg $0xC0  }
0xab: {  	_ =	task [dreg:s7], $0x5FFFF  }
0xac: {  	[dreg:$0x1] =	wrdreg $0xFFFFFFFF  }
0xad: {  	[dreg:$0x0] =	wrdreg $0x60  }
0xae: {  	[dreg:$0x2] =	wrdreg s24  }
0xaf: {  	[dreg:$0x3] =	wrdreg s2  }
0xb0: {  	[dreg:$0x4] =	wrdreg $0x9  }
0xb1: {  	_ =	task.clear_ibuf [dreg:s7], $0x5FFFF;
	_ =	strace $0x90000049  }
0xb2: {  	s29 =	simm.s32 $0x9;
	_ =	strace $0x8000004B  }
0xb3: {  	_ =	swait.ge [sflag:s29], $0x1  }
0xb4: {  	[sflag:s29] =	ssyncadd.s32 $0xFFFFFFFF  }
0xb5: {  	_ =	strace $0x9000004B  }
0xb6: {  	_ =	sfence  }
0xb7: {  	s30 =	sld [smem:$0x0];
	_ =	sdelay $0x2  }
0xb8: {  	s31 =	sshll.u32 s1, $0xD;
	s1 =	sshrl.u32 s1, $0x2  }
0xb9: {  	s3 =	sand.u32 $0x4000, s31;
	s1 =	sadd.s32 s1, s30  }
0xba: {  	s0 =	sor.u32 s3, s0;
	s1 =	sshll.u32 s1, $0x11  }
0xbb: {  	s0 =	sor.u32 s1, s0  }
0xbc: {  	s0 =	sadd.s32 $0x8F2B, s0  }
0xbd: {  	[sflag:s0] =	ssyncadd.remote.s32 $0x1  }
0xbe: {  	_ =	sfence.sel $0xFFFF  }
0xbf: {  	[dreg:$0x0] =	wrdreg $0xFFFFFFFF;
	(pc) =	sbr.abs _section_cstart, $3  }
0xc0: {  	[dreg:$0x1] =	wrdreg $0xFFFFFFFF  }
0xc1: {  	_ =	task.clear_ibuf [dreg:s7], $0x2FFFF;
	_ =	strace $0x9FFFFFFF  }
0xc2: {  	(tm) =	ssettm $0x7FFFFFFF  }
0xc3: {  	_ =	shalt  }
tec
execute0_lowered:
.L_overlay_start_1:
0x0: {  	(tag) =	ssettag $0x1  }
0x1: {  	s0 =	rddreg [dreg:$0x0]  }
0x2: {  	s1 =	simm.s32 $0x0;
	s25 =	srdreg.scid;
	s3 =	stileid.u32  }
0x3: {  	s11 =	simm.s32 $0x2;
	s14 =	simm.s32 $0x80;
	s16 =	simm.s32 $0x1E00  }
0x4: {  	s19 =	simm.s32 $0x11A0;
	s20 =	simm.s32 $0x7E00;
	s21 =	simm.s32 $0x1220  }
0x5: {  	s22 =	simm.s32 $0x8200;
	s23 =	simm.s32 $0x12A0;
	s24 =	simm.s32 $0x8600  }
0x6: {  	s28 =	simm.s32 $0x13A0;
	s29 =	simm.s32 $0x8E00;
	s30 =	simm.s32 $0x1420  }
0x7: {  	s31 =	simm.s32 $0x9200;
	s10 =	simm.s32 $0x1C20;
	s12 =	simm.s32 $0x0  }
0x8: {  	[smem:$0x7FF] =	sst s1;
	s1 =	sand.u32 $0x1, s25;
	s4 =	sadd.s32 $0xC00, s0  }
0x9: {  	s3 =	sshll.u32 s3, $0x1;
	s5 =	sadd.s32 $0x3D9800, s0;
	s6 =	sadd.s32 $0x3D4C00, s0  }
0xa: {  	v3 =	vlaneseq.u32;
	s8 =	sadd.s32 $0x3DE400, s0;
	s25 =	simm.s32 $0x1320;
	s2 =	ssub.s32 $0x2, s1  }
0xb: {  	v0 =	vshrl.u32 v3, $0x3;
	s0 =	simm.s32 $0x1;
	s1 =	sor.u32 s1, s3;
	s7 =	sshrl.u32 s2, $0x1  }
0xc: {  	_ =	strace $0x8000004A;
	v1 =	vmul.u32 $0x8, v0;
	s9 =	smul.u32 $0x960, s1;
	s2 =	ssub.s32 s2, s7  }
0xd: {  	s7 =	smul.u32 $0x12C0, s1;
	s1 =	simm.s32 $0x9600;
	s26 =	smax.u32 s2, $0x1  }
0xe: {  	v3 =	vand.u32 $0x7, v3;
	v2 =	vor.u32 $0x80, v1;
	s2 =	simm.s32 $0x14A0;
	[dreg:$0x3] =	wrdreg s26;
	s26 =	simm.s32 $0x8A00  }
.LBB2_1:
0xf: {  	[dreg:$0x4] =	wrdreg s12;
	s3 =	simm.s32 $0x0  }
.LBB2_2:
0x10: {  	s12 =	smul.u32 $0x1E0, s3;
	_ =	sdelay $0x1  }
0x11: {  	s12 =	sadd.s32 s7, s12  }
0x12: {  	s12 =	sshrl.u32 s12, $0x3  }
0x13: {  	s15 =	simm.s32 $0x0;
	s13 =	sadd.s32 s5, s12  }
0x14: {  	[tilespmem:s15], [sflag:$0x2] =	stream.linear.gather [hbm4b:s13+s15], $0x1E0, $0x38;
	[tilespmem:$0xA500] =	vst v63  }
0x15: {  	_ =	swait.ge [sflag:s11], $0x1E0  }
0x16: {  	[sflag:s11] =	ssyncset.done $0x0  }
0x17: {  	s17 =	simm.s32 $0x1E0;
	s18 =	sadd.s32 s6, s12;
	[sflag:s11] =	ssyncadd.s32 $0xFFFFFE20  }
0x18: {  	[tilespmem:s17], [sflag:$0x2] =	stream.linear.gather [hbm4b:s18+s15], $0x1E0, $0x38;
	[tilespmem:$0xA500] =	vst v63  }
0x19: {  	_ =	swait.ge [sflag:s11], $0x1E0  }
0x1a: {  	[sflag:s11] =	ssyncset.done $0x0  }
0x1b: {  	[sflag:s11] =	ssyncadd.s32 $0xFFFFFE20  }
0x1c: {  	s17 =	rddreg [dreg:$0x1]  }
0x1d: {  	s18 =	simm.s32 $0x3C0;
	s12 =	sadd.s32 s17, s12  }
0x1e: {  	[tilespmem:s18], [sflag:$0x2] =	stream.linear.gather [hbm4b:s12+s15], $0x1E0, $0x38;
	[tilespmem:$0xA500] =	vst v63  }
0x1f: {  	_ =	swait.ge [sflag:s11], $0x1E0  }
0x20: {  	[sflag:s11] =	ssyncset.done $0x0  }
0x21: {  	s12 =	simm.s32 $0x0;
	[sflag:s11] =	ssyncadd.s32 $0xFFFFFE20  }
0x22: {  	v4 =	vld [tilespmem:s12+$0x3C0]  }
0x23: {  	v5 =	vld [tilespmem:s12+$0x0]  }
0x24: {  	v6 =	vld [tilespmem:s12+$0x1E0];
	_ =	sdelay $0x2  }
0x25: {  	v4 =	vmax.f32 v4, $9.999999740e-06  }
0x26: {  	v5 =	vmax.f32 v5, $9.999999740e-06;
	v4 =	vmin.f32 v4, $1.589999850e+02  }
0x27: {  	v7 =	vmin.f32 v5, $1.109999920e+02;
	v5 =	vmax.f32 v6, $9.999999740e-06;
	v6 =	vtrunc.f32 v4  }
0x28: {  	v8 =	vmin.f32 v5, $2.229999850e+02;
	v9 =	vtrunc.f32 v7;
	v5 =	vcvt.f32.s32 v6  }
0x29: {  	v6 =	vcvt.f32.s32 v9;
	v9 =	vtrunc.f32 v8  }
0x2a: {  	v9 =	vcvt.f32.s32 v9;
	v10 =	vshrl.u32 v5, $0x4;
	v11 =	vadd.s32 $0x1, v5  }
0x2b: {  	v12 =	vcvt.s32.f32 v6;
	v13 =	vmul.u32 $0x8C00, v6;
	v14 =	vand.u32 $0xF, v5  }
0x2c: {  	v15 =	vcvt.s32.f32 v9;
	v9 =	vshll.u32 v9, $0x4;
	v10 =	vmul.u32 $0xE00, v10  }
0x2d: {  	v6 =	vsub.f32 v7, v12;
	v7 =	vadd.s32 v13, v9;
	v9 =	vshrl.u32 v11, $0x4  }
0x2e: {  	v11 =	vand.u32 $0xF, v11;
	v8 =	vsub.f32 v8, v15;
	v12 =	vor.u32 v14, v7  }
0x2f: {  	s13 =	simm.s32 $0x5E0;
	v7 =	vor.u32 v7, v11;
	v12 =	vadd.s32 v10, v12;
	v10 =	vmul.u32 $0xE00, v9  }
0x30: {  	v11 =	vsub.f32 $1.000000000e+00, v6;
	[tilespmem:s13+$0xFFFFFFC0] =	vst v12;
	v13 =	vadd.s32 $0x10, v12;
	v9 =	vsub.f32 $1.000000000e+00, v8  }
0x31: {  	s17 =	simm.s32 $0x5E0;
	s15 =	simm.s32 $0x40;
	v10 =	vadd.s32 v10, v7;
	[tilespmem:s13+$0xFFFFFFE0] =	vst v13;
	v13 =	vadd.s32 $0x8C00, v12;
	v7 =	vmul.f32 v8, v6  }
.LBB2_3:
0x32: {  	p0 =	sne.s32 s15, $0x740  }
0x33: {  	[tilespmem:s13+$0xFFFFFFD0] =	vst v10;
	v12 =	vadd.s32 $0x8C10, v12;
	v14 =	vmul.f32 v9, v11;
	v8 =	vmul.f32 v8, v11;
	s17 =	sadd.s32 $0x80, s17;
	s18 =	smov.u32 s15;
	s15 =	sadd.s32 $0x40, s15  }
0x34: {  	v5 =	vcvt.s32.f32 v5;
	v6 =	vmul.f32 v9, v6;
	[tilespmem:s13+$0x0] =	vst v13  }
0x35: {  	v9 =	vadd.s32 $0x10, v10;
	v11 =	vadd.s32 $0x8C00, v10;
	v10 =	vadd.s32 $0x8C10, v10;
	[tilespmem:s13+$0x20] =	vst v12  }
0x36: {  	v4 =	vsub.f32 v4, v5;
	[tilespmem:s13+$0x10] =	vst v11  }
0x37: {  	[tilespmem:s13+$0xFFFFFFF0] =	vst v9  }
0x38: {  	s18 =	sshra.s32 s18, $0x2;
	[tilespmem:s13+$0x30] =	vst v10;
	s13 =	smov.u32 s17  }
0x39: {  	v5 =	vld [tilespmem:s18+$0x3C0];
	[tilespmem:s12+$0x1680] =	vst v8  }
0x3a: {  	v8 =	vld [tilespmem:s18+$0x0];
	[tilespmem:s12+$0x1C20] =	vst v4  }
0x3b: {  	v9 =	vld [tilespmem:s18+$0x1E0];
	[tilespmem:s12+$0x14A0] =	vst v14  }
0x3c: {  	[tilespmem:s12+$0x1A40] =	vst v7  }
0x3d: {  	[tilespmem:s12+$0x1860] =	vst v6;
	s12 =	smov.u32 s18  }
0x3e: {  	v4 =	vmax.f32 v5, $9.999999740e-06  }
0x3f: {  	v5 =	vmax.f32 v8, $9.999999740e-06;
	v4 =	vmin.f32 v4, $1.589999850e+02  }
0x40: {  	v6 =	vmin.f32 v5, $1.109999920e+02;
	v5 =	vmax.f32 v9, $9.999999740e-06;
	v7 =	vtrunc.f32 v4  }
0x41: {  	v8 =	vmin.f32 v5, $2.229999850e+02;
	v9 =	vtrunc.f32 v6;
	v5 =	vcvt.f32.s32 v7  }
0x42: {  	v7 =	vcvt.f32.s32 v9;
	v9 =	vtrunc.f32 v8  }
0x43: {  	v9 =	vcvt.f32.s32 v9;
	v10 =	vshrl.u32 v5, $0x4;
	v11 =	vadd.s32 $0x1, v5  }
0x44: {  	v13 =	vand.u32 $0xF, v5;
	v12 =	vcvt.s32.f32 v7;
	v7 =	vmul.u32 $0x8C00, v7  }
0x45: {  	v10 =	vmul.u32 $0xE00, v10;
	v14 =	vcvt.s32.f32 v9;
	v9 =	vshll.u32 v9, $0x4  }
.Ltmp0:
0x46: {  	v6 =	vsub.f32 v6, v12;
	v7 =	vadd.s32 v7, v9;
	v9 =	vshrl.u32 v11, $0x4;
	(pc) =	sbr.rel @p0 .LBB2_3-.Ltmp0, $4  }
0x47: {  	v11 =	vand.u32 $0xF, v11;
	v8 =	vsub.f32 v8, v14;
	v12 =	vor.u32 v13, v7  }
0x48: {  	v7 =	vor.u32 v7, v11;
	v12 =	vadd.s32 v10, v12;
	v10 =	vmul.u32 $0xE00, v9  }
0x49: {  	v11 =	vsub.f32 $1.000000000e+00, v6;
	[tilespmem:s17+$0xFFFFFFC0] =	vst v12;
	v13 =	vadd.s32 $0x10, v12;
	v9 =	vsub.f32 $1.000000000e+00, v8  }
0x4a: {  	v10 =	vadd.s32 v10, v7;
	[tilespmem:s17+$0xFFFFFFE0] =	vst v13;
	v13 =	vadd.s32 $0x8C00, v12;
	v7 =	vmul.f32 v8, v6  }
0x4b: {  	[tilespmem:s13+$0xFFFFFFD0] =	vst v10  }
0x4c: {  	v12 =	vadd.s32 $0x8C10, v12;
	[tilespmem:s13+$0x0] =	vst v13  }
0x4d: {  	v58 =	vadd.s32 $0x8C00, v10;
	[tilespmem:s13+$0x20] =	vst v12  }
0x4e: {  	v59 =	vadd.s32 $0x10, v10;
	[tilespmem:s13+$0x10] =	vst v58  }
0x4f: {  	v5 =	vcvt.s32.f32 v5;
	v8 =	vmul.f32 v8, v11;
	v10 =	vadd.s32 $0x8C10, v10;
	[tilespmem:s13+$0xFFFFFFF0] =	vst v59  }
0x50: {  	[tilespmem:s13+$0x30] =	vst v10  }
0x51: {  	v4 =	vsub.f32 v4, v5;
	[tilespmem:s12+$0x1680] =	vst v8  }
0x52: {  	v5 =	vmul.f32 v9, v11;
	[tilespmem:s12+$0x1A40] =	vst v7  }
0x53: {  	[tilespmem:s12+$0x1C20] =	vst v4;
	v4 =	vmul.f32 v9, v6  }
0x54: {  	[tilespmem:s12+$0x14A0] =	vst v5  }
0x55: {  	s18 =	simm.s32 $0x5A0;
	[tilespmem:s12+$0x1860] =	vst v4  }
0x56: {  	[tilespmem:s16], [sflag:$0x1] =	stream.indirect.gather [hbm4b:s4+s14], $0x8, s18, s14, $0xb8;
	[tilespmem:$0xA500] =	vst v63  }
0x57: {  	s15 =	simm.s32 $0x2200;
	s13 =	simm.s32 $0x620  }
0x58: {  	[tilespmem:s15], [sflag:$0x1] =	stream.indirect.gather [hbm4b:s4+s14], $0x8, s13, s14, $0xb8;
	[tilespmem:$0xA500] =	vst v63  }
0x59: {  	s17 =	simm.s32 $0x6A0;
	s18 =	simm.s32 $0x2600  }
0x5a: {  	[tilespmem:s18], [sflag:$0x1] =	stream.indirect.gather [hbm4b:s4+s14], $0x8, s17, s14, $0xb8;
	[tilespmem:$0xA500] =	vst v63  }
0x5b: {  	s13 =	simm.s32 $0x720;
	s15 =	simm.s32 $0x2A00  }
0x5c: {  	[tilespmem:s15], [sflag:$0x1] =	stream.indirect.gather [hbm4b:s4+s14], $0x8, s13, s14, $0xb8;
	[tilespmem:$0xA500] =	vst v63  }
0x5d: {  	s17 =	simm.s32 $0x7A0;
	s18 =	simm.s32 $0x2E00  }
0x5e: {  	[tilespmem:s18], [sflag:$0x1] =	stream.indirect.gather [hbm4b:s4+s14], $0x8, s17, s14, $0xb8;
	[tilespmem:$0xA500] =	vst v63  }
0x5f: {  	s13 =	simm.s32 $0x820;
	s15 =	simm.s32 $0x3200  }
0x60: {  	[tilespmem:s15], [sflag:$0x1] =	stream.indirect.gather [hbm4b:s4+s14], $0x8, s13, s14, $0xb8;
	[tilespmem:$0xA500] =	vst v63  }
0x61: {  	s17 =	simm.s32 $0x8A0;
	s18 =	simm.s32 $0x3600  }
0x62: {  	[tilespmem:s18], [sflag:$0x1] =	stream.indirect.gather [hbm4b:s4+s14], $0x8, s17, s14, $0xb8;
	[tilespmem:$0xA500] =	vst v63  }
0x63: {  	s13 =	simm.s32 $0x920;
	s15 =	simm.s32 $0x3A00  }
0x64: {  	[tilespmem:s15], [sflag:$0x1] =	stream.indirect.gather [hbm4b:s4+s14], $0x8, s13, s14, $0xb8;
	[tilespmem:$0xA500] =	vst v63  }
0x65: {  	s17 =	simm.s32 $0x9A0;
	s18 =	simm.s32 $0x3E00  }
0x66: {  	[tilespmem:s18], [sflag:$0x1] =	stream.indirect.gather [hbm4b:s4+s14], $0x8, s17, s14, $0xb8;
	[tilespmem:$0xA500] =	vst v63  }
0x67: {  	s13 =	simm.s32 $0xA20;
	s15 =	simm.s32 $0x4200  }
0x68: {  	[tilespmem:s15], [sflag:$0x1] =	stream.indirect.gather [hbm4b:s4+s14], $0x8, s13, s14, $0xb8;
	[tilespmem:$0xA500] =	vst v63  }
0x69: {  	s17 =	simm.s32 $0xAA0;
	s18 =	simm.s32 $0x4600  }
0x6a: {  	[tilespmem:s18], [sflag:$0x1] =	stream.indirect.gather [hbm4b:s4+s14], $0x8, s17, s14, $0xb8;
	[tilespmem:$0xA500] =	vst v63  }
0x6b: {  	s13 =	simm.s32 $0xB20;
	s15 =	simm.s32 $0x4A00  }
0x6c: {  	[tilespmem:s15], [sflag:$0x1] =	stream.indirect.gather [hbm4b:s4+s14], $0x8, s13, s14, $0xb8;
	[tilespmem:$0xA500] =	vst v63  }
0x6d: {  	s17 =	simm.s32 $0xBA0;
	s18 =	simm.s32 $0x4E00  }
0x6e: {  	[tilespmem:s18], [sflag:$0x1] =	stream.indirect.gather [hbm4b:s4+s14], $0x8, s17, s14, $0xb8;
	[tilespmem:$0xA500] =	vst v63  }
0x6f: {  	s13 =	simm.s32 $0xC20;
	s15 =	simm.s32 $0x5200  }
0x70: {  	[tilespmem:s15], [sflag:$0x1] =	stream.indirect.gather [hbm4b:s4+s14], $0x8, s13, s14, $0xb8;
	[tilespmem:$0xA500] =	vst v63  }
0x71: {  	s17 =	simm.s32 $0xCA0;
	s18 =	simm.s32 $0x5600  }
0x72: {  	[tilespmem:s18], [sflag:$0x1] =	stream.indirect.gather [hbm4b:s4+s14], $0x8, s17, s14, $0xb8;
	[tilespmem:$0xA500] =	vst v63  }
0x73: {  	s13 =	simm.s32 $0xD20;
	s15 =	simm.s32 $0x5A00  }
0x74: {  	[tilespmem:s15], [sflag:$0x1] =	stream.indirect.gather [hbm4b:s4+s14], $0x8, s13, s14, $0xb8;
	[tilespmem:$0xA500] =	vst v63  }
0x75: {  	s17 =	simm.s32 $0xDA0;
	s18 =	simm.s32 $0x5E00  }
0x76: {  	[tilespmem:s18], [sflag:$0x1] =	stream.indirect.gather [hbm4b:s4+s14], $0x8, s17, s14, $0xb8;
	[tilespmem:$0xA500] =	vst v63  }
0x77: {  	s13 =	simm.s32 $0xE20;
	s15 =	simm.s32 $0x6200  }
0x78: {  	[tilespmem:s15], [sflag:$0x1] =	stream.indirect.gather [hbm4b:s4+s14], $0x8, s13, s14, $0xb8;
	[tilespmem:$0xA500] =	vst v63  }
0x79: {  	s17 =	simm.s32 $0xEA0;
	s18 =	simm.s32 $0x6600  }
0x7a: {  	[tilespmem:s18], [sflag:$0x1] =	stream.indirect.gather [hbm4b:s4+s14], $0x8, s17, s14, $0xb8;
	[tilespmem:$0xA500] =	vst v63  }
0x7b: {  	s13 =	simm.s32 $0xF20;
	s15 =	simm.s32 $0x6A00  }
0x7c: {  	[tilespmem:s15], [sflag:$0x1] =	stream.indirect.gather [hbm4b:s4+s14], $0x8, s13, s14, $0xb8;
	[tilespmem:$0xA500] =	vst v63  }
0x7d: {  	s17 =	simm.s32 $0xFA0;
	s18 =	simm.s32 $0x6E00  }
0x7e: {  	[tilespmem:s18], [sflag:$0x1] =	stream.indirect.gather [hbm4b:s4+s14], $0x8, s17, s14, $0xb8;
	[tilespmem:$0xA500] =	vst v63  }
0x7f: {  	s13 =	simm.s32 $0x1020;
	s15 =	simm.s32 $0x7200  }
0x80: {  	[tilespmem:s15], [sflag:$0x1] =	stream.indirect.gather [hbm4b:s4+s14], $0x8, s13, s14, $0xb8;
	[tilespmem:$0xA500] =	vst v63  }
0x81: {  	s17 =	simm.s32 $0x10A0;
	s18 =	simm.s32 $0x7600  }
0x82: {  	[tilespmem:s18], [sflag:$0x1] =	stream.indirect.gather [hbm4b:s4+s14], $0x8, s17, s14, $0xb8;
	[tilespmem:$0xA500] =	vst v63  }
0x83: {  	s15 =	simm.s32 $0x1120;
	s17 =	simm.s32 $0x7A00  }
0x84: {  	[tilespmem:s17], [sflag:$0x1] =	stream.indirect.gather [hbm4b:s4+s14], $0x8, s15, s14, $0xb8;
	[tilespmem:$0xA500] =	vst v63  }
0x85: {  	_ = 	snop  }
0x86: {  	[tilespmem:s20], [sflag:$0x1] =	stream.indirect.gather [hbm4b:s4+s14], $0x8, s19, s14, $0xb8;
	[tilespmem:$0xA500] =	vst v63  }
0x87: {  	_ = 	snop  }
0x88: {  	[tilespmem:s22], [sflag:$0x1] =	stream.indirect.gather [hbm4b:s4+s14], $0x8, s21, s14, $0xb8;
	[tilespmem:$0xA500] =	vst v63  }
0x89: {  	_ = 	snop  }
0x8a: {  	[tilespmem:s24], [sflag:$0x1] =	stream.indirect.gather [hbm4b:s4+s14], $0x8, s23, s14, $0xb8;
	[tilespmem:$0xA500] =	vst v63  }
0x8b: {  	_ = 	snop  }
0x8c: {  	[tilespmem:s26], [sflag:$0x1] =	stream.indirect.gather [hbm4b:s4+s14], $0x8, s25, s14, $0xb8;
	[tilespmem:$0xA500] =	vst v63  }
0x8d: {  	_ = 	snop  }
0x8e: {  	[tilespmem:s29], [sflag:$0x1] =	stream.indirect.gather [hbm4b:s4+s14], $0x8, s28, s14, $0xb8;
	[tilespmem:$0xA500] =	vst v63  }
0x8f: {  	_ = 	snop  }
0x90: {  	[tilespmem:s31], [sflag:$0x1] =	stream.indirect.gather [hbm4b:s4+s14], $0x8, s30, s14, $0xb8;
	[tilespmem:$0xA500] =	vst v63  }
0x91: {  	_ =	swait.ge [sflag:s0], $0x400  }
0x92: {  	[sflag:s0] =	ssyncset.done $0x0  }
0x93: {  	[sflag:s0] =	ssyncadd.s32 $0xFFFFFC00  }
0x94: {  	_ =	swait.ge [sflag:s0], $0x400  }
0x95: {  	[sflag:s0] =	ssyncset.done $0x0  }
0x96: {  	[sflag:s0] =	ssyncadd.s32 $0xFFFFFC00  }
0x97: {  	_ =	swait.ge [sflag:s0], $0x400  }
0x98: {  	[sflag:s0] =	ssyncset.done $0x0  }
0x99: {  	[sflag:s0] =	ssyncadd.s32 $0xFFFFFC00  }
0x9a: {  	_ =	swait.ge [sflag:s0], $0x400  }
0x9b: {  	[sflag:s0] =	ssyncset.done $0x0  }
0x9c: {  	[sflag:s0] =	ssyncadd.s32 $0xFFFFFC00  }
0x9d: {  	_ =	swait.ge [sflag:s0], $0x400  }
0x9e: {  	[sflag:s0] =	ssyncset.done $0x0  }
0x9f: {  	[sflag:s0] =	ssyncadd.s32 $0xFFFFFC00  }
0xa0: {  	_ =	swait.ge [sflag:s0], $0x400  }
0xa1: {  	[sflag:s0] =	ssyncset.done $0x0  }
0xa2: {  	[sflag:s0] =	ssyncadd.s32 $0xFFFFFC00  }
0xa3: {  	_ =	swait.ge [sflag:s0], $0x400  }
0xa4: {  	[sflag:s0] =	ssyncset.done $0x0  }
0xa5: {  	[sflag:s0] =	ssyncadd.s32 $0xFFFFFC00  }
0xa6: {  	_ =	swait.ge [sflag:s0], $0x400  }
0xa7: {  	[sflag:s0] =	ssyncset.done $0x0  }
0xa8: {  	[sflag:s0] =	ssyncadd.s32 $0xFFFFFC00  }
0xa9: {  	_ =	swait.ge [sflag:s0], $0x400  }
0xaa: {  	[sflag:s0] =	ssyncset.done $0x0  }
0xab: {  	[sflag:s0] =	ssyncadd.s32 $0xFFFFFC00  }
0xac: {  	_ =	swait.ge [sflag:s0], $0x400  }
0xad: {  	[sflag:s0] =	ssyncset.done $0x0  }
0xae: {  	[sflag:s0] =	ssyncadd.s32 $0xFFFFFC00  }
0xaf: {  	_ =	swait.ge [sflag:s0], $0x400  }
0xb0: {  	[sflag:s0] =	ssyncset.done $0x0  }
0xb1: {  	[sflag:s0] =	ssyncadd.s32 $0xFFFFFC00  }
0xb2: {  	_ =	swait.ge [sflag:s0], $0x400  }
0xb3: {  	[sflag:s0] =	ssyncset.done $0x0  }
0xb4: {  	[sflag:s0] =	ssyncadd.s32 $0xFFFFFC00  }
0xb5: {  	_ =	swait.ge [sflag:s0], $0x400  }
0xb6: {  	[sflag:s0] =	ssyncset.done $0x0  }
0xb7: {  	[sflag:s0] =	ssyncadd.s32 $0xFFFFFC00  }
0xb8: {  	_ =	swait.ge [sflag:s0], $0x400  }
0xb9: {  	[sflag:s0] =	ssyncset.done $0x0  }
0xba: {  	[sflag:s0] =	ssyncadd.s32 $0xFFFFFC00  }
0xbb: {  	_ =	swait.ge [sflag:s0], $0x400  }
0xbc: {  	[sflag:s0] =	ssyncset.done $0x0  }
0xbd: {  	[sflag:s0] =	ssyncadd.s32 $0xFFFFFC00  }
0xbe: {  	_ =	swait.ge [sflag:s0], $0x400  }
0xbf: {  	[sflag:s0] =	ssyncset.done $0x0  }
0xc0: {  	[sflag:s0] =	ssyncadd.s32 $0xFFFFFC00  }
0xc1: {  	_ =	swait.ge [sflag:s0], $0x400  }
0xc2: {  	[sflag:s0] =	ssyncset.done $0x0  }
0xc3: {  	[sflag:s0] =	ssyncadd.s32 $0xFFFFFC00  }
0xc4: {  	_ =	swait.ge [sflag:s0], $0x400  }
0xc5: {  	[sflag:s0] =	ssyncset.done $0x0  }
0xc6: {  	[sflag:s0] =	ssyncadd.s32 $0xFFFFFC00  }
0xc7: {  	_ =	swait.ge [sflag:s0], $0x400  }
0xc8: {  	[sflag:s0] =	ssyncset.done $0x0  }
0xc9: {  	[sflag:s0] =	ssyncadd.s32 $0xFFFFFC00  }
0xca: {  	_ =	swait.ge [sflag:s0], $0x400  }
0xcb: {  	[sflag:s0] =	ssyncset.done $0x0  }
0xcc: {  	[sflag:s0] =	ssyncadd.s32 $0xFFFFFC00  }
0xcd: {  	_ =	swait.ge [sflag:s0], $0x400  }
0xce: {  	[sflag:s0] =	ssyncset.done $0x0  }
0xcf: {  	[sflag:s0] =	ssyncadd.s32 $0xFFFFFC00  }
0xd0: {  	_ =	swait.ge [sflag:s0], $0x400  }
0xd1: {  	[sflag:s0] =	ssyncset.done $0x0  }
0xd2: {  	[sflag:s0] =	ssyncadd.s32 $0xFFFFFC00  }
0xd3: {  	_ =	swait.ge [sflag:s0], $0x400  }
0xd4: {  	[sflag:s0] =	ssyncset.done $0x0  }
0xd5: {  	[sflag:s0] =	ssyncadd.s32 $0xFFFFFC00  }
0xd6: {  	_ =	swait.ge [sflag:s0], $0x400  }
0xd7: {  	[sflag:s0] =	ssyncset.done $0x0  }
0xd8: {  	[sflag:s0] =	ssyncadd.s32 $0xFFFFFC00  }
0xd9: {  	_ =	swait.ge [sflag:s0], $0x400  }
0xda: {  	[sflag:s0] =	ssyncset.done $0x0  }
0xdb: {  	[sflag:s0] =	ssyncadd.s32 $0xFFFFFC00  }
0xdc: {  	_ =	swait.ge [sflag:s0], $0x400  }
0xdd: {  	[sflag:s0] =	ssyncset.done $0x0  }
0xde: {  	[sflag:s0] =	ssyncadd.s32 $0xFFFFFC00  }
0xdf: {  	_ =	swait.ge [sflag:s0], $0x400  }
0xe0: {  	s12 =	simm.s32 $0x0;
	[sflag:s0] =	ssyncset.done $0x0  }
0xe1: {  	s18 =	sand.u32 $0xF80, s12;
	s15 =	sand.u32 $0xE, s12;
	[sflag:s0] =	ssyncadd.s32 $0xFFFFFC00  }
0xe2: {  	s13 =	sor.u32 s15, s18;
	_ =	swait.ge [sflag:s0], $0x400  }
0xe3: {  	v4 =	vmov s13;
	s15 =	sor.u32 $0x20, s13;
	s17 =	sor.u32 $0x40, s13;
	[sflag:s0] =	ssyncset.done $0x0  }
0xe4: {  	s13 =	sor.u32 $0x60, s13;
	v5 =	vmov s15;
	v4 =	vshll.u32 v4, $0x3;
	v6 =	vmov s17;
	[sflag:s0] =	ssyncadd.s32 $0xFFFFFC00  }
0xe5: {  	v7 =	vmov s13;
	v8 =	vor.u32 v1, v4;
	v5 =	vshll.u32 v5, $0x3;
	_ =	swait.ge [sflag:s0], $0x400  }
0xe6: {  	v6 =	vshll.u32 v6, $0x3;
	v8 =	vor.u32 v3, v8;
	v9 =	vor.u32 v1, v5;
	[sflag:s0] =	ssyncset.done $0x0  }
0xe7: {  	v7 =	vshll.u32 v7, $0x3;
	v10 =	vor.u32 v1, v6;
	v9 =	vor.u32 v3, v9;
	[sflag:s0] =	ssyncadd.s32 $0xFFFFFC00  }
0xe8: {  	v11 =	vor.u32 v1, v7;
	v10 =	vor.u32 v3, v10;
	_ =	swait.ge [sflag:s0], $0x400  }
0xe9: {  	v4 =	vor.u32 v2, v4;
	v11 =	vor.u32 v3, v11;
	[sflag:s0] =	ssyncset.done $0x0  }
0xea: {  	v4 =	vor.u32 v3, v4;
	v5 =	vor.u32 v2, v5;
	[sflag:s0] =	ssyncadd.s32 $0xFFFFFC00  }
0xeb: {  	v6 =	vor.u32 v2, v6;
	v5 =	vor.u32 v3, v5;
	v8 =	vld.idx.msk [tilespmem:v8+s16+$0x0], $0xffff  }
0xec: {  	v60 =	vmov s12;
	v7 =	vor.u32 v2, v7;
	v6 =	vor.u32 v3, v6;
	v9 =	vld.idx.msk [tilespmem:v9+s16+$0x0], $0xffff  }
0xed: {  	v12 =	vand.u32 $0x1FF, v60;
	v7 =	vor.u32 v3, v7;
	v10 =	vld.idx.msk [tilespmem:v10+s16+$0x0], $0xffff  }
0xee: {  	v61 =	vor.u32 s12, v0;
	v12 =	vor.u32 v0, v12;
	v11 =	vld.idx.msk [tilespmem:v11+s16+$0x0], $0xffff  }
0xef: {  	v14 =	vadd.s32 $0x1E0, v12;
	v4 =	vld.idx.msk [tilespmem:v4+s16+$0x0], $0xffff  }
0xf0: {  	v15 =	vadd.s32 $0x3C0, v12;
	v5 =	vld.idx.msk [tilespmem:v5+s16+$0x0], $0xffff  }
0xf1: {  	v12 =	vadd.s32 $0x5A0, v12;
	v6 =	vld.idx.msk [tilespmem:v6+s16+$0x0], $0xffff  }
0xf2: {  	v7 =	vld.idx.msk [tilespmem:v7+s16+$0x0], $0xffff  }
0xf3: {  	v16 =	vld.idx.msk [tilespmem:v61+s2+$0x0], $0xffff  }
0xf4: {  	v14 =	vld.idx.msk [tilespmem:v14+s2+$0x0], $0xffff  }
0xf5: {  	v15 =	vld.idx.msk [tilespmem:v15+s2+$0x0], $0xffff  }
0xf6: {  	v12 =	vld.idx.msk [tilespmem:v12+s2+$0x0], $0xffff;
	_ =	sdelay $0x1  }
0xf7: {  	v8 =	vmul.f32 v16, v8;
	v4 =	vmul.f32 v16, v4  }
0xf8: {  	v9 =	vmul.f32 v14, v9;
	v5 =	vmul.f32 v14, v5  }
0xf9: {  	v10 =	vmul.f32 v15, v10;
	v6 =	vmul.f32 v15, v6  }
0xfa: {  	v11 =	vmul.f32 v12, v11;
	v7 =	vmul.f32 v12, v7  }
0xfb: {  	s15 =	simm.s32 $0x10;
	s13 =	simm.s32 $0x2;
	v8 =	vadd.f32 v9, v8;
	v4 =	vadd.f32 v5, v4  }
0xfc: {  	s12 =	sand.u32 $0xF80, s15;
	s17 =	sand.u32 $0xE, s13;
	v5 =	vadd.f32 v11, v10;
	v6 =	vadd.f32 v7, v6  }
0xfd: {  	s12 =	sor.u32 s17, s12;
	v7 =	vld.idx.msk [tilespmem:v61+s10+$0x0], $0xffff  }
0xfe: {  	s18 =	sor.u32 $0x40, s12;
	v8 =	vadd.f32 v5, v8;
	v4 =	vadd.f32 v6, v4;
	v5 =	vmov s12  }
0xff: {  	s15 =	sor.u32 $0x20, s12;
	v6 =	vmov s18;
	v10 =	vshll.u32 v5, $0x3  }
0x100: {  	s12 =	sor.u32 $0x60, s12;
	v5 =	vmov s15;
	v63 =	vshll.u32 v6, $0x3;
	v4 =	vsub.f32 v4, v8  }
0x101: {  	v9 =	vor.u32 v1, v10;
	v11 =	vshll.u32 v5, $0x3;
	v5 =	vmov s12  }
0x102: {  	v62 =	vor.u32 v3, v9;
	v6 =	vor.u32 v1, v11;
	v4 =	vmul.f32 v4, v7  }
0x103: {  	v5 =	vshll.u32 v5, $0x3;
	v7 =	vor.u32 v1, v63;
	v9 =	vor.u32 v3, v6  }
0x104: {  	v6 =	vor.u32 v1, v5;
	v7 =	vor.u32 v3, v7;
	v4 =	vadd.f32 v4, v8  }
0x105: {  	s12 =	simm.s32 $0x9600;
	v6 =	vor.u32 v3, v6;
	v8 =	vor.u32 v2, v10  }
0x106: {  	v10 =	vor.u32 v2, v11;
	v8 =	vor.u32 v3, v8;
	[tilespmem:s12+$0x0] =	vst v4  }
0x107: {  	s15 =	simm.s32 $0x20;
	v11 =	vor.u32 v2, v63;
	v10 =	vor.u32 v3, v10;
	v4 =	vld.idx.msk [tilespmem:v62+s16+$0x0], $0xffff  }
.LBB2_5:
0x108: {  	p0 =	sne.s32 s15, $0xEF0;
	v12 =	vmov s13;
	v9 =	vld.idx.msk [tilespmem:v9+s16+$0x0], $0xffff;
	v11 =	vor.u32 v3, v11;
	v5 =	vor.u32 v2, v5  }
0x109: {  	v7 =	vld.idx.msk [tilespmem:v7+s16+$0x0], $0xffff;
	v5 =	vor.u32 v3, v5;
	v12 =	vand.u32 $0x1FF, v12  }
0x10a: {  	v13 =	vor.u32 s13, v0;
	v6 =	vld.idx.msk [tilespmem:v6+s16+$0x0], $0xffff;
	v12 =	vor.u32 v0, v12  }
0x10b: {  	v8 =	vld.idx.msk [tilespmem:v8+s16+$0x0], $0xffff;
	v14 =	vadd.s32 $0x1E0, v12  }
0x10c: {  	v15 =	vadd.s32 $0x3C0, v12;
	v10 =	vld.idx.msk [tilespmem:v10+s16+$0x0], $0xffff  }
0x10d: {  	v12 =	vadd.s32 $0x5A0, v12;
	v11 =	vld.idx.msk [tilespmem:v11+s16+$0x0], $0xffff  }
0x10e: {  	v5 =	vld.idx.msk [tilespmem:v5+s16+$0x0], $0xffff  }
0x10f: {  	v16 =	vld.idx.msk [tilespmem:v13+s2+$0x0], $0xffff  }
0x110: {  	v14 =	vld.idx.msk [tilespmem:v14+s2+$0x0], $0xffff  }
0x111: {  	v15 =	vld.idx.msk [tilespmem:v15+s2+$0x0], $0xffff  }
0x112: {  	v12 =	vld.idx.msk [tilespmem:v12+s2+$0x0], $0xffff;
	_ =	sdelay $0x2  }
0x113: {  	v4 =	vmul.f32 v16, v4;
	v8 =	vmul.f32 v16, v8  }
0x114: {  	v9 =	vmul.f32 v14, v9;
	v10 =	vmul.f32 v14, v10  }
0x115: {  	v7 =	vmul.f32 v15, v7;
	v11 =	vmul.f32 v15, v11  }
0x116: {  	v6 =	vmul.f32 v12, v6;
	v5 =	vmul.f32 v12, v5  }
0x117: {  	s13 =	sadd.s32 $0x2, s13;
	v4 =	vadd.f32 v9, v4;
	v8 =	vadd.f32 v10, v8  }
0x118: {  	s17 =	sand.u32 $0xF80, s15;
	s18 =	sand.u32 $0xE, s13;
	v6 =	vadd.f32 v6, v7;
	v5 =	vadd.f32 v5, v11;
	v9 =	vld.idx.msk [tilespmem:v13+s10+$0x0], $0xffff  }
0x119: {  	s17 =	sor.u32 s18, s17  }
0x11a: {  	s18 =	sor.u32 $0x20, s17;
	v7 =	vmov s17;
	v4 =	vadd.f32 v6, v4;
	v5 =	vadd.f32 v5, v8  }
0x11b: {  	v6 =	vmov s18;
	s18 =	sor.u32 $0x40, s17;
	s17 =	sor.u32 $0x60, s17;
	v8 =	vshll.u32 v7, $0x3  }
0x11c: {  	v7 =	vmov s18;
	v10 =	vmov s17;
	v5 =	vsub.f32 v5, v4  }
0x11d: {  	v11 =	vor.u32 v1, v8;
	v12 =	vshll.u32 v6, $0x3;
	v13 =	vshll.u32 v7, $0x3  }
0x11e: {  	v11 =	vor.u32 v3, v11;
	v6 =	vor.u32 v1, v12;
	v14 =	vmul.f32 v5, v9  }
.Ltmp1:
0x11f: {  	v9 =	vor.u32 v3, v6;
	v6 =	vor.u32 v1, v13;
	v5 =	vshll.u32 v10, $0x3;
	(pc) =	sbr.rel @p0 .LBB2_5-.Ltmp1, $4  }
0x120: {  	v7 =	vor.u32 v3, v6;
	v6 =	vor.u32 v1, v5;
	v4 =	vadd.f32 v14, v4  }
0x121: {  	s12 =	sadd.s32 $0x10, s12;
	v8 =	vor.u32 v2, v8;
	v6 =	vor.u32 v3, v6  }
0x122: {  	v8 =	vor.u32 v3, v8;
	v10 =	vor.u32 v2, v12;
	[tilespmem:s12+$0x0] =	vst v4  }
0x123: {  	s15 =	sadd.s32 $0x10, s15;
	v10 =	vor.u32 v3, v10;
	v4 =	vld.idx.msk [tilespmem:v11+s16+$0x0], $0xffff;
	v11 =	vor.u32 v2, v13  }
0x124: {  	_ =	sdelay $0x3  }
0x125: {  	v12 =	vmov s13;
	v9 =	vld.idx.msk [tilespmem:v9+s16+$0x0], $0xffff;
	v11 =	vor.u32 v3, v11  }
0x126: {  	v5 =	vor.u32 v2, v5;
	v7 =	vld.idx.msk [tilespmem:v7+s16+$0x0], $0xffff;
	v13 =	vor.u32 s13, v0;
	v12 =	vand.u32 $0x1FF, v12  }
0x127: {  	v6 =	vld.idx.msk [tilespmem:v6+s16+$0x0], $0xffff;
	v5 =	vor.u32 v3, v5;
	v12 =	vor.u32 v0, v12  }
0x128: {  	v8 =	vld.idx.msk [tilespmem:v8+s16+$0x0], $0xffff;
	v14 =	vadd.s32 $0x1E0, v12  }
0x129: {  	v10 =	vld.idx.msk [tilespmem:v10+s16+$0x0], $0xffff;
	v15 =	vadd.s32 $0x3C0, v12  }
0x12a: {  	v12 =	vadd.s32 $0x5A0, v12;
	v11 =	vld.idx.msk [tilespmem:v11+s16+$0x0], $0xffff  }
0x12b: {  	v16 =	vld.idx.msk [tilespmem:v13+s2+$0x0], $0xffff  }
0x12c: {  	v5 =	vld.idx.msk [tilespmem:v5+s16+$0x0], $0xffff  }
0x12d: {  	v14 =	vld.idx.msk [tilespmem:v14+s2+$0x0], $0xffff  }
0x12e: {  	v15 =	vld.idx.msk [tilespmem:v15+s2+$0x0], $0xffff  }
0x12f: {  	v12 =	vld.idx.msk [tilespmem:v12+s2+$0x0], $0xffff;
	_ =	sdelay $0x1  }
0x130: {  	v4 =	vmul.f32 v16, v4;
	v8 =	vmul.f32 v16, v8  }
0x131: {  	v9 =	vmul.f32 v14, v9;
	v10 =	vmul.f32 v14, v10  }
0x132: {  	v7 =	vmul.f32 v15, v7;
	v11 =	vmul.f32 v15, v11  }
0x133: {  	v6 =	vmul.f32 v12, v6;
	v5 =	vmul.f32 v12, v5  }
0x134: {  	v4 =	vadd.f32 v9, v4;
	v8 =	vadd.f32 v10, v8  }
0x135: {  	v6 =	vadd.f32 v6, v7;
	v5 =	vadd.f32 v5, v11  }
0x136: {  	v63 =	vld.idx.msk [tilespmem:v13+s10+$0x0], $0xffff  }
0x137: {  	v4 =	vadd.f32 v6, v4;
	v5 =	vadd.f32 v5, v8;
	_ =	sdelay $0x1  }
0x138: {  	v5 =	vsub.f32 v5, v4;
	_ =	sdelay $0x1  }
0x139: {  	s15 =	smul.u32 $0xF0, s3;
	v5 =	vmul.f32 v5, v63;
	_ =	sdelay $0x1  }
0x13a: {  	s3 =	sadd.s32 $0x1, s3;
	s13 =	sadd.s32 s9, s15;
	v4 =	vadd.f32 v5, v4  }
0x13b: {  	s12 =	sadd.s32 $0x10, s12;
	p0 =	sne.s32 s3, $0xA;
	s13 =	sshll.u32 s13, $0x1  }
.Ltmp2:
0x13c: {  	s18 =	simm.s32 $0x0;
	s17 =	sadd.s32 s8, s13;
	[tilespmem:s12+$0x0] =	vst v4;
	(pc) =	sbr.rel @p0 .LBB2_2-.Ltmp2, $4  }
0x13d: {  	[hbm4b:s17+s18] =	stream.linear.scatter [tilespmem:s1], [sflag:$0x2], $0xF00, $0x38;
	[tilespmem:$0xA500] =	vst v63  }
0x13e: {  	_ =	swait.ge [sflag:s11], $0xF00  }
0x13f: {  	[sflag:s11] =	ssyncset.done $0x0  }
0x140: {  	[sflag:s11] =	ssyncadd.s32 $0xFFFFF100  }
0x141: {  	s12 =	rddreg [dreg:$0x4]  }
0x142: {  	s3 =	rddreg [dreg:$0x3];
	s12 =	sadd.s32 $0x1, s12  }
0x143: {  	p0 =	sne.s32 s12, s3  }
.Ltmp3:
0x144: {  	_ = 	snop;
	(pc) =	sbr.rel @p0 .LBB2_1-.Ltmp3, $1  }
0x145: {  	_ =	sdelay $0x3  }
0x146: {  	_ =	sfence.sel $0x180000  }
0x147: {  	[bflag:$0x0] =	sbarrier.arrive $0xFFFF  }
0x148: {  	_ =	strace $0x9000004A  }
0x149: {  	s0 =	stileid.u32;
	[bflag:$0x2] =	sbarrier.arrive $0xFFFF  }
0x14a: {  	p0 =	sne.s32 s0, $0x0;
	s0 =	rddreg [dreg:$0x2]  }
0x14b: {  	s0 =	sadd.s32 @!p0 $0x100000, s0  }
0x14c: {  	[sflag:s0] =	ssyncadd.tile.s32 @!p0 $0x1;
	_ =	shalt  }
.Lfunc_end2:
_tile_overlayer_lowered:
.L_overlay_start_2:
0x14d: {  	(tag) =	ssettag $0x2  }
0x14e: {  	s0 =	rddreg [dreg:$0x0];
	s2 =	stileid.u32  }
0x14f: {  	s1 =	rddreg [dreg:$0x1];
	p0 =	sne.s32 s2, $0x0  }
0x150: {  	s3 =	rddreg [dreg:$0x2];
	[bflag:$0x3] =	sbarrier.arrive $0xFFFF;
	s2 =	simm.s32 @!p0 $0x1C02  }
0x151: {  	[timem:s3], [sflag:s2] =	dma.local @!p0 [hbm:s0], s1  }
0x152: {  	s0 =	simm.s32 @!p0 $0x2  }
0x153: {  	_ =	swait.ge @!p0 [sflag:s0], s1  }
0x154: {  	s1 =	ssub.s32 @!p0 $0x0, s1;
	[sflag:s0] =	ssyncset.done @!p0 $0x0  }
0x155: {  	[sflag:s0] =	ssyncadd.s32 @!p0 s1  }
0x156: {  	[bflag:$0x3] =	sbarrier.arrive $0xFFFF  }
0x157: {  	_ =	shalt  }

</sc_bundles>
